<compile_context>
chip_gen: v7x
topology: tpu7x:2x2x1
jax: 0.10.2.dev20260603
libtpu: 0.0.44.dev20260713+nightly
codegen_flags: <defaults>
</compile_context>

<pallas_src>
import functools

import jax
import jax.numpy as jnp
from jax import lax
from jax.experimental import pallas as pl
from jax.experimental.pallas import tpu as pltpu
from jax.experimental.pallas import tpu_sc as plsc

N = 10000
E = 320000
D = 128
G = 64
NC = 2
NS = 16
CH = 128
NR_T = 80
ER = NC * NS * NR_T
PAD = ER * CH - E
NPAIR = NR_T // 2 - 1
ROWS_T = 632

_MESH = plsc.VectorSubcoreMesh(core_axis_name="c", subcore_axis_name="s")



def _sc_degones_body(x_hbm, ones_hbm, dst_hbm, out_hbm,
                     acc_sh, ones_v, dst_loc, ssem):
    c = lax.axis_index("c")
    s = lax.axis_index("s")
    w = c * NS + s
    r0 = jnp.minimum(s * ROWS_T, N - ROWS_T)
    pltpu.async_copy(x_hbm.at[pl.ds(r0, ROWS_T)], acc_sh.at[pl.ds(r0, ROWS_T)],
                     ssem)
    pltpu.sync_copy(ones_hbm, ones_v)
    pltpu.sync_copy(dst_hbm.at[pl.ds(w * NR_T, NR_T)], dst_loc)
    pltpu.make_async_copy(x_hbm.at[pl.ds(r0, ROWS_T)],
                          acc_sh.at[pl.ds(r0, ROWS_T)], ssem).wait()
    plsc.subcore_barrier()

    def fire(j, carry):
        pltpu.async_copy(ones_v, acc_sh.at[dst_loc.at[j]], ssem, add=True)
        return carry

    lax.fori_loop(0, NR_T, fire, 0)

    def drain(j, carry):
        pltpu.make_async_copy(ones_hbm, ones_v, ssem).wait()
        return carry

    lax.fori_loop(0, NR_T, drain, 0)
    plsc.subcore_barrier()
    pltpu.sync_copy(acc_sh.at[pl.ds(r0, ROWS_T)], out_hbm.at[c, pl.ds(r0, ROWS_T)])


_sc_degones = functools.partial(
    pl.kernel,
    out_type=jax.ShapeDtypeStruct((NC, N, D), jnp.float32),
    mesh=_MESH,
    scratch_types=[
        pltpu.VMEM_SHARED((N, D), jnp.float32),
        pltpu.VMEM((CH, D), jnp.float32),
        pltpu.VMEM((NR_T, CH), jnp.int32),
        pltpu.SemaphoreType.DMA,
    ],
)(_sc_degones_body)


IDXROWS = 48


def _jj(j):
    return jnp.where(j >= IDXROWS, j - IDXROWS, j)


def _sc_scatter_body(m_hbm, src_hbm, dst_hbm, out_hbm,
                     acc_sh, src_loc, dst_loc, rows0, rows1, gsem0, gsem1):
    c = lax.axis_index("c")
    s = lax.axis_index("s")
    w = c * NS + s
    r0 = jnp.minimum(s * ROWS_T, N - ROWS_T)
    pltpu.async_copy(m_hbm.at[pl.ds(r0, ROWS_T)], acc_sh.at[pl.ds(r0, ROWS_T)],
                     gsem0)
    eb = w * NR_T
    pltpu.sync_copy(src_hbm.at[pl.ds(eb, IDXROWS)], src_loc)
    pltpu.sync_copy(dst_hbm.at[pl.ds(eb, IDXROWS)], dst_loc)
    pltpu.make_async_copy(m_hbm.at[pl.ds(r0, ROWS_T)],
                          acc_sh.at[pl.ds(r0, ROWS_T)], gsem0).wait()
    plsc.subcore_barrier()

    pltpu.async_copy(m_hbm.at[src_loc.at[0]], rows0, gsem0)
    pltpu.async_copy(m_hbm.at[src_loc.at[1]], rows1, gsem1)

    def pair(p, carry):
        j = 2 * p
        pltpu.make_async_copy(m_hbm.at[src_loc.at[_jj(j)]], rows0, gsem0).wait()
        pltpu.sync_copy(rows0, acc_sh.at[dst_loc.at[_jj(j)]], add=True)

        @pl.when(p == 21)
        def _():
            pltpu.sync_copy(src_hbm.at[pl.ds(eb + IDXROWS, NR_T - IDXROWS)],
                            src_loc.at[pl.ds(0, NR_T - IDXROWS)])
            pltpu.sync_copy(dst_hbm.at[pl.ds(eb + IDXROWS, NR_T - IDXROWS)],
                            dst_loc.at[pl.ds(0, NR_T - IDXROWS)])

        pltpu.async_copy(m_hbm.at[src_loc.at[_jj(j + 2)]], rows0, gsem0)
        pltpu.make_async_copy(m_hbm.at[src_loc.at[_jj(j + 1)]], rows1, gsem1).wait()
        pltpu.sync_copy(rows1, acc_sh.at[dst_loc.at[_jj(j + 1)]], add=True)
        pltpu.async_copy(m_hbm.at[src_loc.at[_jj(j + 3)]], rows1, gsem1)
        return carry

    lax.fori_loop(0, NPAIR, pair, 0)
    j = 2 * NPAIR
    pltpu.make_async_copy(m_hbm.at[src_loc.at[_jj(j)]], rows0, gsem0).wait()
    pltpu.sync_copy(rows0, acc_sh.at[dst_loc.at[_jj(j)]], add=True)
    pltpu.make_async_copy(m_hbm.at[src_loc.at[_jj(j + 1)]], rows1, gsem1).wait()
    pltpu.sync_copy(rows1, acc_sh.at[dst_loc.at[_jj(j + 1)]], add=True)
    plsc.subcore_barrier()
    pltpu.sync_copy(acc_sh.at[pl.ds(r0, ROWS_T)], out_hbm.at[c, pl.ds(r0, ROWS_T)])


_sc_scatter = functools.partial(
    pl.kernel,
    out_type=jax.ShapeDtypeStruct((NC, N, D), jnp.float32),
    mesh=_MESH,
    scratch_types=[
        pltpu.VMEM_SHARED((N, D), jnp.float32),
        pltpu.VMEM((IDXROWS, CH), jnp.int32),
        pltpu.VMEM((IDXROWS, CH), jnp.int32),
        pltpu.VMEM((CH, D), jnp.float32),
        pltpu.VMEM((CH, D), jnp.float32),
        pltpu.SemaphoreType.DMA,
        pltpu.SemaphoreType.DMA,
    ],
)(_sc_scatter_body)



RB = 2000
GRID = N // RB


def _pad_mask(i):
    rows = lax.broadcasted_iota(jnp.int32, (RB, 1), 0) + i * RB
    return (rows < PAD).astype(jnp.float32)


def _tc_enc_body(degp_ref, x_ref, we_ref, be_ref, w0_ref, m0_ref, dinv_ref):
    i = pl.program_id(0)
    deg = (degp_ref[0, :, 0] + degp_ref[1, :, 0] - 2.0 * x_ref[:, 0] + 1.0
           - _pad_mask(i)[:, 0])
    dinv = lax.rsqrt(deg)[:, None]
    h = jnp.dot(x_ref[...], we_ref[...], preferred_element_type=jnp.float32)
    h = h + be_ref[...]
    m0_ref[...] = dinv * jnp.dot(h, w0_ref[...], preferred_element_type=jnp.float32)
    dinv_ref[...] = dinv


def _tc_enc(degp, x, W_enc, b_enc, W0):
    return pl.pallas_call(
        _tc_enc_body,
        grid=(GRID,),
        in_specs=[
            pl.BlockSpec((NC, RB, D), lambda i: (0, i, 0)),
            pl.BlockSpec((RB, D), lambda i: (i, 0)),
            pl.BlockSpec((D, D), lambda i: (0, 0)),
            pl.BlockSpec((1, D), lambda i: (0, 0)),
            pl.BlockSpec((D, D), lambda i: (0, 0)),
        ],
        out_specs=[
            pl.BlockSpec((RB, D), lambda i: (i, 0)),
            pl.BlockSpec((RB, 1), lambda i: (i, 0)),
        ],
        out_shape=[
            jax.ShapeDtypeStruct((N, D), jnp.float32),
            jax.ShapeDtypeStruct((N, 1), jnp.float32),
        ],
    )(degp, x, W_enc, b_enc.reshape(1, D), W0)


def _tc_mid_body(accp_ref, mprev_ref, dinv_ref, b_ref, wn_ref, mnext_ref):
    i = pl.program_id(0)
    acc = (accp_ref[0] + accp_ref[1]
           - (1.0 + _pad_mask(i)) * mprev_ref[...])
    pre = dinv_ref[...] * acc + b_ref[...]
    h = pre * jax.nn.sigmoid(pre)
    mnext_ref[...] = dinv_ref[...] * jnp.dot(
        h, wn_ref[...], preferred_element_type=jnp.float32)


def _tc_mid(accp, m_prev, dinv, b, W_next):
    return pl.pallas_call(
        _tc_mid_body,
        grid=(GRID,),
        in_specs=[
            pl.BlockSpec((NC, RB, D), lambda i: (0, i, 0)),
            pl.BlockSpec((RB, D), lambda i: (i, 0)),
            pl.BlockSpec((RB, 1), lambda i: (i, 0)),
            pl.BlockSpec((1, D), lambda i: (0, 0)),
            pl.BlockSpec((D, D), lambda i: (0, 0)),
        ],
        out_specs=pl.BlockSpec((RB, D), lambda i: (i, 0)),
        out_shape=jax.ShapeDtypeStruct((N, D), jnp.float32),
    )(accp, m_prev, dinv, b.reshape(1, D), W_next)


def _tc_final_body(accp_ref, mprev_ref, dinv_ref, b_ref, batch_ref, wro_ref,
                   bro_ref, out_ref, pooled_scr):
    i = pl.program_id(0)

    @pl.when(i == 0)
    def _():
        pooled_scr[...] = jnp.zeros_like(pooled_scr)

    acc = (accp_ref[0] + accp_ref[1]
           - (1.0 + _pad_mask(i)) * mprev_ref[...])
    pre = dinv_ref[...] * acc + b_ref[...]
    h = pre * jax.nn.sigmoid(pre)
    onehot = (batch_ref[...] ==
              lax.broadcasted_iota(jnp.int32, (RB, G), 1)).astype(jnp.float32)
    pooled_scr[...] += lax.dot_general(
        onehot, h, (((0,), (0,)), ((), ())), preferred_element_type=jnp.float32)

    @pl.when(i == GRID - 1)
    def _():
        out = jnp.dot(pooled_scr[...], wro_ref[...],
                      preferred_element_type=jnp.float32) + bro_ref[...]
        out_ref[...] = jnp.maximum(out, 0.0)


def _tc_final(accp, m_prev, dinv, b, batch2d, W_ro, b_ro):
    C = W_ro.shape[1]
    return pl.pallas_call(
        _tc_final_body,
        grid=(GRID,),
        in_specs=[
            pl.BlockSpec((NC, RB, D), lambda i: (0, i, 0)),
            pl.BlockSpec((RB, D), lambda i: (i, 0)),
            pl.BlockSpec((RB, 1), lambda i: (i, 0)),
            pl.BlockSpec((1, D), lambda i: (0, 0)),
            pl.BlockSpec((RB, 1), lambda i: (i, 0)),
            pl.BlockSpec((D, C), lambda i: (0, 0)),
            pl.BlockSpec((1, C), lambda i: (0, 0)),
        ],
        out_specs=pl.BlockSpec((G, C), lambda i: (0, 0)),
        out_shape=jax.ShapeDtypeStruct((G, C), jnp.float32),
        scratch_shapes=[pltpu.VMEM((G, D), jnp.float32)],
    )(accp, m_prev, dinv, b.reshape(1, D), batch2d, W_ro, b_ro.reshape(1, C))



def kernel(x, edge_index, batch, W_enc, b_enc, W_convs, b_convs, W_ro, b_ro):
    padk = jnp.arange(PAD, dtype=jnp.int32)
    src = jnp.concatenate([edge_index[0], padk]).reshape(ER, CH)
    dst = jnp.concatenate([edge_index[1], padk]).reshape(ER, CH)
    ones = jnp.ones((CH, D), jnp.float32)
    degp = _sc_degones(x, ones, dst)
    m, dinv = _tc_enc(degp, x, W_enc, b_enc, W_convs[0])
    for i in range(W_convs.shape[0]):
        accp = _sc_scatter(m, src, dst)
        if i < W_convs.shape[0] - 1:
            m = _tc_mid(accp, m, dinv, b_convs[i], W_convs[i + 1])
    return _tc_final(accp, m, dinv, b_convs[-1], batch.reshape(N, 1), W_ro, b_ro)

# --- scband reference (transcript-rebuilt; emitter-appended) ---
"""Pipeline reference for scband-gcn-53145925321056 (READ-ONLY COPY).

The authoritative reference and input builder live on the scoring server;
editing this copy changes nothing except your own understanding.
"""

import jax, jax.numpy as jnp
import numpy as np

N = 10000
E = 320000
D = 128
G = 64
C = 10
L = 3


def setup_inputs(seed: int = 0) -> dict:
    key = jax.random.key(seed)
    ks = jax.random.split(key, 12)
    x = jax.random.normal(ks[0], (N, D), dtype=jnp.float32)
    edge_index = jax.random.randint(ks[1], (2, E), 0, N, dtype=jnp.int32)
    batch = jnp.sort(jax.random.randint(ks[2], (N,), 0, G, dtype=jnp.int32))
    s = 1.0 / np.sqrt(D)
    W_enc = jax.random.uniform(ks[3], (D, D), jnp.float32, -s, s)
    b_enc = jnp.zeros((D,), jnp.float32)
    W_convs = jax.random.uniform(ks[4], (L, D, D), jnp.float32, -s, s)
    b_convs = jnp.zeros((L, D), jnp.float32)
    W_ro = jax.random.uniform(ks[5], (D, C), jnp.float32, -s, s)
    b_ro = jnp.zeros((C,), jnp.float32)
    return {"x": x, "edge_index": edge_index, "batch": batch, "W_enc": W_enc, "b_enc": b_enc, "W_convs": W_convs, "b_convs": b_convs, "W_ro": W_ro, "b_ro": b_ro}


def reference(x, edge_index, batch, W_enc, b_enc, W_convs, b_convs, W_ro, b_ro):
    n = x.shape[0]
    # atom_encoder (Linear, ogb_encoders=False)
    h = x @ W_enc + b_enc
    # GCN normalization with added self-loops (GCNConv default)
    src = edge_index[0]
    dst = edge_index[1]
    loop = jnp.arange(n, dtype=src.dtype)
    src_f = jnp.concatenate([src, loop])
    dst_f = jnp.concatenate([dst, loop])
    deg = jax.ops.segment_sum(jnp.ones_like(dst_f, dtype=jnp.float32), dst_f, num_segments=n)
    dinv = jnp.where(deg > 0, jax.lax.rsqrt(deg), 0.0)
    norm = dinv[src_f] * dinv[dst_f]
    for i in range(L):
        m = h @ W_convs[i]
        msg = jnp.take(m, src_f, axis=0) * norm[:, None]
        h = jax.ops.segment_sum(msg, dst_f, num_segments=n) + b_convs[i]
        h = jax.nn.silu(h)
        # dropout p=0.0 -> identity
    pooled = jax.ops.segment_sum(h, batch, num_segments=G)
    out = jax.nn.relu(pooled @ W_ro + b_ro)
    return out

if __name__ == "__main__":
    import jax
    _d = setup_inputs()
    print(jax.jit(kernel)(*tuple(_d.values())))

</pallas_src>

<mosaic_0001>
#map = affine_map<(d0, d1) -> (0, 0)>
#map1 = affine_map<(d0, d1) -> (0, 0, 0)>
module attributes {stable_mosaic.version = 14 : i64} {
  func.func @_sc_degones_body(%arg0: i32, %arg1: i32, %arg2: memref<10000x128xf32, #tpu.memory_space<hbm>>, %arg3: memref<128x128xf32, #tpu.memory_space<hbm>>, %arg4: memref<2560x128xi32, #tpu.memory_space<hbm>>, %arg5: memref<2x10000x128xf32, #tpu.memory_space<hbm>>, %arg6: memref<10000x128xf32, #tpu.memory_space<vmem_shared>>, %arg7: memref<128x128xf32, #tpu.memory_space<vmem>>, %arg8: memref<80x128xi32, #tpu.memory_space<vmem>>, %arg9: memref<!tpu.dma_semaphore, #tpu.memory_space<semaphore_mem>>) attributes {dimension_semantics = [#tpu.dimension_semantics<core_parallel>, #tpu.dimension_semantics<subcore_parallel>], iteration_bounds = array<i64: 2, 16>, scalar_prefetch = 0 : i64, scratch_operands = 4 : i64, tpu.core_type = #tpu.core_type<sc_vector_subcore>, window_params = [{transform_indices = #map}, {transform_indices = #map}, {transform_indices = #map}, {transform_indices = #map1}]} {
    %mul3A = arith.constant 16 : i32
    %mul3A_0 = arith.muli %arg0, %mul3A : i32
    %add3A = arith.addi %mul3A_0, %arg1 : i32
    %mul3A_1 = arith.constant 632 : i32
    %mul3A_2 = arith.muli %arg1, %mul3A_1 : i32
    %min3A = arith.constant 9368 : i32
    %min3A_3 = arith.minsi %mul3A_2, %min3A : i32
    %dma_start3A = arith.constant 0 : i32
    %dma_start3A_4 = tpu.memref_slice %arg6[%min3A_3, %dma_start3A] : memref<10000x128xf32, #tpu.memory_space<vmem_shared>> -> memref<632x128xf32, #tpu.memory_space<vmem_shared>>
    %dma_start3A_5 = arith.constant 0 : i32
    %dma_start3A_6 = tpu.memref_slice %arg2[%min3A_3, %dma_start3A_5] : memref<10000x128xf32, #tpu.memory_space<hbm>> -> memref<632x128xf32, #tpu.memory_space<hbm>>
    tpu.enqueue_dma source(%dma_start3A_6 : memref<632x128xf32, #tpu.memory_space<hbm>>) target(%dma_start3A_4 : memref<632x128xf32, #tpu.memory_space<vmem_shared>>) target_semaphore(%arg9 : memref<!tpu.dma_semaphore, #tpu.memory_space<semaphore_mem>>)
    "tpu.region"() ({
      %run_scoped3A = tpu.sem_alloc : memref<!tpu.dma_semaphore, #tpu.memory_space<semaphore_mem>>
      tpu.enqueue_dma source(%arg3 : memref<128x128xf32, #tpu.memory_space<hbm>>) target(%arg7 : memref<128x128xf32, #tpu.memory_space<vmem>>) target_semaphore(%run_scoped3A : memref<!tpu.dma_semaphore, #tpu.memory_space<semaphore_mem>>)
      tpu.wait_dma2 semaphore(%run_scoped3A : memref<!tpu.dma_semaphore, #tpu.memory_space<semaphore_mem>>) src(%arg3 : memref<128x128xf32, #tpu.memory_space<hbm>>) dst(%arg7 : memref<128x128xf32, #tpu.memory_space<vmem>>)
      tpu.yield
    }) : () -> ()
    %mul3A_7 = arith.constant 80 : i32
    %mul3A_8 = arith.muli %add3A, %mul3A_7 : i32
    "tpu.region"() ({
      %run_scoped3A = tpu.sem_alloc : memref<!tpu.dma_semaphore, #tpu.memory_space<semaphore_mem>>
      %dma_start3A_24 = arith.constant 0 : i32
      %dma_start3A_25 = tpu.memref_slice %arg4[%mul3A_8, %dma_start3A_24] : memref<2560x128xi32, #tpu.memory_space<hbm>> -> memref<80x128xi32, #tpu.memory_space<hbm>>
      %dma_start3A_26 = arith.constant 0 : i32
      %dma_start3A_27 = tpu.memref_slice %arg4[%mul3A_8, %dma_start3A_26] : memref<2560x128xi32, #tpu.memory_space<hbm>> -> memref<80x128xi32, #tpu.memory_space<hbm>>
      tpu.enqueue_dma source(%dma_start3A_27 : memref<80x128xi32, #tpu.memory_space<hbm>>) target(%arg8 : memref<80x128xi32, #tpu.memory_space<vmem>>) target_semaphore(%run_scoped3A : memref<!tpu.dma_semaphore, #tpu.memory_space<semaphore_mem>>)
      %dma_wait3A_28 = arith.constant 0 : i32
      %dma_wait3A_29 = tpu.memref_slice %arg4[%mul3A_8, %dma_wait3A_28] : memref<2560x128xi32, #tpu.memory_space<hbm>> -> memref<80x128xi32, #tpu.memory_space<hbm>>
      %dma_wait3A_30 = arith.constant 0 : i32
      %dma_wait3A_31 = tpu.memref_slice %arg4[%mul3A_8, %dma_wait3A_30] : memref<2560x128xi32, #tpu.memory_space<hbm>> -> memref<80x128xi32, #tpu.memory_space<hbm>>
      tpu.wait_dma2 semaphore(%run_scoped3A : memref<!tpu.dma_semaphore, #tpu.memory_space<semaphore_mem>>) src(%dma_wait3A_31 : memref<80x128xi32, #tpu.memory_space<hbm>>) dst(%arg8 : memref<80x128xi32, #tpu.memory_space<vmem>>)
      tpu.yield
    }) : () -> ()
    %dma_wait3A = arith.constant 0 : i32
    %dma_wait3A_9 = tpu.memref_slice %arg6[%min3A_3, %dma_wait3A] : memref<10000x128xf32, #tpu.memory_space<vmem_shared>> -> memref<632x128xf32, #tpu.memory_space<vmem_shared>>
    %dma_wait3A_10 = arith.constant 0 : i32
    %dma_wait3A_11 = tpu.memref_slice %arg2[%min3A_3, %dma_wait3A_10] : memref<10000x128xf32, #tpu.memory_space<hbm>> -> memref<632x128xf32, #tpu.memory_space<hbm>>
    tpu.wait_dma2 semaphore(%arg9 : memref<!tpu.dma_semaphore, #tpu.memory_space<semaphore_mem>>) src(%dma_wait3A_11 : memref<632x128xf32, #tpu.memory_space<hbm>>) dst(%dma_wait3A_9 : memref<632x128xf32, #tpu.memory_space<vmem_shared>>)
    %barrier3A = arith.constant 0 : index
    tpu.barrier barrier_id(%barrier3A)
    %scan3A = arith.constant 0 : i32
    %scan3A_12 = arith.constant 0 : i32
    %scan3A_13 = arith.constant 80 : i32
    %scan3A_14 = arith.addi %scan3A_12, %scan3A_13 : i32
    %scan3A_15 = arith.constant 1 : i32
    scf.for %scan3A_24 = %scan3A_12 to %scan3A_14 step %scan3A_15  : i32 {
      %dma_start3A_25 = arith.constant 0 : i32
      %dma_start3A_26 = tpu.memref_slice %arg8[%scan3A_24, %dma_start3A_25] : memref<80x128xi32, #tpu.memory_space<vmem>> -> memref<1x128xi32, #tpu.memory_space<vmem>>
      %dma_start3A_27 = tpu.memref_squeeze %dma_start3A_26 : memref<1x128xi32, #tpu.memory_space<vmem>> -> memref<128xi32, #tpu.memory_space<vmem>>
      %dma_start3A_28 = arith.constant 0 : i32
      %dma_start3A_29 = arith.constant 0 : i32
      %dma_start3A_30 = tpu.memref_slice %arg6[%dma_start3A_28, %dma_start3A_29] : memref<10000x128xf32, #tpu.memory_space<vmem_shared>> -> memref<10000x128xf32, #tpu.memory_space<vmem_shared>>
      tpu.enqueue_indirect_dma source(%arg7 : memref<128x128xf32, #tpu.memory_space<vmem>>) target(%dma_start3A_30 : memref<10000x128xf32, #tpu.memory_space<vmem_shared>>) offsets(%dma_start3A_27 : memref<128xi32, #tpu.memory_space<vmem>>) semaphore(%arg9 : memref<!tpu.dma_semaphore, #tpu.memory_space<semaphore_mem>>) {add = true}
    }
    %scan3A_16 = arith.constant 80 : i32
    %scan3A_17 = arith.constant 0 : i32
    %scan3A_18 = arith.constant 0 : i32
    %scan3A_19 = arith.constant 80 : i32
    %scan3A_20 = arith.addi %scan3A_18, %scan3A_19 : i32
    %scan3A_21 = arith.constant 1 : i32
    scf.for %scan3A_24 = %scan3A_18 to %scan3A_20 step %scan3A_21  : i32 {
      tpu.wait_dma2 semaphore(%arg9 : memref<!tpu.dma_semaphore, #tpu.memory_space<semaphore_mem>>) src(%arg3 : memref<128x128xf32, #tpu.memory_space<hbm>>) dst(%arg7 : memref<128x128xf32, #tpu.memory_space<vmem>>)
    }
    %scan3A_22 = arith.constant 80 : i32
    %barrier3A_23 = arith.constant 0 : index
    tpu.barrier barrier_id(%barrier3A_23)
    "tpu.region"() ({
      %run_scoped3A = tpu.sem_alloc : memref<!tpu.dma_semaphore, #tpu.memory_space<semaphore_mem>>
      %dma_start3A_24 = arith.constant 0 : i32
      %dma_start3A_25 = tpu.memref_slice %arg5[%arg0, %min3A_3, %dma_start3A_24] : memref<2x10000x128xf32, #tpu.memory_space<hbm>> -> memref<1x632x128xf32, #tpu.memory_space<hbm>>
      %dma_start3A_26 = tpu.memref_squeeze %dma_start3A_25 : memref<1x632x128xf32, #tpu.memory_space<hbm>> -> memref<632x128xf32, #tpu.memory_space<hbm>>
      %dma_start3A_27 = arith.constant 0 : i32
      %dma_start3A_28 = tpu.memref_slice %arg6[%min3A_3, %dma_start3A_27] : memref<10000x128xf32, #tpu.memory_space<vmem_shared>> -> memref<632x128xf32, #tpu.memory_space<vmem_shared>>
      tpu.enqueue_dma source(%dma_start3A_28 : memref<632x128xf32, #tpu.memory_space<vmem_shared>>) target(%dma_start3A_26 : memref<632x128xf32, #tpu.memory_space<hbm>>) target_semaphore(%run_scoped3A : memref<!tpu.dma_semaphore, #tpu.memory_space<semaphore_mem>>)
      %dma_wait3A_29 = arith.constant 0 : i32
      %dma_wait3A_30 = tpu.memref_slice %arg5[%arg0, %min3A_3, %dma_wait3A_29] : memref<2x10000x128xf32, #tpu.memory_space<hbm>> -> memref<1x632x128xf32, #tpu.memory_space<hbm>>
      %dma_wait3A_31 = tpu.memref_squeeze %dma_wait3A_30 : memref<1x632x128xf32, #tpu.memory_space<hbm>> -> memref<632x128xf32, #tpu.memory_space<hbm>>
      %dma_wait3A_32 = arith.constant 0 : i32
      %dma_wait3A_33 = tpu.memref_slice %arg6[%min3A_3, %dma_wait3A_32] : memref<10000x128xf32, #tpu.memory_space<vmem_shared>> -> memref<632x128xf32, #tpu.memory_space<vmem_shared>>
      tpu.wait_dma2 semaphore(%run_scoped3A : memref<!tpu.dma_semaphore, #tpu.memory_space<semaphore_mem>>) src(%dma_wait3A_33 : memref<632x128xf32, #tpu.memory_space<vmem_shared>>) dst(%dma_wait3A_31 : memref<632x128xf32, #tpu.memory_space<hbm>>)
      tpu.yield
    }) : () -> ()
    return
  }
}

#map = affine_map<(d0, d1) -> (0, 0)>
#map1 = affine_map<(d0, d1) -> (0, 0, 0)>
module attributes {stable_mosaic.version = 14 : i64} {
  func.func @_sc_scatter_body(%arg0: i32, %arg1: i32, %arg2: memref<10000x128xf32, #tpu.memory_space<hbm>>, %arg3: memref<2560x128xi32, #tpu.memory_space<hbm>>, %arg4: memref<2560x128xi32, #tpu.memory_space<hbm>>, %arg5: memref<2x10000x128xf32, #tpu.memory_space<hbm>>, %arg6: memref<10000x128xf32, #tpu.memory_space<vmem_shared>>, %arg7: memref<48x128xi32, #tpu.memory_space<vmem>>, %arg8: memref<48x128xi32, #tpu.memory_space<vmem>>, %arg9: memref<128x128xf32, #tpu.memory_space<vmem>>, %arg10: memref<128x128xf32, #tpu.memory_space<vmem>>, %arg11: memref<!tpu.dma_semaphore, #tpu.memory_space<semaphore_mem>>, %arg12: memref<!tpu.dma_semaphore, #tpu.memory_space<semaphore_mem>>) attributes {dimension_semantics = [#tpu.dimension_semantics<core_parallel>, #tpu.dimension_semantics<subcore_parallel>], iteration_bounds = array<i64: 2, 16>, scalar_prefetch = 0 : i64, scratch_operands = 7 : i64, tpu.core_type = #tpu.core_type<sc_vector_subcore>, window_params = [{transform_indices = #map}, {transform_indices = #map}, {transform_indices = #map}, {transform_indices = #map1}]} {
    %mul3A = arith.constant 16 : i32
    %mul3A_0 = arith.muli %arg0, %mul3A : i32
    %add3A = arith.addi %mul3A_0, %arg1 : i32
    %mul3A_1 = arith.constant 632 : i32
    %mul3A_2 = arith.muli %arg1, %mul3A_1 : i32
    %min3A = arith.constant 9368 : i32
    %min3A_3 = arith.minsi %mul3A_2, %min3A : i32
    %dma_start3A = arith.constant 0 : i32
    %dma_start3A_4 = tpu.memref_slice %arg6[%min3A_3, %dma_start3A] : memref<10000x128xf32, #tpu.memory_space<vmem_shared>> -> memref<632x128xf32, #tpu.memory_space<vmem_shared>>
    %dma_start3A_5 = arith.constant 0 : i32
    %dma_start3A_6 = tpu.memref_slice %arg2[%min3A_3, %dma_start3A_5] : memref<10000x128xf32, #tpu.memory_space<hbm>> -> memref<632x128xf32, #tpu.memory_space<hbm>>
    tpu.enqueue_dma source(%dma_start3A_6 : memref<632x128xf32, #tpu.memory_space<hbm>>) target(%dma_start3A_4 : memref<632x128xf32, #tpu.memory_space<vmem_shared>>) target_semaphore(%arg11 : memref<!tpu.dma_semaphore, #tpu.memory_space<semaphore_mem>>)
    %mul3A_7 = arith.constant 80 : i32
    %mul3A_8 = arith.muli %add3A, %mul3A_7 : i32
    "tpu.region"() ({
      %run_scoped3A = tpu.sem_alloc : memref<!tpu.dma_semaphore, #tpu.memory_space<semaphore_mem>>
      %dma_start3A_58 = arith.constant 0 : i32
      %dma_start3A_59 = tpu.memref_slice %arg3[%mul3A_8, %dma_start3A_58] : memref<2560x128xi32, #tpu.memory_space<hbm>> -> memref<48x128xi32, #tpu.memory_space<hbm>>
      %dma_start3A_60 = arith.constant 0 : i32
      %dma_start3A_61 = tpu.memref_slice %arg3[%mul3A_8, %dma_start3A_60] : memref<2560x128xi32, #tpu.memory_space<hbm>> -> memref<48x128xi32, #tpu.memory_space<hbm>>
      tpu.enqueue_dma source(%dma_start3A_61 : memref<48x128xi32, #tpu.memory_space<hbm>>) target(%arg7 : memref<48x128xi32, #tpu.memory_space<vmem>>) target_semaphore(%run_scoped3A : memref<!tpu.dma_semaphore, #tpu.memory_space<semaphore_mem>>)
      %dma_wait3A_62 = arith.constant 0 : i32
      %dma_wait3A_63 = tpu.memref_slice %arg3[%mul3A_8, %dma_wait3A_62] : memref<2560x128xi32, #tpu.memory_space<hbm>> -> memref<48x128xi32, #tpu.memory_space<hbm>>
      %dma_wait3A_64 = arith.constant 0 : i32
      %dma_wait3A_65 = tpu.memref_slice %arg3[%mul3A_8, %dma_wait3A_64] : memref<2560x128xi32, #tpu.memory_space<hbm>> -> memref<48x128xi32, #tpu.memory_space<hbm>>
      tpu.wait_dma2 semaphore(%run_scoped3A : memref<!tpu.dma_semaphore, #tpu.memory_space<semaphore_mem>>) src(%dma_wait3A_65 : memref<48x128xi32, #tpu.memory_space<hbm>>) dst(%arg7 : memref<48x128xi32, #tpu.memory_space<vmem>>)
      tpu.yield
    }) : () -> ()
    "tpu.region"() ({
      %run_scoped3A = tpu.sem_alloc : memref<!tpu.dma_semaphore, #tpu.memory_space<semaphore_mem>>
      %dma_start3A_58 = arith.constant 0 : i32
      %dma_start3A_59 = tpu.memref_slice %arg4[%mul3A_8, %dma_start3A_58] : memref<2560x128xi32, #tpu.memory_space<hbm>> -> memref<48x128xi32, #tpu.memory_space<hbm>>
      %dma_start3A_60 = arith.constant 0 : i32
      %dma_start3A_61 = tpu.memref_slice %arg4[%mul3A_8, %dma_start3A_60] : memref<2560x128xi32, #tpu.memory_space<hbm>> -> memref<48x128xi32, #tpu.memory_space<hbm>>
      tpu.enqueue_dma source(%dma_start3A_61 : memref<48x128xi32, #tpu.memory_space<hbm>>) target(%arg8 : memref<48x128xi32, #tpu.memory_space<vmem>>) target_semaphore(%run_scoped3A : memref<!tpu.dma_semaphore, #tpu.memory_space<semaphore_mem>>)
      %dma_wait3A_62 = arith.constant 0 : i32
      %dma_wait3A_63 = tpu.memref_slice %arg4[%mul3A_8, %dma_wait3A_62] : memref<2560x128xi32, #tpu.memory_space<hbm>> -> memref<48x128xi32, #tpu.memory_space<hbm>>
      %dma_wait3A_64 = arith.constant 0 : i32
      %dma_wait3A_65 = tpu.memref_slice %arg4[%mul3A_8, %dma_wait3A_64] : memref<2560x128xi32, #tpu.memory_space<hbm>> -> memref<48x128xi32, #tpu.memory_space<hbm>>
      tpu.wait_dma2 semaphore(%run_scoped3A : memref<!tpu.dma_semaphore, #tpu.memory_space<semaphore_mem>>) src(%dma_wait3A_65 : memref<48x128xi32, #tpu.memory_space<hbm>>) dst(%arg8 : memref<48x128xi32, #tpu.memory_space<vmem>>)
      tpu.yield
    }) : () -> ()
    %dma_wait3A = arith.constant 0 : i32
    %dma_wait3A_9 = tpu.memref_slice %arg6[%min3A_3, %dma_wait3A] : memref<10000x128xf32, #tpu.memory_space<vmem_shared>> -> memref<632x128xf32, #tpu.memory_space<vmem_shared>>
    %dma_wait3A_10 = arith.constant 0 : i32
    %dma_wait3A_11 = tpu.memref_slice %arg2[%min3A_3, %dma_wait3A_10] : memref<10000x128xf32, #tpu.memory_space<hbm>> -> memref<632x128xf32, #tpu.memory_space<hbm>>
    tpu.wait_dma2 semaphore(%arg11 : memref<!tpu.dma_semaphore, #tpu.memory_space<semaphore_mem>>) src(%dma_wait3A_11 : memref<632x128xf32, #tpu.memory_space<hbm>>) dst(%dma_wait3A_9 : memref<632x128xf32, #tpu.memory_space<vmem_shared>>)
    %barrier3A = arith.constant 0 : index
    tpu.barrier barrier_id(%barrier3A)
    %dma_start3A_12 = arith.constant 0 : i32
    %dma_start3A_13 = arith.constant 0 : i32
    %dma_start3A_14 = tpu.memref_slice %arg7[%dma_start3A_12, %dma_start3A_13] : memref<48x128xi32, #tpu.memory_space<vmem>> -> memref<1x128xi32, #tpu.memory_space<vmem>>
    %dma_start3A_15 = tpu.memref_squeeze %dma_start3A_14 : memref<1x128xi32, #tpu.memory_space<vmem>> -> memref<128xi32, #tpu.memory_space<vmem>>
    %dma_start3A_16 = arith.constant 0 : i32
    %dma_start3A_17 = arith.constant 0 : i32
    %dma_start3A_18 = tpu.memref_slice %arg2[%dma_start3A_16, %dma_start3A_17] : memref<10000x128xf32, #tpu.memory_space<hbm>> -> memref<10000x128xf32, #tpu.memory_space<hbm>>
    tpu.enqueue_indirect_dma source(%dma_start3A_18 : memref<10000x128xf32, #tpu.memory_space<hbm>>) target(%arg9 : memref<128x128xf32, #tpu.memory_space<vmem>>) offsets(%dma_start3A_15 : memref<128xi32, #tpu.memory_space<vmem>>) semaphore(%arg11 : memref<!tpu.dma_semaphore, #tpu.memory_space<semaphore_mem>>)
    %dma_start3A_19 = arith.constant 1 : i32
    %dma_start3A_20 = arith.constant 0 : i32
    %dma_start3A_21 = tpu.memref_slice %arg7[%dma_start3A_19, %dma_start3A_20] : memref<48x128xi32, #tpu.memory_space<vmem>> -> memref<1x128xi32, #tpu.memory_space<vmem>>
    %dma_start3A_22 = tpu.memref_squeeze %dma_start3A_21 : memref<1x128xi32, #tpu.memory_space<vmem>> -> memref<128xi32, #tpu.memory_space<vmem>>
    %dma_start3A_23 = arith.constant 0 : i32
    %dma_start3A_24 = arith.constant 0 : i32
    %dma_start3A_25 = tpu.memref_slice %arg2[%dma_start3A_23, %dma_start3A_24] : memref<10000x128xf32, #tpu.memory_space<hbm>> -> memref<10000x128xf32, #tpu.memory_space<hbm>>
    tpu.enqueue_indirect_dma source(%dma_start3A_25 : memref<10000x128xf32, #tpu.memory_space<hbm>>) target(%arg10 : memref<128x128xf32, #tpu.memory_space<vmem>>) offsets(%dma_start3A_22 : memref<128xi32, #tpu.memory_space<vmem>>) semaphore(%arg12 : memref<!tpu.dma_semaphore, #tpu.memory_space<semaphore_mem>>)
    %scan3A = arith.constant 0 : i32
    %scan3A_26 = arith.constant 0 : i32
    %scan3A_27 = arith.constant 39 : i32
    %scan3A_28 = arith.addi %scan3A_26, %scan3A_27 : i32
    %scan3A_29 = arith.constant 1 : i32
    scf.for %scan3A_58 = %scan3A_26 to %scan3A_28 step %scan3A_29  : i32 {
      %mul3A_59 = arith.constant 2 : i32
      %mul3A_60 = arith.muli %mul3A_59, %scan3A_58 : i32
      %ge3A = arith.constant 48 : i32
      %ge3A_61 = arith.cmpi sge, %mul3A_60, %ge3A : i32
      %sub3A = arith.constant 48 : i32
      %sub3A_62 = arith.subi %mul3A_60, %sub3A : i32
      %select_n3A_63 = arith.select %ge3A_61, %sub3A_62, %mul3A_60 : i32
      %dma_wait3A_64 = arith.constant 0 : i32
      %dma_wait3A_65 = tpu.memref_slice %arg7[%select_n3A_63, %dma_wait3A_64] : memref<48x128xi32, #tpu.memory_space<vmem>> -> memref<1x128xi32, #tpu.memory_space<vmem>>
      %dma_wait3A_66 = tpu.memref_squeeze %dma_wait3A_65 : memref<1x128xi32, #tpu.memory_space<vmem>> -> memref<128xi32, #tpu.memory_space<vmem>>
      %dma_wait3A_67 = arith.constant 0 : i32
      %dma_wait3A_68 = arith.constant 0 : i32
      %dma_wait3A_69 = tpu.memref_slice %arg2[%dma_wait3A_67, %dma_wait3A_68] : memref<10000x128xf32, #tpu.memory_space<hbm>> -> memref<10000x128xf32, #tpu.memory_space<hbm>>
      tpu.wait_indirect_dma semaphore(%arg11 : memref<!tpu.dma_semaphore, #tpu.memory_space<semaphore_mem>>) src(%dma_wait3A_69 : memref<10000x128xf32, #tpu.memory_space<hbm>>) dst(%arg9 : memref<128x128xf32, #tpu.memory_space<vmem>>)
      %ge3A_70 = arith.constant 48 : i32
      %ge3A_71 = arith.cmpi sge, %mul3A_60, %ge3A_70 : i32
      %sub3A_72 = arith.constant 48 : i32
      %sub3A_73 = arith.subi %mul3A_60, %sub3A_72 : i32
      %select_n3A_74 = arith.select %ge3A_71, %sub3A_73, %mul3A_60 : i32
      "tpu.region"() ({
        %run_scoped3A = tpu.sem_alloc : memref<!tpu.dma_semaphore, #tpu.memory_space<semaphore_mem>>
        %dma_start3A_123 = arith.constant 0 : i32
        %dma_start3A_124 = tpu.memref_slice %arg8[%select_n3A_74, %dma_start3A_123] : memref<48x128xi32, #tpu.memory_space<vmem>> -> memref<1x128xi32, #tpu.memory_space<vmem>>
        %dma_start3A_125 = tpu.memref_squeeze %dma_start3A_124 : memref<1x128xi32, #tpu.memory_space<vmem>> -> memref<128xi32, #tpu.memory_space<vmem>>
        %dma_start3A_126 = arith.constant 0 : i32
        %dma_start3A_127 = arith.constant 0 : i32
        %dma_start3A_128 = tpu.memref_slice %arg6[%dma_start3A_126, %dma_start3A_127] : memref<10000x128xf32, #tpu.memory_space<vmem_shared>> -> memref<10000x128xf32, #tpu.memory_space<vmem_shared>>
        tpu.enqueue_indirect_dma source(%arg9 : memref<128x128xf32, #tpu.memory_space<vmem>>) target(%dma_start3A_128 : memref<10000x128xf32, #tpu.memory_space<vmem_shared>>) offsets(%dma_start3A_125 : memref<128xi32, #tpu.memory_space<vmem>>) semaphore(%run_scoped3A : memref<!tpu.dma_semaphore, #tpu.memory_space<semaphore_mem>>) {add = true}
        %dma_wait3A_129 = arith.constant 0 : i32
        %dma_wait3A_130 = tpu.memref_slice %arg8[%select_n3A_74, %dma_wait3A_129] : memref<48x128xi32, #tpu.memory_space<vmem>> -> memref<1x128xi32, #tpu.memory_space<vmem>>
        %dma_wait3A_131 = tpu.memref_squeeze %dma_wait3A_130 : memref<1x128xi32, #tpu.memory_space<vmem>> -> memref<128xi32, #tpu.memory_space<vmem>>
        %dma_wait3A_132 = arith.constant 0 : i32
        %dma_wait3A_133 = arith.constant 0 : i32
        %dma_wait3A_134 = tpu.memref_slice %arg6[%dma_wait3A_132, %dma_wait3A_133] : memref<10000x128xf32, #tpu.memory_space<vmem_shared>> -> memref<10000x128xf32, #tpu.memory_space<vmem_shared>>
        tpu.wait_indirect_dma semaphore(%run_scoped3A : memref<!tpu.dma_semaphore, #tpu.memory_space<semaphore_mem>>) src(%arg9 : memref<128x128xf32, #tpu.memory_space<vmem>>) dst(%dma_wait3A_134 : memref<10000x128xf32, #tpu.memory_space<vmem_shared>>)
        tpu.yield
      }) : () -> ()
      %eq3A = arith.constant 21 : i32
      %eq3A_75 = arith.cmpi eq, %scan3A_58, %eq3A : i32
      %convert_element_type3A = arith.extui %eq3A_75 : i1 to i32
      %cond3A = arith.constant 0 : i32
      %cond3A_76 = arith.cmpi ne, %convert_element_type3A, %cond3A : i32
      scf.if %cond3A_76 {
        %add3A_123 = arith.constant 48 : i32
        %add3A_124 = arith.addi %mul3A_8, %add3A_123 : i32
        "tpu.region"() ({
          %run_scoped3A = tpu.sem_alloc : memref<!tpu.dma_semaphore, #tpu.memory_space<semaphore_mem>>
          %dma_start3A_127 = arith.constant 0 : i32
          %dma_start3A_128 = arith.constant 0 : i32
          %dma_start3A_129 = tpu.memref_slice %arg7[%dma_start3A_127, %dma_start3A_128] : memref<48x128xi32, #tpu.memory_space<vmem>> -> memref<32x128xi32, #tpu.memory_space<vmem>>
          %dma_start3A_130 = arith.constant 0 : i32
          %dma_start3A_131 = tpu.memref_slice %arg3[%add3A_124, %dma_start3A_130] : memref<2560x128xi32, #tpu.memory_space<hbm>> -> memref<32x128xi32, #tpu.memory_space<hbm>>
          %dma_start3A_132 = arith.constant 0 : i32
          %dma_start3A_133 = arith.constant 0 : i32
          %dma_start3A_134 = tpu.memref_slice %arg7[%dma_start3A_132, %dma_start3A_133] : memref<48x128xi32, #tpu.memory_space<vmem>> -> memref<32x128xi32, #tpu.memory_space<vmem>>
          %dma_start3A_135 = arith.constant 0 : i32
          %dma_start3A_136 = tpu.memref_slice %arg3[%add3A_124, %dma_start3A_135] : memref<2560x128xi32, #tpu.memory_space<hbm>> -> memref<32x128xi32, #tpu.memory_space<hbm>>
          tpu.enqueue_dma source(%dma_start3A_136 : memref<32x128xi32, #tpu.memory_space<hbm>>) target(%dma_start3A_134 : memref<32x128xi32, #tpu.memory_space<vmem>>) target_semaphore(%run_scoped3A : memref<!tpu.dma_semaphore, #tpu.memory_space<semaphore_mem>>)
          %dma_wait3A_137 = arith.constant 0 : i32
          %dma_wait3A_138 = arith.constant 0 : i32
          %dma_wait3A_139 = tpu.memref_slice %arg7[%dma_wait3A_137, %dma_wait3A_138] : memref<48x128xi32, #tpu.memory_space<vmem>> -> memref<32x128xi32, #tpu.memory_space<vmem>>
          %dma_wait3A_140 = arith.constant 0 : i32
          %dma_wait3A_141 = tpu.memref_slice %arg3[%add3A_124, %dma_wait3A_140] : memref<2560x128xi32, #tpu.memory_space<hbm>> -> memref<32x128xi32, #tpu.memory_space<hbm>>
          %dma_wait3A_142 = arith.constant 0 : i32
          %dma_wait3A_143 = arith.constant 0 : i32
          %dma_wait3A_144 = tpu.memref_slice %arg7[%dma_wait3A_142, %dma_wait3A_143] : memref<48x128xi32, #tpu.memory_space<vmem>> -> memref<32x128xi32, #tpu.memory_space<vmem>>
          %dma_wait3A_145 = arith.constant 0 : i32
          %dma_wait3A_146 = tpu.memref_slice %arg3[%add3A_124, %dma_wait3A_145] : memref<2560x128xi32, #tpu.memory_space<hbm>> -> memref<32x128xi32, #tpu.memory_space<hbm>>
          tpu.wait_dma2 semaphore(%run_scoped3A : memref<!tpu.dma_semaphore, #tpu.memory_space<semaphore_mem>>) src(%dma_wait3A_146 : memref<32x128xi32, #tpu.memory_space<hbm>>) dst(%dma_wait3A_144 : memref<32x128xi32, #tpu.memory_space<vmem>>)
          tpu.yield
        }) : () -> ()
        %add3A_125 = arith.constant 48 : i32
        %add3A_126 = arith.addi %mul3A_8, %add3A_125 : i32
        "tpu.region"() ({
          %run_scoped3A = tpu.sem_alloc : memref<!tpu.dma_semaphore, #tpu.memory_space<semaphore_mem>>
          %dma_start3A_127 = arith.constant 0 : i32
          %dma_start3A_128 = arith.constant 0 : i32
          %dma_start3A_129 = tpu.memref_slice %arg8[%dma_start3A_127, %dma_start3A_128] : memref<48x128xi32, #tpu.memory_space<vmem>> -> memref<32x128xi32, #tpu.memory_space<vmem>>
          %dma_start3A_130 = arith.constant 0 : i32
          %dma_start3A_131 = tpu.memref_slice %arg4[%add3A_126, %dma_start3A_130] : memref<2560x128xi32, #tpu.memory_space<hbm>> -> memref<32x128xi32, #tpu.memory_space<hbm>>
          %dma_start3A_132 = arith.constant 0 : i32
          %dma_start3A_133 = arith.constant 0 : i32
          %dma_start3A_134 = tpu.memref_slice %arg8[%dma_start3A_132, %dma_start3A_133] : memref<48x128xi32, #tpu.memory_space<vmem>> -> memref<32x128xi32, #tpu.memory_space<vmem>>
          %dma_start3A_135 = arith.constant 0 : i32
          %dma_start3A_136 = tpu.memref_slice %arg4[%add3A_126, %dma_start3A_135] : memref<2560x128xi32, #tpu.memory_space<hbm>> -> memref<32x128xi32, #tpu.memory_space<hbm>>
          tpu.enqueue_dma source(%dma_start3A_136 : memref<32x128xi32, #tpu.memory_space<hbm>>) target(%dma_start3A_134 : memref<32x128xi32, #tpu.memory_space<vmem>>) target_semaphore(%run_scoped3A : memref<!tpu.dma_semaphore, #tpu.memory_space<semaphore_mem>>)
          %dma_wait3A_137 = arith.constant 0 : i32
          %dma_wait3A_138 = arith.constant 0 : i32
          %dma_wait3A_139 = tpu.memref_slice %arg8[%dma_wait3A_137, %dma_wait3A_138] : memref<48x128xi32, #tpu.memory_space<vmem>> -> memref<32x128xi32, #tpu.memory_space<vmem>>
          %dma_wait3A_140 = arith.constant 0 : i32
          %dma_wait3A_141 = tpu.memref_slice %arg4[%add3A_126, %dma_wait3A_140] : memref<2560x128xi32, #tpu.memory_space<hbm>> -> memref<32x128xi32, #tpu.memory_space<hbm>>
          %dma_wait3A_142 = arith.constant 0 : i32
          %dma_wait3A_143 = arith.constant 0 : i32
          %dma_wait3A_144 = tpu.memref_slice %arg8[%dma_wait3A_142, %dma_wait3A_143] : memref<48x128xi32, #tpu.memory_space<vmem>> -> memref<32x128xi32, #tpu.memory_space<vmem>>
          %dma_wait3A_145 = arith.constant 0 : i32
          %dma_wait3A_146 = tpu.memref_slice %arg4[%add3A_126, %dma_wait3A_145] : memref<2560x128xi32, #tpu.memory_space<hbm>> -> memref<32x128xi32, #tpu.memory_space<hbm>>
          tpu.wait_dma2 semaphore(%run_scoped3A : memref<!tpu.dma_semaphore, #tpu.memory_space<semaphore_mem>>) src(%dma_wait3A_146 : memref<32x128xi32, #tpu.memory_space<hbm>>) dst(%dma_wait3A_144 : memref<32x128xi32, #tpu.memory_space<vmem>>)
          tpu.yield
        }) : () -> ()
      } else {
      }
      %add3A_77 = arith.constant 2 : i32
      %add3A_78 = arith.addi %mul3A_60, %add3A_77 : i32
      %ge3A_79 = arith.constant 48 : i32
      %ge3A_80 = arith.cmpi sge, %add3A_78, %ge3A_79 : i32
      %sub3A_81 = arith.constant 48 : i32
      %sub3A_82 = arith.subi %add3A_78, %sub3A_81 : i32
      %select_n3A_83 = arith.select %ge3A_80, %sub3A_82, %add3A_78 : i32
      %dma_start3A_84 = arith.constant 0 : i32
      %dma_start3A_85 = tpu.memref_slice %arg7[%select_n3A_83, %dma_start3A_84] : memref<48x128xi32, #tpu.memory_space<vmem>> -> memref<1x128xi32, #tpu.memory_space<vmem>>
      %dma_start3A_86 = tpu.memref_squeeze %dma_start3A_85 : memref<1x128xi32, #tpu.memory_space<vmem>> -> memref<128xi32, #tpu.memory_space<vmem>>
      %dma_start3A_87 = arith.constant 0 : i32
      %dma_start3A_88 = arith.constant 0 : i32
      %dma_start3A_89 = tpu.memref_slice %arg2[%dma_start3A_87, %dma_start3A_88] : memref<10000x128xf32, #tpu.memory_space<hbm>> -> memref<10000x128xf32, #tpu.memory_space<hbm>>
      tpu.enqueue_indirect_dma source(%dma_start3A_89 : memref<10000x128xf32, #tpu.memory_space<hbm>>) target(%arg9 : memref<128x128xf32, #tpu.memory_space<vmem>>) offsets(%dma_start3A_86 : memref<128xi32, #tpu.memory_space<vmem>>) semaphore(%arg11 : memref<!tpu.dma_semaphore, #tpu.memory_space<semaphore_mem>>)
      %add3A_90 = arith.constant 1 : i32
      %add3A_91 = arith.addi %mul3A_60, %add3A_90 : i32
      %ge3A_92 = arith.constant 48 : i32
      %ge3A_93 = arith.cmpi sge, %add3A_91, %ge3A_92 : i32
      %sub3A_94 = arith.constant 48 : i32
      %sub3A_95 = arith.subi %add3A_91, %sub3A_94 : i32
      %select_n3A_96 = arith.select %ge3A_93, %sub3A_95, %add3A_91 : i32
      %dma_wait3A_97 = arith.constant 0 : i32
      %dma_wait3A_98 = tpu.memref_slice %arg7[%select_n3A_96, %dma_wait3A_97] : memref<48x128xi32, #tpu.memory_space<vmem>> -> memref<1x128xi32, #tpu.memory_space<vmem>>
      %dma_wait3A_99 = tpu.memref_squeeze %dma_wait3A_98 : memref<1x128xi32, #tpu.memory_space<vmem>> -> memref<128xi32, #tpu.memory_space<vmem>>
      %dma_wait3A_100 = arith.constant 0 : i32
      %dma_wait3A_101 = arith.constant 0 : i32
      %dma_wait3A_102 = tpu.memref_slice %arg2[%dma_wait3A_100, %dma_wait3A_101] : memref<10000x128xf32, #tpu.memory_space<hbm>> -> memref<10000x128xf32, #tpu.memory_space<hbm>>
      tpu.wait_indirect_dma semaphore(%arg12 : memref<!tpu.dma_semaphore, #tpu.memory_space<semaphore_mem>>) src(%dma_wait3A_102 : memref<10000x128xf32, #tpu.memory_space<hbm>>) dst(%arg10 : memref<128x128xf32, #tpu.memory_space<vmem>>)
      %add3A_103 = arith.constant 1 : i32
      %add3A_104 = arith.addi %mul3A_60, %add3A_103 : i32
      %ge3A_105 = arith.constant 48 : i32
      %ge3A_106 = arith.cmpi sge, %add3A_104, %ge3A_105 : i32
      %sub3A_107 = arith.constant 48 : i32
      %sub3A_108 = arith.subi %add3A_104, %sub3A_107 : i32
      %select_n3A_109 = arith.select %ge3A_106, %sub3A_108, %add3A_104 : i32
      "tpu.region"() ({
        %run_scoped3A = tpu.sem_alloc : memref<!tpu.dma_semaphore, #tpu.memory_space<semaphore_mem>>
        %dma_start3A_123 = arith.constant 0 : i32
        %dma_start3A_124 = tpu.memref_slice %arg8[%select_n3A_109, %dma_start3A_123] : memref<48x128xi32, #tpu.memory_space<vmem>> -> memref<1x128xi32, #tpu.memory_space<vmem>>
        %dma_start3A_125 = tpu.memref_squeeze %dma_start3A_124 : memref<1x128xi32, #tpu.memory_space<vmem>> -> memref<128xi32, #tpu.memory_space<vmem>>
        %dma_start3A_126 = arith.constant 0 : i32
        %dma_start3A_127 = arith.constant 0 : i32
        %dma_start3A_128 = tpu.memref_slice %arg6[%dma_start3A_126, %dma_start3A_127] : memref<10000x128xf32, #tpu.memory_space<vmem_shared>> -> memref<10000x128xf32, #tpu.memory_space<vmem_shared>>
        tpu.enqueue_indirect_dma source(%arg10 : memref<128x128xf32, #tpu.memory_space<vmem>>) target(%dma_start3A_128 : memref<10000x128xf32, #tpu.memory_space<vmem_shared>>) offsets(%dma_start3A_125 : memref<128xi32, #tpu.memory_space<vmem>>) semaphore(%run_scoped3A : memref<!tpu.dma_semaphore, #tpu.memory_space<semaphore_mem>>) {add = true}
        %dma_wait3A_129 = arith.constant 0 : i32
        %dma_wait3A_130 = tpu.memref_slice %arg8[%select_n3A_109, %dma_wait3A_129] : memref<48x128xi32, #tpu.memory_space<vmem>> -> memref<1x128xi32, #tpu.memory_space<vmem>>
        %dma_wait3A_131 = tpu.memref_squeeze %dma_wait3A_130 : memref<1x128xi32, #tpu.memory_space<vmem>> -> memref<128xi32, #tpu.memory_space<vmem>>
        %dma_wait3A_132 = arith.constant 0 : i32
        %dma_wait3A_133 = arith.constant 0 : i32
        %dma_wait3A_134 = tpu.memref_slice %arg6[%dma_wait3A_132, %dma_wait3A_133] : memref<10000x128xf32, #tpu.memory_space<vmem_shared>> -> memref<10000x128xf32, #tpu.memory_space<vmem_shared>>
        tpu.wait_indirect_dma semaphore(%run_scoped3A : memref<!tpu.dma_semaphore, #tpu.memory_space<semaphore_mem>>) src(%arg10 : memref<128x128xf32, #tpu.memory_space<vmem>>) dst(%dma_wait3A_134 : memref<10000x128xf32, #tpu.memory_space<vmem_shared>>)
        tpu.yield
      }) : () -> ()
      %add3A_110 = arith.constant 3 : i32
      %add3A_111 = arith.addi %mul3A_60, %add3A_110 : i32
      %ge3A_112 = arith.constant 48 : i32
      %ge3A_113 = arith.cmpi sge, %add3A_111, %ge3A_112 : i32
      %sub3A_114 = arith.constant 48 : i32
      %sub3A_115 = arith.subi %add3A_111, %sub3A_114 : i32
      %select_n3A_116 = arith.select %ge3A_113, %sub3A_115, %add3A_111 : i32
      %dma_start3A_117 = arith.constant 0 : i32
      %dma_start3A_118 = tpu.memref_slice %arg7[%select_n3A_116, %dma_start3A_117] : memref<48x128xi32, #tpu.memory_space<vmem>> -> memref<1x128xi32, #tpu.memory_space<vmem>>
      %dma_start3A_119 = tpu.memref_squeeze %dma_start3A_118 : memref<1x128xi32, #tpu.memory_space<vmem>> -> memref<128xi32, #tpu.memory_space<vmem>>
      %dma_start3A_120 = arith.constant 0 : i32
      %dma_start3A_121 = arith.constant 0 : i32
      %dma_start3A_122 = tpu.memref_slice %arg2[%dma_start3A_120, %dma_start3A_121] : memref<10000x128xf32, #tpu.memory_space<hbm>> -> memref<10000x128xf32, #tpu.memory_space<hbm>>
      tpu.enqueue_indirect_dma source(%dma_start3A_122 : memref<10000x128xf32, #tpu.memory_space<hbm>>) target(%arg10 : memref<128x128xf32, #tpu.memory_space<vmem>>) offsets(%dma_start3A_119 : memref<128xi32, #tpu.memory_space<vmem>>) semaphore(%arg12 : memref<!tpu.dma_semaphore, #tpu.memory_space<semaphore_mem>>)
    }
    %scan3A_30 = arith.constant 39 : i32
    %jit3A = arith.constant true
    %jit3A_31 = arith.constant 30 : i32
    %jit3A_32 = arith.constant 78 : i32
    %select_n3A = arith.select %jit3A, %jit3A_31, %jit3A_32 : i32
    %dma_wait3A_33 = arith.constant 0 : i32
    %dma_wait3A_34 = tpu.memref_slice %arg7[%select_n3A, %dma_wait3A_33] : memref<48x128xi32, #tpu.memory_space<vmem>> -> memref<1x128xi32, #tpu.memory_space<vmem>>
    %dma_wait3A_35 = tpu.memref_squeeze %dma_wait3A_34 : memref<1x128xi32, #tpu.memory_space<vmem>> -> memref<128xi32, #tpu.memory_space<vmem>>
    %dma_wait3A_36 = arith.constant 0 : i32
    %dma_wait3A_37 = arith.constant 0 : i32
    %dma_wait3A_38 = tpu.memref_slice %arg2[%dma_wait3A_36, %dma_wait3A_37] : memref<10000x128xf32, #tpu.memory_space<hbm>> -> memref<10000x128xf32, #tpu.memory_space<hbm>>
    tpu.wait_indirect_dma semaphore(%arg11 : memref<!tpu.dma_semaphore, #tpu.memory_space<semaphore_mem>>) src(%dma_wait3A_38 : memref<10000x128xf32, #tpu.memory_space<hbm>>) dst(%arg9 : memref<128x128xf32, #tpu.memory_space<vmem>>)
    %jit3A_39 = arith.constant true
    %jit3A_40 = arith.constant 30 : i32
    %jit3A_41 = arith.constant 78 : i32
    %select_n3A_42 = arith.select %jit3A_39, %jit3A_40, %jit3A_41 : i32
    "tpu.region"() ({
      %run_scoped3A = tpu.sem_alloc : memref<!tpu.dma_semaphore, #tpu.memory_space<semaphore_mem>>
      %dma_start3A_58 = arith.constant 0 : i32
      %dma_start3A_59 = tpu.memref_slice %arg8[%select_n3A_42, %dma_start3A_58] : memref<48x128xi32, #tpu.memory_space<vmem>> -> memref<1x128xi32, #tpu.memory_space<vmem>>
      %dma_start3A_60 = tpu.memref_squeeze %dma_start3A_59 : memref<1x128xi32, #tpu.memory_space<vmem>> -> memref<128xi32, #tpu.memory_space<vmem>>
      %dma_start3A_61 = arith.constant 0 : i32
      %dma_start3A_62 = arith.constant 0 : i32
      %dma_start3A_63 = tpu.memref_slice %arg6[%dma_start3A_61, %dma_start3A_62] : memref<10000x128xf32, #tpu.memory_space<vmem_shared>> -> memref<10000x128xf32, #tpu.memory_space<vmem_shared>>
      tpu.enqueue_indirect_dma source(%arg9 : memref<128x128xf32, #tpu.memory_space<vmem>>) target(%dma_start3A_63 : memref<10000x128xf32, #tpu.memory_space<vmem_shared>>) offsets(%dma_start3A_60 : memref<128xi32, #tpu.memory_space<vmem>>) semaphore(%run_scoped3A : memref<!tpu.dma_semaphore, #tpu.memory_space<semaphore_mem>>) {add = true}
      %dma_wait3A_64 = arith.constant 0 : i32
      %dma_wait3A_65 = tpu.memref_slice %arg8[%select_n3A_42, %dma_wait3A_64] : memref<48x128xi32, #tpu.memory_space<vmem>> -> memref<1x128xi32, #tpu.memory_space<vmem>>
      %dma_wait3A_66 = tpu.memref_squeeze %dma_wait3A_65 : memref<1x128xi32, #tpu.memory_space<vmem>> -> memref<128xi32, #tpu.memory_space<vmem>>
      %dma_wait3A_67 = arith.constant 0 : i32
      %dma_wait3A_68 = arith.constant 0 : i32
      %dma_wait3A_69 = tpu.memref_slice %arg6[%dma_wait3A_67, %dma_wait3A_68] : memref<10000x128xf32, #tpu.memory_space<vmem_shared>> -> memref<10000x128xf32, #tpu.memory_space<vmem_shared>>
      tpu.wait_indirect_dma semaphore(%run_scoped3A : memref<!tpu.dma_semaphore, #tpu.memory_space<semaphore_mem>>) src(%arg9 : memref<128x128xf32, #tpu.memory_space<vmem>>) dst(%dma_wait3A_69 : memref<10000x128xf32, #tpu.memory_space<vmem_shared>>)
      tpu.yield
    }) : () -> ()
    %jit3A_43 = arith.constant true
    %jit3A_44 = arith.constant 31 : i32
    %jit3A_45 = arith.constant 79 : i32
    %select_n3A_46 = arith.select %jit3A_43, %jit3A_44, %jit3A_45 : i32
    %dma_wait3A_47 = arith.constant 0 : i32
    %dma_wait3A_48 = tpu.memref_slice %arg7[%select_n3A_46, %dma_wait3A_47] : memref<48x128xi32, #tpu.memory_space<vmem>> -> memref<1x128xi32, #tpu.memory_space<vmem>>
    %dma_wait3A_49 = tpu.memref_squeeze %dma_wait3A_48 : memref<1x128xi32, #tpu.memory_space<vmem>> -> memref<128xi32, #tpu.memory_space<vmem>>
    %dma_wait3A_50 = arith.constant 0 : i32
    %dma_wait3A_51 = arith.constant 0 : i32
    %dma_wait3A_52 = tpu.memref_slice %arg2[%dma_wait3A_50, %dma_wait3A_51] : memref<10000x128xf32, #tpu.memory_space<hbm>> -> memref<10000x128xf32, #tpu.memory_space<hbm>>
    tpu.wait_indirect_dma semaphore(%arg12 : memref<!tpu.dma_semaphore, #tpu.memory_space<semaphore_mem>>) src(%dma_wait3A_52 : memref<10000x128xf32, #tpu.memory_space<hbm>>) dst(%arg10 : memref<128x128xf32, #tpu.memory_space<vmem>>)
    %jit3A_53 = arith.constant true
    %jit3A_54 = arith.constant 31 : i32
    %jit3A_55 = arith.constant 79 : i32
    %select_n3A_56 = arith.select %jit3A_53, %jit3A_54, %jit3A_55 : i32
    "tpu.region"() ({
      %run_scoped3A = tpu.sem_alloc : memref<!tpu.dma_semaphore, #tpu.memory_space<semaphore_mem>>
      %dma_start3A_58 = arith.constant 0 : i32
      %dma_start3A_59 = tpu.memref_slice %arg8[%select_n3A_56, %dma_start3A_58] : memref<48x128xi32, #tpu.memory_space<vmem>> -> memref<1x128xi32, #tpu.memory_space<vmem>>
      %dma_start3A_60 = tpu.memref_squeeze %dma_start3A_59 : memref<1x128xi32, #tpu.memory_space<vmem>> -> memref<128xi32, #tpu.memory_space<vmem>>
      %dma_start3A_61 = arith.constant 0 : i32
      %dma_start3A_62 = arith.constant 0 : i32
      %dma_start3A_63 = tpu.memref_slice %arg6[%dma_start3A_61, %dma_start3A_62] : memref<10000x128xf32, #tpu.memory_space<vmem_shared>> -> memref<10000x128xf32, #tpu.memory_space<vmem_shared>>
      tpu.enqueue_indirect_dma source(%arg10 : memref<128x128xf32, #tpu.memory_space<vmem>>) target(%dma_start3A_63 : memref<10000x128xf32, #tpu.memory_space<vmem_shared>>) offsets(%dma_start3A_60 : memref<128xi32, #tpu.memory_space<vmem>>) semaphore(%run_scoped3A : memref<!tpu.dma_semaphore, #tpu.memory_space<semaphore_mem>>) {add = true}
      %dma_wait3A_64 = arith.constant 0 : i32
      %dma_wait3A_65 = tpu.memref_slice %arg8[%select_n3A_56, %dma_wait3A_64] : memref<48x128xi32, #tpu.memory_space<vmem>> -> memref<1x128xi32, #tpu.memory_space<vmem>>
      %dma_wait3A_66 = tpu.memref_squeeze %dma_wait3A_65 : memref<1x128xi32, #tpu.memory_space<vmem>> -> memref<128xi32, #tpu.memory_space<vmem>>
      %dma_wait3A_67 = arith.constant 0 : i32
      %dma_wait3A_68 = arith.constant 0 : i32
      %dma_wait3A_69 = tpu.memref_slice %arg6[%dma_wait3A_67, %dma_wait3A_68] : memref<10000x128xf32, #tpu.memory_space<vmem_shared>> -> memref<10000x128xf32, #tpu.memory_space<vmem_shared>>
      tpu.wait_indirect_dma semaphore(%run_scoped3A : memref<!tpu.dma_semaphore, #tpu.memory_space<semaphore_mem>>) src(%arg10 : memref<128x128xf32, #tpu.memory_space<vmem>>) dst(%dma_wait3A_69 : memref<10000x128xf32, #tpu.memory_space<vmem_shared>>)
      tpu.yield
    }) : () -> ()
    %barrier3A_57 = arith.constant 0 : index
    tpu.barrier barrier_id(%barrier3A_57)
    "tpu.region"() ({
      %run_scoped3A = tpu.sem_alloc : memref<!tpu.dma_semaphore, #tpu.memory_space<semaphore_mem>>
      %dma_start3A_58 = arith.constant 0 : i32
      %dma_start3A_59 = tpu.memref_slice %arg5[%arg0, %min3A_3, %dma_start3A_58] : memref<2x10000x128xf32, #tpu.memory_space<hbm>> -> memref<1x632x128xf32, #tpu.memory_space<hbm>>
      %dma_start3A_60 = tpu.memref_squeeze %dma_start3A_59 : memref<1x632x128xf32, #tpu.memory_space<hbm>> -> memref<632x128xf32, #tpu.memory_space<hbm>>
      %dma_start3A_61 = arith.constant 0 : i32
      %dma_start3A_62 = tpu.memref_slice %arg6[%min3A_3, %dma_start3A_61] : memref<10000x128xf32, #tpu.memory_space<vmem_shared>> -> memref<632x128xf32, #tpu.memory_space<vmem_shared>>
      tpu.enqueue_dma source(%dma_start3A_62 : memref<632x128xf32, #tpu.memory_space<vmem_shared>>) target(%dma_start3A_60 : memref<632x128xf32, #tpu.memory_space<hbm>>) target_semaphore(%run_scoped3A : memref<!tpu.dma_semaphore, #tpu.memory_space<semaphore_mem>>)
      %dma_wait3A_63 = arith.constant 0 : i32
      %dma_wait3A_64 = tpu.memref_slice %arg5[%arg0, %min3A_3, %dma_wait3A_63] : memref<2x10000x128xf32, #tpu.memory_space<hbm>> -> memref<1x632x128xf32, #tpu.memory_space<hbm>>
      %dma_wait3A_65 = tpu.memref_squeeze %dma_wait3A_64 : memref<1x632x128xf32, #tpu.memory_space<hbm>> -> memref<632x128xf32, #tpu.memory_space<hbm>>
      %dma_wait3A_66 = arith.constant 0 : i32
      %dma_wait3A_67 = tpu.memref_slice %arg6[%min3A_3, %dma_wait3A_66] : memref<10000x128xf32, #tpu.memory_space<vmem_shared>> -> memref<632x128xf32, #tpu.memory_space<vmem_shared>>
      tpu.wait_dma2 semaphore(%run_scoped3A : memref<!tpu.dma_semaphore, #tpu.memory_space<semaphore_mem>>) src(%dma_wait3A_67 : memref<632x128xf32, #tpu.memory_space<vmem_shared>>) dst(%dma_wait3A_65 : memref<632x128xf32, #tpu.memory_space<hbm>>)
      tpu.yield
    }) : () -> ()
    return
  }
}

#map = affine_map<(d0, d1) -> (0, 0)>
#map1 = affine_map<(d0, d1) -> (0, 0, 0)>
module attributes {stable_mosaic.version = 14 : i64} {
  func.func @_sc_scatter_body(%arg0: i32, %arg1: i32, %arg2: memref<10000x128xf32, #tpu.memory_space<hbm>>, %arg3: memref<2560x128xi32, #tpu.memory_space<hbm>>, %arg4: memref<2560x128xi32, #tpu.memory_space<hbm>>, %arg5: memref<2x10000x128xf32, #tpu.memory_space<hbm>>, %arg6: memref<10000x128xf32, #tpu.memory_space<vmem_shared>>, %arg7: memref<48x128xi32, #tpu.memory_space<vmem>>, %arg8: memref<48x128xi32, #tpu.memory_space<vmem>>, %arg9: memref<128x128xf32, #tpu.memory_space<vmem>>, %arg10: memref<128x128xf32, #tpu.memory_space<vmem>>, %arg11: memref<!tpu.dma_semaphore, #tpu.memory_space<semaphore_mem>>, %arg12: memref<!tpu.dma_semaphore, #tpu.memory_space<semaphore_mem>>) attributes {dimension_semantics = [#tpu.dimension_semantics<core_parallel>, #tpu.dimension_semantics<subcore_parallel>], iteration_bounds = array<i64: 2, 16>, scalar_prefetch = 0 : i64, scratch_operands = 7 : i64, tpu.core_type = #tpu.core_type<sc_vector_subcore>, window_params = [{transform_indices = #map}, {transform_indices = #map}, {transform_indices = #map}, {transform_indices = #map1}]} {
    %mul3A = arith.constant 16 : i32
    %mul3A_0 = arith.muli %arg0, %mul3A : i32
    %add3A = arith.addi %mul3A_0, %arg1 : i32
    %mul3A_1 = arith.constant 632 : i32
    %mul3A_2 = arith.muli %arg1, %mul3A_1 : i32
    %min3A = arith.constant 9368 : i32
    %min3A_3 = arith.minsi %mul3A_2, %min3A : i32
    %dma_start3A = arith.constant 0 : i32
    %dma_start3A_4 = tpu.memref_slice %arg6[%min3A_3, %dma_start3A] : memref<10000x128xf32, #tpu.memory_space<vmem_shared>> -> memref<632x128xf32, #tpu.memory_space<vmem_shared>>
    %dma_start3A_5 = arith.constant 0 : i32
    %dma_start3A_6 = tpu.memref_slice %arg2[%min3A_3, %dma_start3A_5] : memref<10000x128xf32, #tpu.memory_space<hbm>> -> memref<632x128xf32, #tpu.memory_space<hbm>>
    tpu.enqueue_dma source(%dma_start3A_6 : memref<632x128xf32, #tpu.memory_space<hbm>>) target(%dma_start3A_4 : memref<632x128xf32, #tpu.memory_space<vmem_shared>>) target_semaphore(%arg11 : memref<!tpu.dma_semaphore, #tpu.memory_space<semaphore_mem>>)
    %mul3A_7 = arith.constant 80 : i32
    %mul3A_8 = arith.muli %add3A, %mul3A_7 : i32
    "tpu.region"() ({
      %run_scoped3A = tpu.sem_alloc : memref<!tpu.dma_semaphore, #tpu.memory_space<semaphore_mem>>
      %dma_start3A_58 = arith.constant 0 : i32
      %dma_start3A_59 = tpu.memref_slice %arg3[%mul3A_8, %dma_start3A_58] : memref<2560x128xi32, #tpu.memory_space<hbm>> -> memref<48x128xi32, #tpu.memory_space<hbm>>
      %dma_start3A_60 = arith.constant 0 : i32
      %dma_start3A_61 = tpu.memref_slice %arg3[%mul3A_8, %dma_start3A_60] : memref<2560x128xi32, #tpu.memory_space<hbm>> -> memref<48x128xi32, #tpu.memory_space<hbm>>
      tpu.enqueue_dma source(%dma_start3A_61 : memref<48x128xi32, #tpu.memory_space<hbm>>) target(%arg7 : memref<48x128xi32, #tpu.memory_space<vmem>>) target_semaphore(%run_scoped3A : memref<!tpu.dma_semaphore, #tpu.memory_space<semaphore_mem>>)
      %dma_wait3A_62 = arith.constant 0 : i32
      %dma_wait3A_63 = tpu.memref_slice %arg3[%mul3A_8, %dma_wait3A_62] : memref<2560x128xi32, #tpu.memory_space<hbm>> -> memref<48x128xi32, #tpu.memory_space<hbm>>
      %dma_wait3A_64 = arith.constant 0 : i32
      %dma_wait3A_65 = tpu.memref_slice %arg3[%mul3A_8, %dma_wait3A_64] : memref<2560x128xi32, #tpu.memory_space<hbm>> -> memref<48x128xi32, #tpu.memory_space<hbm>>
      tpu.wait_dma2 semaphore(%run_scoped3A : memref<!tpu.dma_semaphore, #tpu.memory_space<semaphore_mem>>) src(%dma_wait3A_65 : memref<48x128xi32, #tpu.memory_space<hbm>>) dst(%arg7 : memref<48x128xi32, #tpu.memory_space<vmem>>)
      tpu.yield
    }) : () -> ()
    "tpu.region"() ({
      %run_scoped3A = tpu.sem_alloc : memref<!tpu.dma_semaphore, #tpu.memory_space<semaphore_mem>>
      %dma_start3A_58 = arith.constant 0 : i32
      %dma_start3A_59 = tpu.memref_slice %arg4[%mul3A_8, %dma_start3A_58] : memref<2560x128xi32, #tpu.memory_space<hbm>> -> memref<48x128xi32, #tpu.memory_space<hbm>>
      %dma_start3A_60 = arith.constant 0 : i32
      %dma_start3A_61 = tpu.memref_slice %arg4[%mul3A_8, %dma_start3A_60] : memref<2560x128xi32, #tpu.memory_space<hbm>> -> memref<48x128xi32, #tpu.memory_space<hbm>>
      tpu.enqueue_dma source(%dma_start3A_61 : memref<48x128xi32, #tpu.memory_space<hbm>>) target(%arg8 : memref<48x128xi32, #tpu.memory_space<vmem>>) target_semaphore(%run_scoped3A : memref<!tpu.dma_semaphore, #tpu.memory_space<semaphore_mem>>)
      %dma_wait3A_62 = arith.constant 0 : i32
      %dma_wait3A_63 = tpu.memref_slice %arg4[%mul3A_8, %dma_wait3A_62] : memref<2560x128xi32, #tpu.memory_space<hbm>> -> memref<48x128xi32, #tpu.memory_space<hbm>>
      %dma_wait3A_64 = arith.constant 0 : i32
      %dma_wait3A_65 = tpu.memref_slice %arg4[%mul3A_8, %dma_wait3A_64] : memref<2560x128xi32, #tpu.memory_space<hbm>> -> memref<48x128xi32, #tpu.memory_space<hbm>>
      tpu.wait_dma2 semaphore(%run_scoped3A : memref<!tpu.dma_semaphore, #tpu.memory_space<semaphore_mem>>) src(%dma_wait3A_65 : memref<48x128xi32, #tpu.memory_space<hbm>>) dst(%arg8 : memref<48x128xi32, #tpu.memory_space<vmem>>)
      tpu.yield
    }) : () -> ()
    %dma_wait3A = arith.constant 0 : i32
    %dma_wait3A_9 = tpu.memref_slice %arg6[%min3A_3, %dma_wait3A] : memref<10000x128xf32, #tpu.memory_space<vmem_shared>> -> memref<632x128xf32, #tpu.memory_space<vmem_shared>>
    %dma_wait3A_10 = arith.constant 0 : i32
    %dma_wait3A_11 = tpu.memref_slice %arg2[%min3A_3, %dma_wait3A_10] : memref<10000x128xf32, #tpu.memory_space<hbm>> -> memref<632x128xf32, #tpu.memory_space<hbm>>
    tpu.wait_dma2 semaphore(%arg11 : memref<!tpu.dma_semaphore, #tpu.memory_space<semaphore_mem>>) src(%dma_wait3A_11 : memref<632x128xf32, #tpu.memory_space<hbm>>) dst(%dma_wait3A_9 : memref<632x128xf32, #tpu.memory_space<vmem_shared>>)
    %barrier3A = arith.constant 0 : index
    tpu.barrier barrier_id(%barrier3A)
    %dma_start3A_12 = arith.constant 0 : i32
    %dma_start3A_13 = arith.constant 0 : i32
    %dma_start3A_14 = tpu.memref_slice %arg7[%dma_start3A_12, %dma_start3A_13] : memref<48x128xi32, #tpu.memory_space<vmem>> -> memref<1x128xi32, #tpu.memory_space<vmem>>
    %dma_start3A_15 = tpu.memref_squeeze %dma_start3A_14 : memref<1x128xi32, #tpu.memory_space<vmem>> -> memref<128xi32, #tpu.memory_space<vmem>>
    %dma_start3A_16 = arith.constant 0 : i32
    %dma_start3A_17 = arith.constant 0 : i32
    %dma_start3A_18 = tpu.memref_slice %arg2[%dma_start3A_16, %dma_start3A_17] : memref<10000x128xf32, #tpu.memory_space<hbm>> -> memref<10000x128xf32, #tpu.memory_space<hbm>>
    tpu.enqueue_indirect_dma source(%dma_start3A_18 : memref<10000x128xf32, #tpu.memory_space<hbm>>) target(%arg9 : memref<128x128xf32, #tpu.memory_space<vmem>>) offsets(%dma_start3A_15 : memref<128xi32, #tpu.memory_space<vmem>>) semaphore(%arg11 : memref<!tpu.dma_semaphore, #tpu.memory_space<semaphore_mem>>)
    %dma_start3A_19 = arith.constant 1 : i32
    %dma_start3A_20 = arith.constant 0 : i32
    %dma_start3A_21 = tpu.memref_slice %arg7[%dma_start3A_19, %dma_start3A_20] : memref<48x128xi32, #tpu.memory_space<vmem>> -> memref<1x128xi32, #tpu.memory_space<vmem>>
    %dma_start3A_22 = tpu.memref_squeeze %dma_start3A_21 : memref<1x128xi32, #tpu.memory_space<vmem>> -> memref<128xi32, #tpu.memory_space<vmem>>
    %dma_start3A_23 = arith.constant 0 : i32
    %dma_start3A_24 = arith.constant 0 : i32
    %dma_start3A_25 = tpu.memref_slice %arg2[%dma_start3A_23, %dma_start3A_24] : memref<10000x128xf32, #tpu.memory_space<hbm>> -> memref<10000x128xf32, #tpu.memory_space<hbm>>
    tpu.enqueue_indirect_dma source(%dma_start3A_25 : memref<10000x128xf32, #tpu.memory_space<hbm>>) target(%arg10 : memref<128x128xf32, #tpu.memory_space<vmem>>) offsets(%dma_start3A_22 : memref<128xi32, #tpu.memory_space<vmem>>) semaphore(%arg12 : memref<!tpu.dma_semaphore, #tpu.memory_space<semaphore_mem>>)
    %scan3A = arith.constant 0 : i32
    %scan3A_26 = arith.constant 0 : i32
    %scan3A_27 = arith.constant 39 : i32
    %scan3A_28 = arith.addi %scan3A_26, %scan3A_27 : i32
    %scan3A_29 = arith.constant 1 : i32
    scf.for %scan3A_58 = %scan3A_26 to %scan3A_28 step %scan3A_29  : i32 {
      %mul3A_59 = arith.constant 2 : i32
      %mul3A_60 = arith.muli %mul3A_59, %scan3A_58 : i32
      %ge3A = arith.constant 48 : i32
      %ge3A_61 = arith.cmpi sge, %mul3A_60, %ge3A : i32
      %sub3A = arith.constant 48 : i32
      %sub3A_62 = arith.subi %mul3A_60, %sub3A : i32
      %select_n3A_63 = arith.select %ge3A_61, %sub3A_62, %mul3A_60 : i32
      %dma_wait3A_64 = arith.constant 0 : i32
      %dma_wait3A_65 = tpu.memref_slice %arg7[%select_n3A_63, %dma_wait3A_64] : memref<48x128xi32, #tpu.memory_space<vmem>> -> memref<1x128xi32, #tpu.memory_space<vmem>>
      %dma_wait3A_66 = tpu.memref_squeeze %dma_wait3A_65 : memref<1x128xi32, #tpu.memory_space<vmem>> -> memref<128xi32, #tpu.memory_space<vmem>>
      %dma_wait3A_67 = arith.constant 0 : i32
      %dma_wait3A_68 = arith.constant 0 : i32
      %dma_wait3A_69 = tpu.memref_slice %arg2[%dma_wait3A_67, %dma_wait3A_68] : memref<10000x128xf32, #tpu.memory_space<hbm>> -> memref<10000x128xf32, #tpu.memory_space<hbm>>
      tpu.wait_indirect_dma semaphore(%arg11 : memref<!tpu.dma_semaphore, #tpu.memory_space<semaphore_mem>>) src(%dma_wait3A_69 : memref<10000x128xf32, #tpu.memory_space<hbm>>) dst(%arg9 : memref<128x128xf32, #tpu.memory_space<vmem>>)
      %ge3A_70 = arith.constant 48 : i32
      %ge3A_71 = arith.cmpi sge, %mul3A_60, %ge3A_70 : i32
      %sub3A_72 = arith.constant 48 : i32
      %sub3A_73 = arith.subi %mul3A_60, %sub3A_72 : i32
      %select_n3A_74 = arith.select %ge3A_71, %sub3A_73, %mul3A_60 : i32
      "tpu.region"() ({
        %run_scoped3A = tpu.sem_alloc : memref<!tpu.dma_semaphore, #tpu.memory_space<semaphore_mem>>
        %dma_start3A_123 = arith.constant 0 : i32
        %dma_start3A_124 = tpu.memref_slice %arg8[%select_n3A_74, %dma_start3A_123] : memref<48x128xi32, #tpu.memory_space<vmem>> -> memref<1x128xi32, #tpu.memory_space<vmem>>
        %dma_start3A_125 = tpu.memref_squeeze %dma_start3A_124 : memref<1x128xi32, #tpu.memory_space<vmem>> -> memref<128xi32, #tpu.memory_space<vmem>>
        %dma_start3A_126 = arith.constant 0 : i32
        %dma_start3A_127 = arith.constant 0 : i32
        %dma_start3A_128 = tpu.memref_slice %arg6[%dma_start3A_126, %dma_start3A_127] : memref<10000x128xf32, #tpu.memory_space<vmem_shared>> -> memref<10000x128xf32, #tpu.memory_space<vmem_shared>>
        tpu.enqueue_indirect_dma source(%arg9 : memref<128x128xf32, #tpu.memory_space<vmem>>) target(%dma_start3A_128 : memref<10000x128xf32, #tpu.memory_space<vmem_shared>>) offsets(%dma_start3A_125 : memref<128xi32, #tpu.memory_space<vmem>>) semaphore(%run_scoped3A : memref<!tpu.dma_semaphore, #tpu.memory_space<semaphore_mem>>) {add = true}
        %dma_wait3A_129 = arith.constant 0 : i32
        %dma_wait3A_130 = tpu.memref_slice %arg8[%select_n3A_74, %dma_wait3A_129] : memref<48x128xi32, #tpu.memory_space<vmem>> -> memref<1x128xi32, #tpu.memory_space<vmem>>
        %dma_wait3A_131 = tpu.memref_squeeze %dma_wait3A_130 : memref<1x128xi32, #tpu.memory_space<vmem>> -> memref<128xi32, #tpu.memory_space<vmem>>
        %dma_wait3A_132 = arith.constant 0 : i32
        %dma_wait3A_133 = arith.constant 0 : i32
        %dma_wait3A_134 = tpu.memref_slice %arg6[%dma_wait3A_132, %dma_wait3A_133] : memref<10000x128xf32, #tpu.memory_space<vmem_shared>> -> memref<10000x128xf32, #tpu.memory_space<vmem_shared>>
        tpu.wait_indirect_dma semaphore(%run_scoped3A : memref<!tpu.dma_semaphore, #tpu.memory_space<semaphore_mem>>) src(%arg9 : memref<128x128xf32, #tpu.memory_space<vmem>>) dst(%dma_wait3A_134 : memref<10000x128xf32, #tpu.memory_space<vmem_shared>>)
        tpu.yield
      }) : () -> ()
      %eq3A = arith.constant 21 : i32
      %eq3A_75 = arith.cmpi eq, %scan3A_58, %eq3A : i32
      %convert_element_type3A = arith.extui %eq3A_75 : i1 to i32
      %cond3A = arith.constant 0 : i32
      %cond3A_76 = arith.cmpi ne, %convert_element_type3A, %cond3A : i32
      scf.if %cond3A_76 {
        %add3A_123 = arith.constant 48 : i32
        %add3A_124 = arith.addi %mul3A_8, %add3A_123 : i32
        "tpu.region"() ({
          %run_scoped3A = tpu.sem_alloc : memref<!tpu.dma_semaphore, #tpu.memory_space<semaphore_mem>>
          %dma_start3A_127 = arith.constant 0 : i32
          %dma_start3A_128 = arith.constant 0 : i32
          %dma_start3A_129 = tpu.memref_slice %arg7[%dma_start3A_127, %dma_start3A_128] : memref<48x128xi32, #tpu.memory_space<vmem>> -> memref<32x128xi32, #tpu.memory_space<vmem>>
          %dma_start3A_130 = arith.constant 0 : i32
          %dma_start3A_131 = tpu.memref_slice %arg3[%add3A_124, %dma_start3A_130] : memref<2560x128xi32, #tpu.memory_space<hbm>> -> memref<32x128xi32, #tpu.memory_space<hbm>>
          %dma_start3A_132 = arith.constant 0 : i32
          %dma_start3A_133 = arith.constant 0 : i32
          %dma_start3A_134 = tpu.memref_slice %arg7[%dma_start3A_132, %dma_start3A_133] : memref<48x128xi32, #tpu.memory_space<vmem>> -> memref<32x128xi32, #tpu.memory_space<vmem>>
          %dma_start3A_135 = arith.constant 0 : i32
          %dma_start3A_136 = tpu.memref_slice %arg3[%add3A_124, %dma_start3A_135] : memref<2560x128xi32, #tpu.memory_space<hbm>> -> memref<32x128xi32, #tpu.memory_space<hbm>>
          tpu.enqueue_dma source(%dma_start3A_136 : memref<32x128xi32, #tpu.memory_space<hbm>>) target(%dma_start3A_134 : memref<32x128xi32, #tpu.memory_space<vmem>>) target_semaphore(%run_scoped3A : memref<!tpu.dma_semaphore, #tpu.memory_space<semaphore_mem>>)
          %dma_wait3A_137 = arith.constant 0 : i32
          %dma_wait3A_138 = arith.constant 0 : i32
          %dma_wait3A_139 = tpu.memref_slice %arg7[%dma_wait3A_137, %dma_wait3A_138] : memref<48x128xi32, #tpu.memory_space<vmem>> -> memref<32x128xi32, #tpu.memory_space<vmem>>
          %dma_wait3A_140 = arith.constant 0 : i32
          %dma_wait3A_141 = tpu.memref_slice %arg3[%add3A_124, %dma_wait3A_140] : memref<2560x128xi32, #tpu.memory_space<hbm>> -> memref<32x128xi32, #tpu.memory_space<hbm>>
          %dma_wait3A_142 = arith.constant 0 : i32
          %dma_wait3A_143 = arith.constant 0 : i32
          %dma_wait3A_144 = tpu.memref_slice %arg7[%dma_wait3A_142, %dma_wait3A_143] : memref<48x128xi32, #tpu.memory_space<vmem>> -> memref<32x128xi32, #tpu.memory_space<vmem>>
          %dma_wait3A_145 = arith.constant 0 : i32
          %dma_wait3A_146 = tpu.memref_slice %arg3[%add3A_124, %dma_wait3A_145] : memref<2560x128xi32, #tpu.memory_space<hbm>> -> memref<32x128xi32, #tpu.memory_space<hbm>>
          tpu.wait_dma2 semaphore(%run_scoped3A : memref<!tpu.dma_semaphore, #tpu.memory_space<semaphore_mem>>) src(%dma_wait3A_146 : memref<32x128xi32, #tpu.memory_space<hbm>>) dst(%dma_wait3A_144 : memref<32x128xi32, #tpu.memory_space<vmem>>)
          tpu.yield
        }) : () -> ()
        %add3A_125 = arith.constant 48 : i32
        %add3A_126 = arith.addi %mul3A_8, %add3A_125 : i32
        "tpu.region"() ({
          %run_scoped3A = tpu.sem_alloc : memref<!tpu.dma_semaphore, #tpu.memory_space<semaphore_mem>>
          %dma_start3A_127 = arith.constant 0 : i32
          %dma_start3A_128 = arith.constant 0 : i32
          %dma_start3A_129 = tpu.memref_slice %arg8[%dma_start3A_127, %dma_start3A_128] : memref<48x128xi32, #tpu.memory_space<vmem>> -> memref<32x128xi32, #tpu.memory_space<vmem>>
          %dma_start3A_130 = arith.constant 0 : i32
          %dma_start3A_131 = tpu.memref_slice %arg4[%add3A_126, %dma_start3A_130] : memref<2560x128xi32, #tpu.memory_space<hbm>> -> memref<32x128xi32, #tpu.memory_space<hbm>>
          %dma_start3A_132 = arith.constant 0 : i32
          %dma_start3A_133 = arith.constant 0 : i32
          %dma_start3A_134 = tpu.memref_slice %arg8[%dma_start3A_132, %dma_start3A_133] : memref<48x128xi32, #tpu.memory_space<vmem>> -> memref<32x128xi32, #tpu.memory_space<vmem>>
          %dma_start3A_135 = arith.constant 0 : i32
          %dma_start3A_136 = tpu.memref_slice %arg4[%add3A_126, %dma_start3A_135] : memref<2560x128xi32, #tpu.memory_space<hbm>> -> memref<32x128xi32, #tpu.memory_space<hbm>>
          tpu.enqueue_dma source(%dma_start3A_136 : memref<32x128xi32, #tpu.memory_space<hbm>>) target(%dma_start3A_134 : memref<32x128xi32, #tpu.memory_space<vmem>>) target_semaphore(%run_scoped3A : memref<!tpu.dma_semaphore, #tpu.memory_space<semaphore_mem>>)
          %dma_wait3A_137 = arith.constant 0 : i32
          %dma_wait3A_138 = arith.constant 0 : i32
          %dma_wait3A_139 = tpu.memref_slice %arg8[%dma_wait3A_137, %dma_wait3A_138] : memref<48x128xi32, #tpu.memory_space<vmem>> -> memref<32x128xi32, #tpu.memory_space<vmem>>
          %dma_wait3A_140 = arith.constant 0 : i32
          %dma_wait3A_141 = tpu.memref_slice %arg4[%add3A_126, %dma_wait3A_140] : memref<2560x128xi32, #tpu.memory_space<hbm>> -> memref<32x128xi32, #tpu.memory_space<hbm>>
          %dma_wait3A_142 = arith.constant 0 : i32
          %dma_wait3A_143 = arith.constant 0 : i32
          %dma_wait3A_144 = tpu.memref_slice %arg8[%dma_wait3A_142, %dma_wait3A_143] : memref<48x128xi32, #tpu.memory_space<vmem>> -> memref<32x128xi32, #tpu.memory_space<vmem>>
          %dma_wait3A_145 = arith.constant 0 : i32
          %dma_wait3A_146 = tpu.memref_slice %arg4[%add3A_126, %dma_wait3A_145] : memref<2560x128xi32, #tpu.memory_space<hbm>> -> memref<32x128xi32, #tpu.memory_space<hbm>>
          tpu.wait_dma2 semaphore(%run_scoped3A : memref<!tpu.dma_semaphore, #tpu.memory_space<semaphore_mem>>) src(%dma_wait3A_146 : memref<32x128xi32, #tpu.memory_space<hbm>>) dst(%dma_wait3A_144 : memref<32x128xi32, #tpu.memory_space<vmem>>)
          tpu.yield
        }) : () -> ()
      } else {
      }
      %add3A_77 = arith.constant 2 : i32
      %add3A_78 = arith.addi %mul3A_60, %add3A_77 : i32
      %ge3A_79 = arith.constant 48 : i32
      %ge3A_80 = arith.cmpi sge, %add3A_78, %ge3A_79 : i32
      %sub3A_81 = arith.constant 48 : i32
      %sub3A_82 = arith.subi %add3A_78, %sub3A_81 : i32
      %select_n3A_83 = arith.select %ge3A_80, %sub3A_82, %add3A_78 : i32
      %dma_start3A_84 = arith.constant 0 : i32
      %dma_start3A_85 = tpu.memref_slice %arg7[%select_n3A_83, %dma_start3A_84] : memref<48x128xi32, #tpu.memory_space<vmem>> -> memref<1x128xi32, #tpu.memory_space<vmem>>
      %dma_start3A_86 = tpu.memref_squeeze %dma_start3A_85 : memref<1x128xi32, #tpu.memory_space<vmem>> -> memref<128xi32, #tpu.memory_space<vmem>>
      %dma_start3A_87 = arith.constant 0 : i32
      %dma_start3A_88 = arith.constant 0 : i32
      %dma_start3A_89 = tpu.memref_slice %arg2[%dma_start3A_87, %dma_start3A_88] : memref<10000x128xf32, #tpu.memory_space<hbm>> -> memref<10000x128xf32, #tpu.memory_space<hbm>>
      tpu.enqueue_indirect_dma source(%dma_start3A_89 : memref<10000x128xf32, #tpu.memory_space<hbm>>) target(%arg9 : memref<128x128xf32, #tpu.memory_space<vmem>>) offsets(%dma_start3A_86 : memref<128xi32, #tpu.memory_space<vmem>>) semaphore(%arg11 : memref<!tpu.dma_semaphore, #tpu.memory_space<semaphore_mem>>)
      %add3A_90 = arith.constant 1 : i32
      %add3A_91 = arith.addi %mul3A_60, %add3A_90 : i32
      %ge3A_92 = arith.constant 48 : i32
      %ge3A_93 = arith.cmpi sge, %add3A_91, %ge3A_92 : i32
      %sub3A_94 = arith.constant 48 : i32
      %sub3A_95 = arith.subi %add3A_91, %sub3A_94 : i32
      %select_n3A_96 = arith.select %ge3A_93, %sub3A_95, %add3A_91 : i32
      %dma_wait3A_97 = arith.constant 0 : i32
      %dma_wait3A_98 = tpu.memref_slice %arg7[%select_n3A_96, %dma_wait3A_97] : memref<48x128xi32, #tpu.memory_space<vmem>> -> memref<1x128xi32, #tpu.memory_space<vmem>>
      %dma_wait3A_99 = tpu.memref_squeeze %dma_wait3A_98 : memref<1x128xi32, #tpu.memory_space<vmem>> -> memref<128xi32, #tpu.memory_space<vmem>>
      %dma_wait3A_100 = arith.constant 0 : i32
      %dma_wait3A_101 = arith.constant 0 : i32
      %dma_wait3A_102 = tpu.memref_slice %arg2[%dma_wait3A_100, %dma_wait3A_101] : memref<10000x128xf32, #tpu.memory_space<hbm>> -> memref<10000x128xf32, #tpu.memory_space<hbm>>
      tpu.wait_indirect_dma semaphore(%arg12 : memref<!tpu.dma_semaphore, #tpu.memory_space<semaphore_mem>>) src(%dma_wait3A_102 : memref<10000x128xf32, #tpu.memory_space<hbm>>) dst(%arg10 : memref<128x128xf32, #tpu.memory_space<vmem>>)
      %add3A_103 = arith.constant 1 : i32
      %add3A_104 = arith.addi %mul3A_60, %add3A_103 : i32
      %ge3A_105 = arith.constant 48 : i32
      %ge3A_106 = arith.cmpi sge, %add3A_104, %ge3A_105 : i32
      %sub3A_107 = arith.constant 48 : i32
      %sub3A_108 = arith.subi %add3A_104, %sub3A_107 : i32
      %select_n3A_109 = arith.select %ge3A_106, %sub3A_108, %add3A_104 : i32
      "tpu.region"() ({
        %run_scoped3A = tpu.sem_alloc : memref<!tpu.dma_semaphore, #tpu.memory_space<semaphore_mem>>
        %dma_start3A_123 = arith.constant 0 : i32
        %dma_start3A_124 = tpu.memref_slice %arg8[%select_n3A_109, %dma_start3A_123] : memref<48x128xi32, #tpu.memory_space<vmem>> -> memref<1x128xi32, #tpu.memory_space<vmem>>
        %dma_start3A_125 = tpu.memref_squeeze %dma_start3A_124 : memref<1x128xi32, #tpu.memory_space<vmem>> -> memref<128xi32, #tpu.memory_space<vmem>>
        %dma_start3A_126 = arith.constant 0 : i32
        %dma_start3A_127 = arith.constant 0 : i32
        %dma_start3A_128 = tpu.memref_slice %arg6[%dma_start3A_126, %dma_start3A_127] : memref<10000x128xf32, #tpu.memory_space<vmem_shared>> -> memref<10000x128xf32, #tpu.memory_space<vmem_shared>>
        tpu.enqueue_indirect_dma source(%arg10 : memref<128x128xf32, #tpu.memory_space<vmem>>) target(%dma_start3A_128 : memref<10000x128xf32, #tpu.memory_space<vmem_shared>>) offsets(%dma_start3A_125 : memref<128xi32, #tpu.memory_space<vmem>>) semaphore(%run_scoped3A : memref<!tpu.dma_semaphore, #tpu.memory_space<semaphore_mem>>) {add = true}
        %dma_wait3A_129 = arith.constant 0 : i32
        %dma_wait3A_130 = tpu.memref_slice %arg8[%select_n3A_109, %dma_wait3A_129] : memref<48x128xi32, #tpu.memory_space<vmem>> -> memref<1x128xi32, #tpu.memory_space<vmem>>
        %dma_wait3A_131 = tpu.memref_squeeze %dma_wait3A_130 : memref<1x128xi32, #tpu.memory_space<vmem>> -> memref<128xi32, #tpu.memory_space<vmem>>
        %dma_wait3A_132 = arith.constant 0 : i32
        %dma_wait3A_133 = arith.constant 0 : i32
        %dma_wait3A_134 = tpu.memref_slice %arg6[%dma_wait3A_132, %dma_wait3A_133] : memref<10000x128xf32, #tpu.memory_space<vmem_shared>> -> memref<10000x128xf32, #tpu.memory_space<vmem_shared>>
        tpu.wait_indirect_dma semaphore(%run_scoped3A : memref<!tpu.dma_semaphore, #tpu.memory_space<semaphore_mem>>) src(%arg10 : memref<128x128xf32, #tpu.memory_space<vmem>>) dst(%dma_wait3A_134 : memref<10000x128xf32, #tpu.memory_space<vmem_shared>>)
        tpu.yield
      }) : () -> ()
      %add3A_110 = arith.constant 3 : i32
      %add3A_111 = arith.addi %mul3A_60, %add3A_110 : i32
      %ge3A_112 = arith.constant 48 : i32
      %ge3A_113 = arith.cmpi sge, %add3A_111, %ge3A_112 : i32
      %sub3A_114 = arith.constant 48 : i32
      %sub3A_115 = arith.subi %add3A_111, %sub3A_114 : i32
      %select_n3A_116 = arith.select %ge3A_113, %sub3A_115, %add3A_111 : i32
      %dma_start3A_117 = arith.constant 0 : i32
      %dma_start3A_118 = tpu.memref_slice %arg7[%select_n3A_116, %dma_start3A_117] : memref<48x128xi32, #tpu.memory_space<vmem>> -> memref<1x128xi32, #tpu.memory_space<vmem>>
      %dma_start3A_119 = tpu.memref_squeeze %dma_start3A_118 : memref<1x128xi32, #tpu.memory_space<vmem>> -> memref<128xi32, #tpu.memory_space<vmem>>
      %dma_start3A_120 = arith.constant 0 : i32
      %dma_start3A_121 = arith.constant 0 : i32
      %dma_start3A_122 = tpu.memref_slice %arg2[%dma_start3A_120, %dma_start3A_121] : memref<10000x128xf32, #tpu.memory_space<hbm>> -> memref<10000x128xf32, #tpu.memory_space<hbm>>
      tpu.enqueue_indirect_dma source(%dma_start3A_122 : memref<10000x128xf32, #tpu.memory_space<hbm>>) target(%arg10 : memref<128x128xf32, #tpu.memory_space<vmem>>) offsets(%dma_start3A_119 : memref<128xi32, #tpu.memory_space<vmem>>) semaphore(%arg12 : memref<!tpu.dma_semaphore, #tpu.memory_space<semaphore_mem>>)
    }
    %scan3A_30 = arith.constant 39 : i32
    %jit3A = arith.constant true
    %jit3A_31 = arith.constant 30 : i32
    %jit3A_32 = arith.constant 78 : i32
    %select_n3A = arith.select %jit3A, %jit3A_31, %jit3A_32 : i32
    %dma_wait3A_33 = arith.constant 0 : i32
    %dma_wait3A_34 = tpu.memref_slice %arg7[%select_n3A, %dma_wait3A_33] : memref<48x128xi32, #tpu.memory_space<vmem>> -> memref<1x128xi32, #tpu.memory_space<vmem>>
    %dma_wait3A_35 = tpu.memref_squeeze %dma_wait3A_34 : memref<1x128xi32, #tpu.memory_space<vmem>> -> memref<128xi32, #tpu.memory_space<vmem>>
    %dma_wait3A_36 = arith.constant 0 : i32
    %dma_wait3A_37 = arith.constant 0 : i32
    %dma_wait3A_38 = tpu.memref_slice %arg2[%dma_wait3A_36, %dma_wait3A_37] : memref<10000x128xf32, #tpu.memory_space<hbm>> -> memref<10000x128xf32, #tpu.memory_space<hbm>>
    tpu.wait_indirect_dma semaphore(%arg11 : memref<!tpu.dma_semaphore, #tpu.memory_space<semaphore_mem>>) src(%dma_wait3A_38 : memref<10000x128xf32, #tpu.memory_space<hbm>>) dst(%arg9 : memref<128x128xf32, #tpu.memory_space<vmem>>)
    %jit3A_39 = arith.constant true
    %jit3A_40 = arith.constant 30 : i32
    %jit3A_41 = arith.constant 78 : i32
    %select_n3A_42 = arith.select %jit3A_39, %jit3A_40, %jit3A_41 : i32
    "tpu.region"() ({
      %run_scoped3A = tpu.sem_alloc : memref<!tpu.dma_semaphore, #tpu.memory_space<semaphore_mem>>
      %dma_start3A_58 = arith.constant 0 : i32
      %dma_start3A_59 = tpu.memref_slice %arg8[%select_n3A_42, %dma_start3A_58] : memref<48x128xi32, #tpu.memory_space<vmem>> -> memref<1x128xi32, #tpu.memory_space<vmem>>
      %dma_start3A_60 = tpu.memref_squeeze %dma_start3A_59 : memref<1x128xi32, #tpu.memory_space<vmem>> -> memref<128xi32, #tpu.memory_space<vmem>>
      %dma_start3A_61 = arith.constant 0 : i32
      %dma_start3A_62 = arith.constant 0 : i32
      %dma_start3A_63 = tpu.memref_slice %arg6[%dma_start3A_61, %dma_start3A_62] : memref<10000x128xf32, #tpu.memory_space<vmem_shared>> -> memref<10000x128xf32, #tpu.memory_space<vmem_shared>>
      tpu.enqueue_indirect_dma source(%arg9 : memref<128x128xf32, #tpu.memory_space<vmem>>) target(%dma_start3A_63 : memref<10000x128xf32, #tpu.memory_space<vmem_shared>>) offsets(%dma_start3A_60 : memref<128xi32, #tpu.memory_space<vmem>>) semaphore(%run_scoped3A : memref<!tpu.dma_semaphore, #tpu.memory_space<semaphore_mem>>) {add = true}
      %dma_wait3A_64 = arith.constant 0 : i32
      %dma_wait3A_65 = tpu.memref_slice %arg8[%select_n3A_42, %dma_wait3A_64] : memref<48x128xi32, #tpu.memory_space<vmem>> -> memref<1x128xi32, #tpu.memory_space<vmem>>
      %dma_wait3A_66 = tpu.memref_squeeze %dma_wait3A_65 : memref<1x128xi32, #tpu.memory_space<vmem>> -> memref<128xi32, #tpu.memory_space<vmem>>
      %dma_wait3A_67 = arith.constant 0 : i32
      %dma_wait3A_68 = arith.constant 0 : i32
      %dma_wait3A_69 = tpu.memref_slice %arg6[%dma_wait3A_67, %dma_wait3A_68] : memref<10000x128xf32, #tpu.memory_space<vmem_shared>> -> memref<10000x128xf32, #tpu.memory_space<vmem_shared>>
      tpu.wait_indirect_dma semaphore(%run_scoped3A : memref<!tpu.dma_semaphore, #tpu.memory_space<semaphore_mem>>) src(%arg9 : memref<128x128xf32, #tpu.memory_space<vmem>>) dst(%dma_wait3A_69 : memref<10000x128xf32, #tpu.memory_space<vmem_shared>>)
      tpu.yield
    }) : () -> ()
    %jit3A_43 = arith.constant true
    %jit3A_44 = arith.constant 31 : i32
    %jit3A_45 = arith.constant 79 : i32
    %select_n3A_46 = arith.select %jit3A_43, %jit3A_44, %jit3A_45 : i32
    %dma_wait3A_47 = arith.constant 0 : i32
    %dma_wait3A_48 = tpu.memref_slice %arg7[%select_n3A_46, %dma_wait3A_47] : memref<48x128xi32, #tpu.memory_space<vmem>> -> memref<1x128xi32, #tpu.memory_space<vmem>>
    %dma_wait3A_49 = tpu.memref_squeeze %dma_wait3A_48 : memref<1x128xi32, #tpu.memory_space<vmem>> -> memref<128xi32, #tpu.memory_space<vmem>>
    %dma_wait3A_50 = arith.constant 0 : i32
    %dma_wait3A_51 = arith.constant 0 : i32
    %dma_wait3A_52 = tpu.memref_slice %arg2[%dma_wait3A_50, %dma_wait3A_51] : memref<10000x128xf32, #tpu.memory_space<hbm>> -> memref<10000x128xf32, #tpu.memory_space<hbm>>
    tpu.wait_indirect_dma semaphore(%arg12 : memref<!tpu.dma_semaphore, #tpu.memory_space<semaphore_mem>>) src(%dma_wait3A_52 : memref<10000x128xf32, #tpu.memory_space<hbm>>) dst(%arg10 : memref<128x128xf32, #tpu.memory_space<vmem>>)
    %jit3A_53 = arith.constant true
    %jit3A_54 = arith.constant 31 : i32
    %jit3A_55 = arith.constant 79 : i32
    %select_n3A_56 = arith.select %jit3A_53, %jit3A_54, %jit3A_55 : i32
    "tpu.region"() ({
      %run_scoped3A = tpu.sem_alloc : memref<!tpu.dma_semaphore, #tpu.memory_space<semaphore_mem>>
      %dma_start3A_58 = arith.constant 0 : i32
      %dma_start3A_59 = tpu.memref_slice %arg8[%select_n3A_56, %dma_start3A_58] : memref<48x128xi32, #tpu.memory_space<vmem>> -> memref<1x128xi32, #tpu.memory_space<vmem>>
      %dma_start3A_60 = tpu.memref_squeeze %dma_start3A_59 : memref<1x128xi32, #tpu.memory_space<vmem>> -> memref<128xi32, #tpu.memory_space<vmem>>
      %dma_start3A_61 = arith.constant 0 : i32
      %dma_start3A_62 = arith.constant 0 : i32
      %dma_start3A_63 = tpu.memref_slice %arg6[%dma_start3A_61, %dma_start3A_62] : memref<10000x128xf32, #tpu.memory_space<vmem_shared>> -> memref<10000x128xf32, #tpu.memory_space<vmem_shared>>
      tpu.enqueue_indirect_dma source(%arg10 : memref<128x128xf32, #tpu.memory_space<vmem>>) target(%dma_start3A_63 : memref<10000x128xf32, #tpu.memory_space<vmem_shared>>) offsets(%dma_start3A_60 : memref<128xi32, #tpu.memory_space<vmem>>) semaphore(%run_scoped3A : memref<!tpu.dma_semaphore, #tpu.memory_space<semaphore_mem>>) {add = true}
      %dma_wait3A_64 = arith.constant 0 : i32
      %dma_wait3A_65 = tpu.memref_slice %arg8[%select_n3A_56, %dma_wait3A_64] : memref<48x128xi32, #tpu.memory_space<vmem>> -> memref<1x128xi32, #tpu.memory_space<vmem>>
      %dma_wait3A_66 = tpu.memref_squeeze %dma_wait3A_65 : memref<1x128xi32, #tpu.memory_space<vmem>> -> memref<128xi32, #tpu.memory_space<vmem>>
      %dma_wait3A_67 = arith.constant 0 : i32
      %dma_wait3A_68 = arith.constant 0 : i32
      %dma_wait3A_69 = tpu.memref_slice %arg6[%dma_wait3A_67, %dma_wait3A_68] : memref<10000x128xf32, #tpu.memory_space<vmem_shared>> -> memref<10000x128xf32, #tpu.memory_space<vmem_shared>>
      tpu.wait_indirect_dma semaphore(%run_scoped3A : memref<!tpu.dma_semaphore, #tpu.memory_space<semaphore_mem>>) src(%arg10 : memref<128x128xf32, #tpu.memory_space<vmem>>) dst(%dma_wait3A_69 : memref<10000x128xf32, #tpu.memory_space<vmem_shared>>)
      tpu.yield
    }) : () -> ()
    %barrier3A_57 = arith.constant 0 : index
    tpu.barrier barrier_id(%barrier3A_57)
    "tpu.region"() ({
      %run_scoped3A = tpu.sem_alloc : memref<!tpu.dma_semaphore, #tpu.memory_space<semaphore_mem>>
      %dma_start3A_58 = arith.constant 0 : i32
      %dma_start3A_59 = tpu.memref_slice %arg5[%arg0, %min3A_3, %dma_start3A_58] : memref<2x10000x128xf32, #tpu.memory_space<hbm>> -> memref<1x632x128xf32, #tpu.memory_space<hbm>>
      %dma_start3A_60 = tpu.memref_squeeze %dma_start3A_59 : memref<1x632x128xf32, #tpu.memory_space<hbm>> -> memref<632x128xf32, #tpu.memory_space<hbm>>
      %dma_start3A_61 = arith.constant 0 : i32
      %dma_start3A_62 = tpu.memref_slice %arg6[%min3A_3, %dma_start3A_61] : memref<10000x128xf32, #tpu.memory_space<vmem_shared>> -> memref<632x128xf32, #tpu.memory_space<vmem_shared>>
      tpu.enqueue_dma source(%dma_start3A_62 : memref<632x128xf32, #tpu.memory_space<vmem_shared>>) target(%dma_start3A_60 : memref<632x128xf32, #tpu.memory_space<hbm>>) target_semaphore(%run_scoped3A : memref<!tpu.dma_semaphore, #tpu.memory_space<semaphore_mem>>)
      %dma_wait3A_63 = arith.constant 0 : i32
      %dma_wait3A_64 = tpu.memref_slice %arg5[%arg0, %min3A_3, %dma_wait3A_63] : memref<2x10000x128xf32, #tpu.memory_space<hbm>> -> memref<1x632x128xf32, #tpu.memory_space<hbm>>
      %dma_wait3A_65 = tpu.memref_squeeze %dma_wait3A_64 : memref<1x632x128xf32, #tpu.memory_space<hbm>> -> memref<632x128xf32, #tpu.memory_space<hbm>>
      %dma_wait3A_66 = arith.constant 0 : i32
      %dma_wait3A_67 = tpu.memref_slice %arg6[%min3A_3, %dma_wait3A_66] : memref<10000x128xf32, #tpu.memory_space<vmem_shared>> -> memref<632x128xf32, #tpu.memory_space<vmem_shared>>
      tpu.wait_dma2 semaphore(%run_scoped3A : memref<!tpu.dma_semaphore, #tpu.memory_space<semaphore_mem>>) src(%dma_wait3A_67 : memref<632x128xf32, #tpu.memory_space<vmem_shared>>) dst(%dma_wait3A_65 : memref<632x128xf32, #tpu.memory_space<hbm>>)
      tpu.yield
    }) : () -> ()
    return
  }
}

#map = affine_map<(d0, d1) -> (0, 0)>
#map1 = affine_map<(d0, d1) -> (0, 0, 0)>
module attributes {stable_mosaic.version = 14 : i64} {
  func.func @_sc_scatter_body(%arg0: i32, %arg1: i32, %arg2: memref<10000x128xf32, #tpu.memory_space<hbm>>, %arg3: memref<2560x128xi32, #tpu.memory_space<hbm>>, %arg4: memref<2560x128xi32, #tpu.memory_space<hbm>>, %arg5: memref<2x10000x128xf32, #tpu.memory_space<hbm>>, %arg6: memref<10000x128xf32, #tpu.memory_space<vmem_shared>>, %arg7: memref<48x128xi32, #tpu.memory_space<vmem>>, %arg8: memref<48x128xi32, #tpu.memory_space<vmem>>, %arg9: memref<128x128xf32, #tpu.memory_space<vmem>>, %arg10: memref<128x128xf32, #tpu.memory_space<vmem>>, %arg11: memref<!tpu.dma_semaphore, #tpu.memory_space<semaphore_mem>>, %arg12: memref<!tpu.dma_semaphore, #tpu.memory_space<semaphore_mem>>) attributes {dimension_semantics = [#tpu.dimension_semantics<core_parallel>, #tpu.dimension_semantics<subcore_parallel>], iteration_bounds = array<i64: 2, 16>, scalar_prefetch = 0 : i64, scratch_operands = 7 : i64, tpu.core_type = #tpu.core_type<sc_vector_subcore>, window_params = [{transform_indices = #map}, {transform_indices = #map}, {transform_indices = #map}, {transform_indices = #map1}]} {
    %mul3A = arith.constant 16 : i32
    %mul3A_0 = arith.muli %arg0, %mul3A : i32
    %add3A = arith.addi %mul3A_0, %arg1 : i32
    %mul3A_1 = arith.constant 632 : i32
    %mul3A_2 = arith.muli %arg1, %mul3A_1 : i32
    %min3A = arith.constant 9368 : i32
    %min3A_3 = arith.minsi %mul3A_2, %min3A : i32
    %dma_start3A = arith.constant 0 : i32
    %dma_start3A_4 = tpu.memref_slice %arg6[%min3A_3, %dma_start3A] : memref<10000x128xf32, #tpu.memory_space<vmem_shared>> -> memref<632x128xf32, #tpu.memory_space<vmem_shared>>
    %dma_start3A_5 = arith.constant 0 : i32
    %dma_start3A_6 = tpu.memref_slice %arg2[%min3A_3, %dma_start3A_5] : memref<10000x128xf32, #tpu.memory_space<hbm>> -> memref<632x128xf32, #tpu.memory_space<hbm>>
    tpu.enqueue_dma source(%dma_start3A_6 : memref<632x128xf32, #tpu.memory_space<hbm>>) target(%dma_start3A_4 : memref<632x128xf32, #tpu.memory_space<vmem_shared>>) target_semaphore(%arg11 : memref<!tpu.dma_semaphore, #tpu.memory_space<semaphore_mem>>)
    %mul3A_7 = arith.constant 80 : i32
    %mul3A_8 = arith.muli %add3A, %mul3A_7 : i32
    "tpu.region"() ({
      %run_scoped3A = tpu.sem_alloc : memref<!tpu.dma_semaphore, #tpu.memory_space<semaphore_mem>>
      %dma_start3A_58 = arith.constant 0 : i32
      %dma_start3A_59 = tpu.memref_slice %arg3[%mul3A_8, %dma_start3A_58] : memref<2560x128xi32, #tpu.memory_space<hbm>> -> memref<48x128xi32, #tpu.memory_space<hbm>>
      %dma_start3A_60 = arith.constant 0 : i32
      %dma_start3A_61 = tpu.memref_slice %arg3[%mul3A_8, %dma_start3A_60] : memref<2560x128xi32, #tpu.memory_space<hbm>> -> memref<48x128xi32, #tpu.memory_space<hbm>>
      tpu.enqueue_dma source(%dma_start3A_61 : memref<48x128xi32, #tpu.memory_space<hbm>>) target(%arg7 : memref<48x128xi32, #tpu.memory_space<vmem>>) target_semaphore(%run_scoped3A : memref<!tpu.dma_semaphore, #tpu.memory_space<semaphore_mem>>)
      %dma_wait3A_62 = arith.constant 0 : i32
      %dma_wait3A_63 = tpu.memref_slice %arg3[%mul3A_8, %dma_wait3A_62] : memref<2560x128xi32, #tpu.memory_space<hbm>> -> memref<48x128xi32, #tpu.memory_space<hbm>>
      %dma_wait3A_64 = arith.constant 0 : i32
      %dma_wait3A_65 = tpu.memref_slice %arg3[%mul3A_8, %dma_wait3A_64] : memref<2560x128xi32, #tpu.memory_space<hbm>> -> memref<48x128xi32, #tpu.memory_space<hbm>>
      tpu.wait_dma2 semaphore(%run_scoped3A : memref<!tpu.dma_semaphore, #tpu.memory_space<semaphore_mem>>) src(%dma_wait3A_65 : memref<48x128xi32, #tpu.memory_space<hbm>>) dst(%arg7 : memref<48x128xi32, #tpu.memory_space<vmem>>)
      tpu.yield
    }) : () -> ()
    "tpu.region"() ({
      %run_scoped3A = tpu.sem_alloc : memref<!tpu.dma_semaphore, #tpu.memory_space<semaphore_mem>>
      %dma_start3A_58 = arith.constant 0 : i32
      %dma_start3A_59 = tpu.memref_slice %arg4[%mul3A_8, %dma_start3A_58] : memref<2560x128xi32, #tpu.memory_space<hbm>> -> memref<48x128xi32, #tpu.memory_space<hbm>>
      %dma_start3A_60 = arith.constant 0 : i32
      %dma_start3A_61 = tpu.memref_slice %arg4[%mul3A_8, %dma_start3A_60] : memref<2560x128xi32, #tpu.memory_space<hbm>> -> memref<48x128xi32, #tpu.memory_space<hbm>>
      tpu.enqueue_dma source(%dma_start3A_61 : memref<48x128xi32, #tpu.memory_space<hbm>>) target(%arg8 : memref<48x128xi32, #tpu.memory_space<vmem>>) target_semaphore(%run_scoped3A : memref<!tpu.dma_semaphore, #tpu.memory_space<semaphore_mem>>)
      %dma_wait3A_62 = arith.constant 0 : i32
      %dma_wait3A_63 = tpu.memref_slice %arg4[%mul3A_8, %dma_wait3A_62] : memref<2560x128xi32, #tpu.memory_space<hbm>> -> memref<48x128xi32, #tpu.memory_space<hbm>>
      %dma_wait3A_64 = arith.constant 0 : i32
      %dma_wait3A_65 = tpu.memref_slice %arg4[%mul3A_8, %dma_wait3A_64] : memref<2560x128xi32, #tpu.memory_space<hbm>> -> memref<48x128xi32, #tpu.memory_space<hbm>>
      tpu.wait_dma2 semaphore(%run_scoped3A : memref<!tpu.dma_semaphore, #tpu.memory_space<semaphore_mem>>) src(%dma_wait3A_65 : memref<48x128xi32, #tpu.memory_space<hbm>>) dst(%arg8 : memref<48x128xi32, #tpu.memory_space<vmem>>)
      tpu.yield
    }) : () -> ()
    %dma_wait3A = arith.constant 0 : i32
    %dma_wait3A_9 = tpu.memref_slice %arg6[%min3A_3, %dma_wait3A] : memref<10000x128xf32, #tpu.memory_space<vmem_shared>> -> memref<632x128xf32, #tpu.memory_space<vmem_shared>>
    %dma_wait3A_10 = arith.constant 0 : i32
    %dma_wait3A_11 = tpu.memref_slice %arg2[%min3A_3, %dma_wait3A_10] : memref<10000x128xf32, #tpu.memory_space<hbm>> -> memref<632x128xf32, #tpu.memory_space<hbm>>
    tpu.wait_dma2 semaphore(%arg11 : memref<!tpu.dma_semaphore, #tpu.memory_space<semaphore_mem>>) src(%dma_wait3A_11 : memref<632x128xf32, #tpu.memory_space<hbm>>) dst(%dma_wait3A_9 : memref<632x128xf32, #tpu.memory_space<vmem_shared>>)
    %barrier3A = arith.constant 0 : index
    tpu.barrier barrier_id(%barrier3A)
    %dma_start3A_12 = arith.constant 0 : i32
    %dma_start3A_13 = arith.constant 0 : i32
    %dma_start3A_14 = tpu.memref_slice %arg7[%dma_start3A_12, %dma_start3A_13] : memref<48x128xi32, #tpu.memory_space<vmem>> -> memref<1x128xi32, #tpu.memory_space<vmem>>
    %dma_start3A_15 = tpu.memref_squeeze %dma_start3A_14 : memref<1x128xi32, #tpu.memory_space<vmem>> -> memref<128xi32, #tpu.memory_space<vmem>>
    %dma_start3A_16 = arith.constant 0 : i32
    %dma_start3A_17 = arith.constant 0 : i32
    %dma_start3A_18 = tpu.memref_slice %arg2[%dma_start3A_16, %dma_start3A_17] : memref<10000x128xf32, #tpu.memory_space<hbm>> -> memref<10000x128xf32, #tpu.memory_space<hbm>>
    tpu.enqueue_indirect_dma source(%dma_start3A_18 : memref<10000x128xf32, #tpu.memory_space<hbm>>) target(%arg9 : memref<128x128xf32, #tpu.memory_space<vmem>>) offsets(%dma_start3A_15 : memref<128xi32, #tpu.memory_space<vmem>>) semaphore(%arg11 : memref<!tpu.dma_semaphore, #tpu.memory_space<semaphore_mem>>)
    %dma_start3A_19 = arith.constant 1 : i32
    %dma_start3A_20 = arith.constant 0 : i32
    %dma_start3A_21 = tpu.memref_slice %arg7[%dma_start3A_19, %dma_start3A_20] : memref<48x128xi32, #tpu.memory_space<vmem>> -> memref<1x128xi32, #tpu.memory_space<vmem>>
    %dma_start3A_22 = tpu.memref_squeeze %dma_start3A_21 : memref<1x128xi32, #tpu.memory_space<vmem>> -> memref<128xi32, #tpu.memory_space<vmem>>
    %dma_start3A_23 = arith.constant 0 : i32
    %dma_start3A_24 = arith.constant 0 : i32
    %dma_start3A_25 = tpu.memref_slice %arg2[%dma_start3A_23, %dma_start3A_24] : memref<10000x128xf32, #tpu.memory_space<hbm>> -> memref<10000x128xf32, #tpu.memory_space<hbm>>
    tpu.enqueue_indirect_dma source(%dma_start3A_25 : memref<10000x128xf32, #tpu.memory_space<hbm>>) target(%arg10 : memref<128x128xf32, #tpu.memory_space<vmem>>) offsets(%dma_start3A_22 : memref<128xi32, #tpu.memory_space<vmem>>) semaphore(%arg12 : memref<!tpu.dma_semaphore, #tpu.memory_space<semaphore_mem>>)
    %scan3A = arith.constant 0 : i32
    %scan3A_26 = arith.constant 0 : i32
    %scan3A_27 = arith.constant 39 : i32
    %scan3A_28 = arith.addi %scan3A_26, %scan3A_27 : i32
    %scan3A_29 = arith.constant 1 : i32
    scf.for %scan3A_58 = %scan3A_26 to %scan3A_28 step %scan3A_29  : i32 {
      %mul3A_59 = arith.constant 2 : i32
      %mul3A_60 = arith.muli %mul3A_59, %scan3A_58 : i32
      %ge3A = arith.constant 48 : i32
      %ge3A_61 = arith.cmpi sge, %mul3A_60, %ge3A : i32
      %sub3A = arith.constant 48 : i32
      %sub3A_62 = arith.subi %mul3A_60, %sub3A : i32
      %select_n3A_63 = arith.select %ge3A_61, %sub3A_62, %mul3A_60 : i32
      %dma_wait3A_64 = arith.constant 0 : i32
      %dma_wait3A_65 = tpu.memref_slice %arg7[%select_n3A_63, %dma_wait3A_64] : memref<48x128xi32, #tpu.memory_space<vmem>> -> memref<1x128xi32, #tpu.memory_space<vmem>>
      %dma_wait3A_66 = tpu.memref_squeeze %dma_wait3A_65 : memref<1x128xi32, #tpu.memory_space<vmem>> -> memref<128xi32, #tpu.memory_space<vmem>>
      %dma_wait3A_67 = arith.constant 0 : i32
      %dma_wait3A_68 = arith.constant 0 : i32
      %dma_wait3A_69 = tpu.memref_slice %arg2[%dma_wait3A_67, %dma_wait3A_68] : memref<10000x128xf32, #tpu.memory_space<hbm>> -> memref<10000x128xf32, #tpu.memory_space<hbm>>
      tpu.wait_indirect_dma semaphore(%arg11 : memref<!tpu.dma_semaphore, #tpu.memory_space<semaphore_mem>>) src(%dma_wait3A_69 : memref<10000x128xf32, #tpu.memory_space<hbm>>) dst(%arg9 : memref<128x128xf32, #tpu.memory_space<vmem>>)
      %ge3A_70 = arith.constant 48 : i32
      %ge3A_71 = arith.cmpi sge, %mul3A_60, %ge3A_70 : i32
      %sub3A_72 = arith.constant 48 : i32
      %sub3A_73 = arith.subi %mul3A_60, %sub3A_72 : i32
      %select_n3A_74 = arith.select %ge3A_71, %sub3A_73, %mul3A_60 : i32
      "tpu.region"() ({
        %run_scoped3A = tpu.sem_alloc : memref<!tpu.dma_semaphore, #tpu.memory_space<semaphore_mem>>
        %dma_start3A_123 = arith.constant 0 : i32
        %dma_start3A_124 = tpu.memref_slice %arg8[%select_n3A_74, %dma_start3A_123] : memref<48x128xi32, #tpu.memory_space<vmem>> -> memref<1x128xi32, #tpu.memory_space<vmem>>
        %dma_start3A_125 = tpu.memref_squeeze %dma_start3A_124 : memref<1x128xi32, #tpu.memory_space<vmem>> -> memref<128xi32, #tpu.memory_space<vmem>>
        %dma_start3A_126 = arith.constant 0 : i32
        %dma_start3A_127 = arith.constant 0 : i32
        %dma_start3A_128 = tpu.memref_slice %arg6[%dma_start3A_126, %dma_start3A_127] : memref<10000x128xf32, #tpu.memory_space<vmem_shared>> -> memref<10000x128xf32, #tpu.memory_space<vmem_shared>>
        tpu.enqueue_indirect_dma source(%arg9 : memref<128x128xf32, #tpu.memory_space<vmem>>) target(%dma_start3A_128 : memref<10000x128xf32, #tpu.memory_space<vmem_shared>>) offsets(%dma_start3A_125 : memref<128xi32, #tpu.memory_space<vmem>>) semaphore(%run_scoped3A : memref<!tpu.dma_semaphore, #tpu.memory_space<semaphore_mem>>) {add = true}
        %dma_wait3A_129 = arith.constant 0 : i32
        %dma_wait3A_130 = tpu.memref_slice %arg8[%select_n3A_74, %dma_wait3A_129] : memref<48x128xi32, #tpu.memory_space<vmem>> -> memref<1x128xi32, #tpu.memory_space<vmem>>
        %dma_wait3A_131 = tpu.memref_squeeze %dma_wait3A_130 : memref<1x128xi32, #tpu.memory_space<vmem>> -> memref<128xi32, #tpu.memory_space<vmem>>
        %dma_wait3A_132 = arith.constant 0 : i32
        %dma_wait3A_133 = arith.constant 0 : i32
        %dma_wait3A_134 = tpu.memref_slice %arg6[%dma_wait3A_132, %dma_wait3A_133] : memref<10000x128xf32, #tpu.memory_space<vmem_shared>> -> memref<10000x128xf32, #tpu.memory_space<vmem_shared>>
        tpu.wait_indirect_dma semaphore(%run_scoped3A : memref<!tpu.dma_semaphore, #tpu.memory_space<semaphore_mem>>) src(%arg9 : memref<128x128xf32, #tpu.memory_space<vmem>>) dst(%dma_wait3A_134 : memref<10000x128xf32, #tpu.memory_space<vmem_shared>>)
        tpu.yield
      }) : () -> ()
      %eq3A = arith.constant 21 : i32
      %eq3A_75 = arith.cmpi eq, %scan3A_58, %eq3A : i32
      %convert_element_type3A = arith.extui %eq3A_75 : i1 to i32
      %cond3A = arith.constant 0 : i32
      %cond3A_76 = arith.cmpi ne, %convert_element_type3A, %cond3A : i32
      scf.if %cond3A_76 {
        %add3A_123 = arith.constant 48 : i32
        %add3A_124 = arith.addi %mul3A_8, %add3A_123 : i32
        "tpu.region"() ({
          %run_scoped3A = tpu.sem_alloc : memref<!tpu.dma_semaphore, #tpu.memory_space<semaphore_mem>>
          %dma_start3A_127 = arith.constant 0 : i32
          %dma_start3A_128 = arith.constant 0 : i32
          %dma_start3A_129 = tpu.memref_slice %arg7[%dma_start3A_127, %dma_start3A_128] : memref<48x128xi32, #tpu.memory_space<vmem>> -> memref<32x128xi32, #tpu.memory_space<vmem>>
          %dma_start3A_130 = arith.constant 0 : i32
          %dma_start3A_131 = tpu.memref_slice %arg3[%add3A_124, %dma_start3A_130] : memref<2560x128xi32, #tpu.memory_space<hbm>> -> memref<32x128xi32, #tpu.memory_space<hbm>>
          %dma_start3A_132 = arith.constant 0 : i32
          %dma_start3A_133 = arith.constant 0 : i32
          %dma_start3A_134 = tpu.memref_slice %arg7[%dma_start3A_132, %dma_start3A_133] : memref<48x128xi32, #tpu.memory_space<vmem>> -> memref<32x128xi32, #tpu.memory_space<vmem>>
          %dma_start3A_135 = arith.constant 0 : i32
          %dma_start3A_136 = tpu.memref_slice %arg3[%add3A_124, %dma_start3A_135] : memref<2560x128xi32, #tpu.memory_space<hbm>> -> memref<32x128xi32, #tpu.memory_space<hbm>>
          tpu.enqueue_dma source(%dma_start3A_136 : memref<32x128xi32, #tpu.memory_space<hbm>>) target(%dma_start3A_134 : memref<32x128xi32, #tpu.memory_space<vmem>>) target_semaphore(%run_scoped3A : memref<!tpu.dma_semaphore, #tpu.memory_space<semaphore_mem>>)
          %dma_wait3A_137 = arith.constant 0 : i32
          %dma_wait3A_138 = arith.constant 0 : i32
          %dma_wait3A_139 = tpu.memref_slice %arg7[%dma_wait3A_137, %dma_wait3A_138] : memref<48x128xi32, #tpu.memory_space<vmem>> -> memref<32x128xi32, #tpu.memory_space<vmem>>
          %dma_wait3A_140 = arith.constant 0 : i32
          %dma_wait3A_141 = tpu.memref_slice %arg3[%add3A_124, %dma_wait3A_140] : memref<2560x128xi32, #tpu.memory_space<hbm>> -> memref<32x128xi32, #tpu.memory_space<hbm>>
          %dma_wait3A_142 = arith.constant 0 : i32
          %dma_wait3A_143 = arith.constant 0 : i32
          %dma_wait3A_144 = tpu.memref_slice %arg7[%dma_wait3A_142, %dma_wait3A_143] : memref<48x128xi32, #tpu.memory_space<vmem>> -> memref<32x128xi32, #tpu.memory_space<vmem>>
          %dma_wait3A_145 = arith.constant 0 : i32
          %dma_wait3A_146 = tpu.memref_slice %arg3[%add3A_124, %dma_wait3A_145] : memref<2560x128xi32, #tpu.memory_space<hbm>> -> memref<32x128xi32, #tpu.memory_space<hbm>>
          tpu.wait_dma2 semaphore(%run_scoped3A : memref<!tpu.dma_semaphore, #tpu.memory_space<semaphore_mem>>) src(%dma_wait3A_146 : memref<32x128xi32, #tpu.memory_space<hbm>>) dst(%dma_wait3A_144 : memref<32x128xi32, #tpu.memory_space<vmem>>)
          tpu.yield
        }) : () -> ()
        %add3A_125 = arith.constant 48 : i32
        %add3A_126 = arith.addi %mul3A_8, %add3A_125 : i32
        "tpu.region"() ({
          %run_scoped3A = tpu.sem_alloc : memref<!tpu.dma_semaphore, #tpu.memory_space<semaphore_mem>>
          %dma_start3A_127 = arith.constant 0 : i32
          %dma_start3A_128 = arith.constant 0 : i32
          %dma_start3A_129 = tpu.memref_slice %arg8[%dma_start3A_127, %dma_start3A_128] : memref<48x128xi32, #tpu.memory_space<vmem>> -> memref<32x128xi32, #tpu.memory_space<vmem>>
          %dma_start3A_130 = arith.constant 0 : i32
          %dma_start3A_131 = tpu.memref_slice %arg4[%add3A_126, %dma_start3A_130] : memref<2560x128xi32, #tpu.memory_space<hbm>> -> memref<32x128xi32, #tpu.memory_space<hbm>>
          %dma_start3A_132 = arith.constant 0 : i32
          %dma_start3A_133 = arith.constant 0 : i32
          %dma_start3A_134 = tpu.memref_slice %arg8[%dma_start3A_132, %dma_start3A_133] : memref<48x128xi32, #tpu.memory_space<vmem>> -> memref<32x128xi32, #tpu.memory_space<vmem>>
          %dma_start3A_135 = arith.constant 0 : i32
          %dma_start3A_136 = tpu.memref_slice %arg4[%add3A_126, %dma_start3A_135] : memref<2560x128xi32, #tpu.memory_space<hbm>> -> memref<32x128xi32, #tpu.memory_space<hbm>>
          tpu.enqueue_dma source(%dma_start3A_136 : memref<32x128xi32, #tpu.memory_space<hbm>>) target(%dma_start3A_134 : memref<32x128xi32, #tpu.memory_space<vmem>>) target_semaphore(%run_scoped3A : memref<!tpu.dma_semaphore, #tpu.memory_space<semaphore_mem>>)
          %dma_wait3A_137 = arith.constant 0 : i32
          %dma_wait3A_138 = arith.constant 0 : i32
          %dma_wait3A_139 = tpu.memref_slice %arg8[%dma_wait3A_137, %dma_wait3A_138] : memref<48x128xi32, #tpu.memory_space<vmem>> -> memref<32x128xi32, #tpu.memory_space<vmem>>
          %dma_wait3A_140 = arith.constant 0 : i32
          %dma_wait3A_141 = tpu.memref_slice %arg4[%add3A_126, %dma_wait3A_140] : memref<2560x128xi32, #tpu.memory_space<hbm>> -> memref<32x128xi32, #tpu.memory_space<hbm>>
          %dma_wait3A_142 = arith.constant 0 : i32
          %dma_wait3A_143 = arith.constant 0 : i32
          %dma_wait3A_144 = tpu.memref_slice %arg8[%dma_wait3A_142, %dma_wait3A_143] : memref<48x128xi32, #tpu.memory_space<vmem>> -> memref<32x128xi32, #tpu.memory_space<vmem>>
          %dma_wait3A_145 = arith.constant 0 : i32
          %dma_wait3A_146 = tpu.memref_slice %arg4[%add3A_126, %dma_wait3A_145] : memref<2560x128xi32, #tpu.memory_space<hbm>> -> memref<32x128xi32, #tpu.memory_space<hbm>>
          tpu.wait_dma2 semaphore(%run_scoped3A : memref<!tpu.dma_semaphore, #tpu.memory_space<semaphore_mem>>) src(%dma_wait3A_146 : memref<32x128xi32, #tpu.memory_space<hbm>>) dst(%dma_wait3A_144 : memref<32x128xi32, #tpu.memory_space<vmem>>)
          tpu.yield
        }) : () -> ()
      } else {
      }
      %add3A_77 = arith.constant 2 : i32
      %add3A_78 = arith.addi %mul3A_60, %add3A_77 : i32
      %ge3A_79 = arith.constant 48 : i32
      %ge3A_80 = arith.cmpi sge, %add3A_78, %ge3A_79 : i32
      %sub3A_81 = arith.constant 48 : i32
      %sub3A_82 = arith.subi %add3A_78, %sub3A_81 : i32
      %select_n3A_83 = arith.select %ge3A_80, %sub3A_82, %add3A_78 : i32
      %dma_start3A_84 = arith.constant 0 : i32
      %dma_start3A_85 = tpu.memref_slice %arg7[%select_n3A_83, %dma_start3A_84] : memref<48x128xi32, #tpu.memory_space<vmem>> -> memref<1x128xi32, #tpu.memory_space<vmem>>
      %dma_start3A_86 = tpu.memref_squeeze %dma_start3A_85 : memref<1x128xi32, #tpu.memory_space<vmem>> -> memref<128xi32, #tpu.memory_space<vmem>>
      %dma_start3A_87 = arith.constant 0 : i32
      %dma_start3A_88 = arith.constant 0 : i32
      %dma_start3A_89 = tpu.memref_slice %arg2[%dma_start3A_87, %dma_start3A_88] : memref<10000x128xf32, #tpu.memory_space<hbm>> -> memref<10000x128xf32, #tpu.memory_space<hbm>>
      tpu.enqueue_indirect_dma source(%dma_start3A_89 : memref<10000x128xf32, #tpu.memory_space<hbm>>) target(%arg9 : memref<128x128xf32, #tpu.memory_space<vmem>>) offsets(%dma_start3A_86 : memref<128xi32, #tpu.memory_space<vmem>>) semaphore(%arg11 : memref<!tpu.dma_semaphore, #tpu.memory_space<semaphore_mem>>)
      %add3A_90 = arith.constant 1 : i32
      %add3A_91 = arith.addi %mul3A_60, %add3A_90 : i32
      %ge3A_92 = arith.constant 48 : i32
      %ge3A_93 = arith.cmpi sge, %add3A_91, %ge3A_92 : i32
      %sub3A_94 = arith.constant 48 : i32
      %sub3A_95 = arith.subi %add3A_91, %sub3A_94 : i32
      %select_n3A_96 = arith.select %ge3A_93, %sub3A_95, %add3A_91 : i32
      %dma_wait3A_97 = arith.constant 0 : i32
      %dma_wait3A_98 = tpu.memref_slice %arg7[%select_n3A_96, %dma_wait3A_97] : memref<48x128xi32, #tpu.memory_space<vmem>> -> memref<1x128xi32, #tpu.memory_space<vmem>>
      %dma_wait3A_99 = tpu.memref_squeeze %dma_wait3A_98 : memref<1x128xi32, #tpu.memory_space<vmem>> -> memref<128xi32, #tpu.memory_space<vmem>>
      %dma_wait3A_100 = arith.constant 0 : i32
      %dma_wait3A_101 = arith.constant 0 : i32
      %dma_wait3A_102 = tpu.memref_slice %arg2[%dma_wait3A_100, %dma_wait3A_101] : memref<10000x128xf32, #tpu.memory_space<hbm>> -> memref<10000x128xf32, #tpu.memory_space<hbm>>
      tpu.wait_indirect_dma semaphore(%arg12 : memref<!tpu.dma_semaphore, #tpu.memory_space<semaphore_mem>>) src(%dma_wait3A_102 : memref<10000x128xf32, #tpu.memory_space<hbm>>) dst(%arg10 : memref<128x128xf32, #tpu.memory_space<vmem>>)
      %add3A_103 = arith.constant 1 : i32
      %add3A_104 = arith.addi %mul3A_60, %add3A_103 : i32
      %ge3A_105 = arith.constant 48 : i32
      %ge3A_106 = arith.cmpi sge, %add3A_104, %ge3A_105 : i32
      %sub3A_107 = arith.constant 48 : i32
      %sub3A_108 = arith.subi %add3A_104, %sub3A_107 : i32
      %select_n3A_109 = arith.select %ge3A_106, %sub3A_108, %add3A_104 : i32
      "tpu.region"() ({
        %run_scoped3A = tpu.sem_alloc : memref<!tpu.dma_semaphore, #tpu.memory_space<semaphore_mem>>
        %dma_start3A_123 = arith.constant 0 : i32
        %dma_start3A_124 = tpu.memref_slice %arg8[%select_n3A_109, %dma_start3A_123] : memref<48x128xi32, #tpu.memory_space<vmem>> -> memref<1x128xi32, #tpu.memory_space<vmem>>
        %dma_start3A_125 = tpu.memref_squeeze %dma_start3A_124 : memref<1x128xi32, #tpu.memory_space<vmem>> -> memref<128xi32, #tpu.memory_space<vmem>>
        %dma_start3A_126 = arith.constant 0 : i32
        %dma_start3A_127 = arith.constant 0 : i32
        %dma_start3A_128 = tpu.memref_slice %arg6[%dma_start3A_126, %dma_start3A_127] : memref<10000x128xf32, #tpu.memory_space<vmem_shared>> -> memref<10000x128xf32, #tpu.memory_space<vmem_shared>>
        tpu.enqueue_indirect_dma source(%arg10 : memref<128x128xf32, #tpu.memory_space<vmem>>) target(%dma_start3A_128 : memref<10000x128xf32, #tpu.memory_space<vmem_shared>>) offsets(%dma_start3A_125 : memref<128xi32, #tpu.memory_space<vmem>>) semaphore(%run_scoped3A : memref<!tpu.dma_semaphore, #tpu.memory_space<semaphore_mem>>) {add = true}
        %dma_wait3A_129 = arith.constant 0 : i32
        %dma_wait3A_130 = tpu.memref_slice %arg8[%select_n3A_109, %dma_wait3A_129] : memref<48x128xi32, #tpu.memory_space<vmem>> -> memref<1x128xi32, #tpu.memory_space<vmem>>
        %dma_wait3A_131 = tpu.memref_squeeze %dma_wait3A_130 : memref<1x128xi32, #tpu.memory_space<vmem>> -> memref<128xi32, #tpu.memory_space<vmem>>
        %dma_wait3A_132 = arith.constant 0 : i32
        %dma_wait3A_133 = arith.constant 0 : i32
        %dma_wait3A_134 = tpu.memref_slice %arg6[%dma_wait3A_132, %dma_wait3A_133] : memref<10000x128xf32, #tpu.memory_space<vmem_shared>> -> memref<10000x128xf32, #tpu.memory_space<vmem_shared>>
        tpu.wait_indirect_dma semaphore(%run_scoped3A : memref<!tpu.dma_semaphore, #tpu.memory_space<semaphore_mem>>) src(%arg10 : memref<128x128xf32, #tpu.memory_space<vmem>>) dst(%dma_wait3A_134 : memref<10000x128xf32, #tpu.memory_space<vmem_shared>>)
        tpu.yield
      }) : () -> ()
      %add3A_110 = arith.constant 3 : i32
      %add3A_111 = arith.addi %mul3A_60, %add3A_110 : i32
      %ge3A_112 = arith.constant 48 : i32
      %ge3A_113 = arith.cmpi sge, %add3A_111, %ge3A_112 : i32
      %sub3A_114 = arith.constant 48 : i32
      %sub3A_115 = arith.subi %add3A_111, %sub3A_114 : i32
      %select_n3A_116 = arith.select %ge3A_113, %sub3A_115, %add3A_111 : i32
      %dma_start3A_117 = arith.constant 0 : i32
      %dma_start3A_118 = tpu.memref_slice %arg7[%select_n3A_116, %dma_start3A_117] : memref<48x128xi32, #tpu.memory_space<vmem>> -> memref<1x128xi32, #tpu.memory_space<vmem>>
      %dma_start3A_119 = tpu.memref_squeeze %dma_start3A_118 : memref<1x128xi32, #tpu.memory_space<vmem>> -> memref<128xi32, #tpu.memory_space<vmem>>
      %dma_start3A_120 = arith.constant 0 : i32
      %dma_start3A_121 = arith.constant 0 : i32
      %dma_start3A_122 = tpu.memref_slice %arg2[%dma_start3A_120, %dma_start3A_121] : memref<10000x128xf32, #tpu.memory_space<hbm>> -> memref<10000x128xf32, #tpu.memory_space<hbm>>
      tpu.enqueue_indirect_dma source(%dma_start3A_122 : memref<10000x128xf32, #tpu.memory_space<hbm>>) target(%arg10 : memref<128x128xf32, #tpu.memory_space<vmem>>) offsets(%dma_start3A_119 : memref<128xi32, #tpu.memory_space<vmem>>) semaphore(%arg12 : memref<!tpu.dma_semaphore, #tpu.memory_space<semaphore_mem>>)
    }
    %scan3A_30 = arith.constant 39 : i32
    %jit3A = arith.constant true
    %jit3A_31 = arith.constant 30 : i32
    %jit3A_32 = arith.constant 78 : i32
    %select_n3A = arith.select %jit3A, %jit3A_31, %jit3A_32 : i32
    %dma_wait3A_33 = arith.constant 0 : i32
    %dma_wait3A_34 = tpu.memref_slice %arg7[%select_n3A, %dma_wait3A_33] : memref<48x128xi32, #tpu.memory_space<vmem>> -> memref<1x128xi32, #tpu.memory_space<vmem>>
    %dma_wait3A_35 = tpu.memref_squeeze %dma_wait3A_34 : memref<1x128xi32, #tpu.memory_space<vmem>> -> memref<128xi32, #tpu.memory_space<vmem>>
    %dma_wait3A_36 = arith.constant 0 : i32
    %dma_wait3A_37 = arith.constant 0 : i32
    %dma_wait3A_38 = tpu.memref_slice %arg2[%dma_wait3A_36, %dma_wait3A_37] : memref<10000x128xf32, #tpu.memory_space<hbm>> -> memref<10000x128xf32, #tpu.memory_space<hbm>>
    tpu.wait_indirect_dma semaphore(%arg11 : memref<!tpu.dma_semaphore, #tpu.memory_space<semaphore_mem>>) src(%dma_wait3A_38 : memref<10000x128xf32, #tpu.memory_space<hbm>>) dst(%arg9 : memref<128x128xf32, #tpu.memory_space<vmem>>)
    %jit3A_39 = arith.constant true
    %jit3A_40 = arith.constant 30 : i32
    %jit3A_41 = arith.constant 78 : i32
    %select_n3A_42 = arith.select %jit3A_39, %jit3A_40, %jit3A_41 : i32
    "tpu.region"() ({
      %run_scoped3A = tpu.sem_alloc : memref<!tpu.dma_semaphore, #tpu.memory_space<semaphore_mem>>
      %dma_start3A_58 = arith.constant 0 : i32
      %dma_start3A_59 = tpu.memref_slice %arg8[%select_n3A_42, %dma_start3A_58] : memref<48x128xi32, #tpu.memory_space<vmem>> -> memref<1x128xi32, #tpu.memory_space<vmem>>
      %dma_start3A_60 = tpu.memref_squeeze %dma_start3A_59 : memref<1x128xi32, #tpu.memory_space<vmem>> -> memref<128xi32, #tpu.memory_space<vmem>>
      %dma_start3A_61 = arith.constant 0 : i32
      %dma_start3A_62 = arith.constant 0 : i32
      %dma_start3A_63 = tpu.memref_slice %arg6[%dma_start3A_61, %dma_start3A_62] : memref<10000x128xf32, #tpu.memory_space<vmem_shared>> -> memref<10000x128xf32, #tpu.memory_space<vmem_shared>>
      tpu.enqueue_indirect_dma source(%arg9 : memref<128x128xf32, #tpu.memory_space<vmem>>) target(%dma_start3A_63 : memref<10000x128xf32, #tpu.memory_space<vmem_shared>>) offsets(%dma_start3A_60 : memref<128xi32, #tpu.memory_space<vmem>>) semaphore(%run_scoped3A : memref<!tpu.dma_semaphore, #tpu.memory_space<semaphore_mem>>) {add = true}
      %dma_wait3A_64 = arith.constant 0 : i32
      %dma_wait3A_65 = tpu.memref_slice %arg8[%select_n3A_42, %dma_wait3A_64] : memref<48x128xi32, #tpu.memory_space<vmem>> -> memref<1x128xi32, #tpu.memory_space<vmem>>
      %dma_wait3A_66 = tpu.memref_squeeze %dma_wait3A_65 : memref<1x128xi32, #tpu.memory_space<vmem>> -> memref<128xi32, #tpu.memory_space<vmem>>
      %dma_wait3A_67 = arith.constant 0 : i32
      %dma_wait3A_68 = arith.constant 0 : i32
      %dma_wait3A_69 = tpu.memref_slice %arg6[%dma_wait3A_67, %dma_wait3A_68] : memref<10000x128xf32, #tpu.memory_space<vmem_shared>> -> memref<10000x128xf32, #tpu.memory_space<vmem_shared>>
      tpu.wait_indirect_dma semaphore(%run_scoped3A : memref<!tpu.dma_semaphore, #tpu.memory_space<semaphore_mem>>) src(%arg9 : memref<128x128xf32, #tpu.memory_space<vmem>>) dst(%dma_wait3A_69 : memref<10000x128xf32, #tpu.memory_space<vmem_shared>>)
      tpu.yield
    }) : () -> ()
    %jit3A_43 = arith.constant true
    %jit3A_44 = arith.constant 31 : i32
    %jit3A_45 = arith.constant 79 : i32
    %select_n3A_46 = arith.select %jit3A_43, %jit3A_44, %jit3A_45 : i32
    %dma_wait3A_47 = arith.constant 0 : i32
    %dma_wait3A_48 = tpu.memref_slice %arg7[%select_n3A_46, %dma_wait3A_47] : memref<48x128xi32, #tpu.memory_space<vmem>> -> memref<1x128xi32, #tpu.memory_space<vmem>>
    %dma_wait3A_49 = tpu.memref_squeeze %dma_wait3A_48 : memref<1x128xi32, #tpu.memory_space<vmem>> -> memref<128xi32, #tpu.memory_space<vmem>>
    %dma_wait3A_50 = arith.constant 0 : i32
    %dma_wait3A_51 = arith.constant 0 : i32
    %dma_wait3A_52 = tpu.memref_slice %arg2[%dma_wait3A_50, %dma_wait3A_51] : memref<10000x128xf32, #tpu.memory_space<hbm>> -> memref<10000x128xf32, #tpu.memory_space<hbm>>
    tpu.wait_indirect_dma semaphore(%arg12 : memref<!tpu.dma_semaphore, #tpu.memory_space<semaphore_mem>>) src(%dma_wait3A_52 : memref<10000x128xf32, #tpu.memory_space<hbm>>) dst(%arg10 : memref<128x128xf32, #tpu.memory_space<vmem>>)
    %jit3A_53 = arith.constant true
    %jit3A_54 = arith.constant 31 : i32
    %jit3A_55 = arith.constant 79 : i32
    %select_n3A_56 = arith.select %jit3A_53, %jit3A_54, %jit3A_55 : i32
    "tpu.region"() ({
      %run_scoped3A = tpu.sem_alloc : memref<!tpu.dma_semaphore, #tpu.memory_space<semaphore_mem>>
      %dma_start3A_58 = arith.constant 0 : i32
      %dma_start3A_59 = tpu.memref_slice %arg8[%select_n3A_56, %dma_start3A_58] : memref<48x128xi32, #tpu.memory_space<vmem>> -> memref<1x128xi32, #tpu.memory_space<vmem>>
      %dma_start3A_60 = tpu.memref_squeeze %dma_start3A_59 : memref<1x128xi32, #tpu.memory_space<vmem>> -> memref<128xi32, #tpu.memory_space<vmem>>
      %dma_start3A_61 = arith.constant 0 : i32
      %dma_start3A_62 = arith.constant 0 : i32
      %dma_start3A_63 = tpu.memref_slice %arg6[%dma_start3A_61, %dma_start3A_62] : memref<10000x128xf32, #tpu.memory_space<vmem_shared>> -> memref<10000x128xf32, #tpu.memory_space<vmem_shared>>
      tpu.enqueue_indirect_dma source(%arg10 : memref<128x128xf32, #tpu.memory_space<vmem>>) target(%dma_start3A_63 : memref<10000x128xf32, #tpu.memory_space<vmem_shared>>) offsets(%dma_start3A_60 : memref<128xi32, #tpu.memory_space<vmem>>) semaphore(%run_scoped3A : memref<!tpu.dma_semaphore, #tpu.memory_space<semaphore_mem>>) {add = true}
      %dma_wait3A_64 = arith.constant 0 : i32
      %dma_wait3A_65 = tpu.memref_slice %arg8[%select_n3A_56, %dma_wait3A_64] : memref<48x128xi32, #tpu.memory_space<vmem>> -> memref<1x128xi32, #tpu.memory_space<vmem>>
      %dma_wait3A_66 = tpu.memref_squeeze %dma_wait3A_65 : memref<1x128xi32, #tpu.memory_space<vmem>> -> memref<128xi32, #tpu.memory_space<vmem>>
      %dma_wait3A_67 = arith.constant 0 : i32
      %dma_wait3A_68 = arith.constant 0 : i32
      %dma_wait3A_69 = tpu.memref_slice %arg6[%dma_wait3A_67, %dma_wait3A_68] : memref<10000x128xf32, #tpu.memory_space<vmem_shared>> -> memref<10000x128xf32, #tpu.memory_space<vmem_shared>>
      tpu.wait_indirect_dma semaphore(%run_scoped3A : memref<!tpu.dma_semaphore, #tpu.memory_space<semaphore_mem>>) src(%arg10 : memref<128x128xf32, #tpu.memory_space<vmem>>) dst(%dma_wait3A_69 : memref<10000x128xf32, #tpu.memory_space<vmem_shared>>)
      tpu.yield
    }) : () -> ()
    %barrier3A_57 = arith.constant 0 : index
    tpu.barrier barrier_id(%barrier3A_57)
    "tpu.region"() ({
      %run_scoped3A = tpu.sem_alloc : memref<!tpu.dma_semaphore, #tpu.memory_space<semaphore_mem>>
      %dma_start3A_58 = arith.constant 0 : i32
      %dma_start3A_59 = tpu.memref_slice %arg5[%arg0, %min3A_3, %dma_start3A_58] : memref<2x10000x128xf32, #tpu.memory_space<hbm>> -> memref<1x632x128xf32, #tpu.memory_space<hbm>>
      %dma_start3A_60 = tpu.memref_squeeze %dma_start3A_59 : memref<1x632x128xf32, #tpu.memory_space<hbm>> -> memref<632x128xf32, #tpu.memory_space<hbm>>
      %dma_start3A_61 = arith.constant 0 : i32
      %dma_start3A_62 = tpu.memref_slice %arg6[%min3A_3, %dma_start3A_61] : memref<10000x128xf32, #tpu.memory_space<vmem_shared>> -> memref<632x128xf32, #tpu.memory_space<vmem_shared>>
      tpu.enqueue_dma source(%dma_start3A_62 : memref<632x128xf32, #tpu.memory_space<vmem_shared>>) target(%dma_start3A_60 : memref<632x128xf32, #tpu.memory_space<hbm>>) target_semaphore(%run_scoped3A : memref<!tpu.dma_semaphore, #tpu.memory_space<semaphore_mem>>)
      %dma_wait3A_63 = arith.constant 0 : i32
      %dma_wait3A_64 = tpu.memref_slice %arg5[%arg0, %min3A_3, %dma_wait3A_63] : memref<2x10000x128xf32, #tpu.memory_space<hbm>> -> memref<1x632x128xf32, #tpu.memory_space<hbm>>
      %dma_wait3A_65 = tpu.memref_squeeze %dma_wait3A_64 : memref<1x632x128xf32, #tpu.memory_space<hbm>> -> memref<632x128xf32, #tpu.memory_space<hbm>>
      %dma_wait3A_66 = arith.constant 0 : i32
      %dma_wait3A_67 = tpu.memref_slice %arg6[%min3A_3, %dma_wait3A_66] : memref<10000x128xf32, #tpu.memory_space<vmem_shared>> -> memref<632x128xf32, #tpu.memory_space<vmem_shared>>
      tpu.wait_dma2 semaphore(%run_scoped3A : memref<!tpu.dma_semaphore, #tpu.memory_space<semaphore_mem>>) src(%dma_wait3A_67 : memref<632x128xf32, #tpu.memory_space<vmem_shared>>) dst(%dma_wait3A_65 : memref<632x128xf32, #tpu.memory_space<hbm>>)
      tpu.yield
    }) : () -> ()
    return
  }
}

module attributes {stable_mosaic.version = 14 : i64} {
  func.func @_tc_enc_body(%arg0: i32, %arg1: memref<2x2000x128xf32, #tpu.memory_space<vmem>>, %arg2: memref<2000x128xf32, #tpu.memory_space<vmem>>, %arg3: memref<128x128xf32, #tpu.memory_space<vmem>>, %arg4: memref<1x128xf32, #tpu.memory_space<vmem>>, %arg5: memref<128x128xf32, #tpu.memory_space<vmem>>, %arg6: memref<2000x128xf32, #tpu.memory_space<vmem>>, %arg7: memref<2000x1xf32, #tpu.memory_space<vmem>>) attributes {dimension_semantics = [#tpu.dimension_semantics<arbitrary>], iteration_bounds = array<i64: 5>, scalar_prefetch = 0 : i64, scratch_operands = 0 : i64, tpu.core_type = #tpu.core_type<tc>, window_params = [{transform_indices = @transform_0, window_bounds = array<i64: 2, 2000, 128>}, {transform_indices = @transform_1, window_bounds = array<i64: 2000, 128>}, {pipeline_mode = #tpu.pipeline_mode<synchronous>, transform_indices = @transform_2, window_bounds = array<i64: 128, 128>}, {pipeline_mode = #tpu.pipeline_mode<synchronous>, transform_indices = @transform_3, window_bounds = array<i64: 1, 128>}, {pipeline_mode = #tpu.pipeline_mode<synchronous>, transform_indices = @transform_4, window_bounds = array<i64: 128, 128>}, {transform_indices = @transform_5, window_bounds = array<i64: 2000, 128>}, {transform_indices = @transform_6, window_bounds = array<i64: 2000, 1>}]} {
    %get3A = arith.constant 0 : index
    %get3A_0 = arith.constant 0 : index
    %get3A_1 = arith.constant 0 : index
    %get3A_2 = vector.load %arg1[%get3A, %get3A_0, %get3A_1] : memref<2x2000x128xf32, #tpu.memory_space<vmem>>, vector<1x2000x1xf32>
    %get3A_3 = vector.shape_cast %get3A_2 : vector<1x2000x1xf32> to vector<2000xf32>
    %get3A_4 = arith.constant 1 : index
    %get3A_5 = arith.constant 0 : index
    %get3A_6 = arith.constant 0 : index
    %get3A_7 = vector.load %arg1[%get3A_4, %get3A_5, %get3A_6] : memref<2x2000x128xf32, #tpu.memory_space<vmem>>, vector<1x2000x1xf32>
    %get3A_8 = vector.shape_cast %get3A_7 : vector<1x2000x1xf32> to vector<2000xf32>
    %add3A = arith.addf %get3A_3, %get3A_8 : vector<2000xf32>
    %get3A_9 = arith.constant 0 : index
    %get3A_10 = arith.constant 0 : index
    %get3A_11 = vector.load %arg2[%get3A_9, %get3A_10] : memref<2000x128xf32, #tpu.memory_space<vmem>>, vector<2000x1xf32>
    %get3A_12 = vector.shape_cast %get3A_11 : vector<2000x1xf32> to vector<2000xf32>
    %mul3A = arith.constant 2.000000e+00 : f32
    %mul3A_13 = vector.broadcast %mul3A : f32 to vector<2000xf32>
    %mul3A_14 = arith.mulf %mul3A_13, %get3A_12 : vector<2000xf32>
    %sub3A = arith.subf %add3A, %mul3A_14 : vector<2000xf32>
    %add3A_15 = arith.constant 1.000000e+00 : f32
    %add3A_16 = vector.broadcast %add3A_15 : f32 to vector<2000xf32>
    %add3A_17 = arith.addf %sub3A, %add3A_16 : vector<2000xf32>
    %iota3A = tpu.iota {dimensions = array<i32: 0>} : vector<2000x1xi32>
    %mul3A_18 = arith.constant 2000 : i32
    %mul3A_19 = arith.muli %arg0, %mul3A_18 : i32
    %add3A_20 = vector.broadcast %mul3A_19 : i32 to vector<2000x1xi32>
    %add3A_21 = arith.addi %iota3A, %add3A_20 : vector<2000x1xi32>
    %lt3A = arith.constant 7680 : i32
    %lt3A_22 = vector.broadcast %lt3A : i32 to vector<2000x1xi32>
    %lt3A_23 = arith.cmpi slt, %add3A_21, %lt3A_22 : vector<2000x1xi32>
    %convert_element_type3A = arith.extui %lt3A_23 : vector<2000x1xi1> to vector<2000x1xi32>
    %convert_element_type3A_24 = arith.sitofp %convert_element_type3A : vector<2000x1xi32> to vector<2000x1xf32>
    %squeeze3A = vector.shape_cast %convert_element_type3A_24 : vector<2000x1xf32> to vector<2000xf32>
    %sub3A_25 = arith.subf %add3A_17, %squeeze3A : vector<2000xf32>
    %rsqrt3A = math.rsqrt %sub3A_25 : vector<2000xf32>
    %broadcast_in_dim3A = vector.shape_cast %rsqrt3A : vector<2000xf32> to vector<2000x1xf32>
    %get3A_26 = arith.constant 0 : index
    %get3A_27 = arith.constant 0 : index
    %get3A_28 = vector.load %arg2[%get3A_26, %get3A_27] : memref<2000x128xf32, #tpu.memory_space<vmem>>, vector<2000x128xf32>
    %get3A_29 = arith.constant 0 : index
    %get3A_30 = arith.constant 0 : index
    %get3A_31 = vector.load %arg3[%get3A_29, %get3A_30] : memref<128x128xf32, #tpu.memory_space<vmem>>, vector<128x128xf32>
    %dot_general3A = arith.constant dense<0.000000e+00> : vector<2000x128xf32>
    %dot_general3A_32 = tpu.matmul %get3A_28, %get3A_31, %dot_general3A {dimension_numbers = #tpu.dot_dimension_numbers<[1], [0], [0], [1], [0, 0, 1, 1], [], []>, transpose_lhs_hint = false} : vector<2000x128xf32>, vector<128x128xf32>, vector<2000x128xf32> -> vector<2000x128xf32>
    %get3A_33 = arith.constant 0 : index
    %get3A_34 = arith.constant 0 : index
    %get3A_35 = vector.load %arg4[%get3A_33, %get3A_34] : memref<1x128xf32, #tpu.memory_space<vmem>>, vector<1x128xf32>
    %add3A_36 = vector.broadcast %get3A_35 : vector<1x128xf32> to vector<2000x128xf32>
    %add3A_37 = arith.addf %dot_general3A_32, %add3A_36 : vector<2000x128xf32>
    %get3A_38 = arith.constant 0 : index
    %get3A_39 = arith.constant 0 : index
    %get3A_40 = vector.load %arg5[%get3A_38, %get3A_39] : memref<128x128xf32, #tpu.memory_space<vmem>>, vector<128x128xf32>
    %dot_general3A_41 = arith.constant dense<0.000000e+00> : vector<2000x128xf32>
    %dot_general3A_42 = tpu.matmul %add3A_37, %get3A_40, %dot_general3A_41 {dimension_numbers = #tpu.dot_dimension_numbers<[1], [0], [0], [1], [0, 0, 1, 1], [], []>, transpose_lhs_hint = false} : vector<2000x128xf32>, vector<128x128xf32>, vector<2000x128xf32> -> vector<2000x128xf32>
    %mul3A_43 = vector.broadcast %broadcast_in_dim3A : vector<2000x1xf32> to vector<2000x128xf32>
    %mul3A_44 = arith.mulf %mul3A_43, %dot_general3A_42 : vector<2000x128xf32>
    %swap3A = arith.constant 0 : index
    %swap3A_45 = arith.constant 0 : index
    %swap3A_46 = vector.load %arg6[%swap3A, %swap3A_45] : memref<2000x128xf32, #tpu.memory_space<vmem>>, vector<2000x128xf32>
    tpu.vector_store %arg6[%swap3A, %swap3A_45], %mul3A_44 {strides = array<i32>} : memref<2000x128xf32, #tpu.memory_space<vmem>>, vector<2000x128xf32>,
    %swap3A_47 = arith.constant 0 : index
    %swap3A_48 = arith.constant 0 : index
    %swap3A_49 = vector.load %arg7[%swap3A_47, %swap3A_48] : memref<2000x1xf32, #tpu.memory_space<vmem>>, vector<2000x1xf32>
    tpu.vector_store %arg7[%swap3A_47, %swap3A_48], %broadcast_in_dim3A {strides = array<i32>} : memref<2000x1xf32, #tpu.memory_space<vmem>>, vector<2000x1xf32>,
    return
  }
  func.func @transform_0(%arg0: i32) -> (i32, i32, i32) {
    %c0_i32 = arith.constant 0 : i32
    %c0_i32_0 = arith.constant 0 : i32
    %c0_i32_1 = arith.constant 0 : i32
    return %c0_i32, %arg0, %c0_i32_0 : i32, i32, i32
  }
  func.func @transform_1(%arg0: i32) -> (i32, i32) {
    %c0_i32 = arith.constant 0 : i32
    %c0_i32_0 = arith.constant 0 : i32
    return %arg0, %c0_i32 : i32, i32
  }
  func.func @transform_2(%arg0: i32) -> (i32, i32) {
    %c0_i32 = arith.constant 0 : i32
    %c0_i32_0 = arith.constant 0 : i32
    %c0_i32_1 = arith.constant 0 : i32
    return %c0_i32, %c0_i32_0 : i32, i32
  }
  func.func @transform_3(%arg0: i32) -> (i32, i32) {
    %c0_i32 = arith.constant 0 : i32
    %c0_i32_0 = arith.constant 0 : i32
    %c0_i32_1 = arith.constant 0 : i32
    return %c0_i32, %c0_i32_0 : i32, i32
  }
  func.func @transform_4(%arg0: i32) -> (i32, i32) {
    %c0_i32 = arith.constant 0 : i32
    %c0_i32_0 = arith.constant 0 : i32
    %c0_i32_1 = arith.constant 0 : i32
    return %c0_i32, %c0_i32_0 : i32, i32
  }
  func.func @transform_5(%arg0: i32) -> (i32, i32) {
    %c0_i32 = arith.constant 0 : i32
    %c0_i32_0 = arith.constant 0 : i32
    return %arg0, %c0_i32 : i32, i32
  }
  func.func @transform_6(%arg0: i32) -> (i32, i32) {
    %c0_i32 = arith.constant 0 : i32
    %c0_i32_0 = arith.constant 0 : i32
    return %arg0, %c0_i32 : i32, i32
  }
}

module attributes {stable_mosaic.version = 14 : i64} {
  func.func @_tc_mid_body(%arg0: i32, %arg1: memref<2x2000x128xf32, #tpu.memory_space<vmem>>, %arg2: memref<2000x128xf32, #tpu.memory_space<vmem>>, %arg3: memref<2000x1xf32, #tpu.memory_space<vmem>>, %arg4: memref<1x128xf32, #tpu.memory_space<vmem>>, %arg5: memref<128x128xf32, #tpu.memory_space<vmem>>, %arg6: memref<2000x128xf32, #tpu.memory_space<vmem>>) attributes {dimension_semantics = [#tpu.dimension_semantics<arbitrary>], iteration_bounds = array<i64: 5>, scalar_prefetch = 0 : i64, scratch_operands = 0 : i64, tpu.core_type = #tpu.core_type<tc>, window_params = [{transform_indices = @transform_0, window_bounds = array<i64: 2, 2000, 128>}, {transform_indices = @transform_1, window_bounds = array<i64: 2000, 128>}, {transform_indices = @transform_2, window_bounds = array<i64: 2000, 1>}, {pipeline_mode = #tpu.pipeline_mode<synchronous>, transform_indices = @transform_3, window_bounds = array<i64: 1, 128>}, {pipeline_mode = #tpu.pipeline_mode<synchronous>, transform_indices = @transform_4, window_bounds = array<i64: 128, 128>}, {transform_indices = @transform_5, window_bounds = array<i64: 2000, 128>}]} {
    %get3A = arith.constant 0 : index
    %get3A_0 = arith.constant 0 : index
    %get3A_1 = arith.constant 0 : index
    %get3A_2 = vector.load %arg1[%get3A, %get3A_0, %get3A_1] : memref<2x2000x128xf32, #tpu.memory_space<vmem>>, vector<1x2000x128xf32>
    %get3A_3 = vector.shape_cast %get3A_2 : vector<1x2000x128xf32> to vector<2000x128xf32>
    %get3A_4 = arith.constant 1 : index
    %get3A_5 = arith.constant 0 : index
    %get3A_6 = arith.constant 0 : index
    %get3A_7 = vector.load %arg1[%get3A_4, %get3A_5, %get3A_6] : memref<2x2000x128xf32, #tpu.memory_space<vmem>>, vector<1x2000x128xf32>
    %get3A_8 = vector.shape_cast %get3A_7 : vector<1x2000x128xf32> to vector<2000x128xf32>
    %add3A = arith.addf %get3A_3, %get3A_8 : vector<2000x128xf32>
    %iota3A = tpu.iota {dimensions = array<i32: 0>} : vector<2000x1xi32>
    %mul3A = arith.constant 2000 : i32
    %mul3A_9 = arith.muli %arg0, %mul3A : i32
    %add3A_10 = vector.broadcast %mul3A_9 : i32 to vector<2000x1xi32>
    %add3A_11 = arith.addi %iota3A, %add3A_10 : vector<2000x1xi32>
    %lt3A = arith.constant 7680 : i32
    %lt3A_12 = vector.broadcast %lt3A : i32 to vector<2000x1xi32>
    %lt3A_13 = arith.cmpi slt, %add3A_11, %lt3A_12 : vector<2000x1xi32>
    %convert_element_type3A = arith.extui %lt3A_13 : vector<2000x1xi1> to vector<2000x1xi32>
    %convert_element_type3A_14 = arith.sitofp %convert_element_type3A : vector<2000x1xi32> to vector<2000x1xf32>
    %add3A_15 = arith.constant 1.000000e+00 : f32
    %add3A_16 = vector.broadcast %add3A_15 : f32 to vector<2000x1xf32>
    %add3A_17 = arith.addf %add3A_16, %convert_element_type3A_14 : vector<2000x1xf32>
    %get3A_18 = arith.constant 0 : index
    %get3A_19 = arith.constant 0 : index
    %get3A_20 = vector.load %arg2[%get3A_18, %get3A_19] : memref<2000x128xf32, #tpu.memory_space<vmem>>, vector<2000x128xf32>
    %mul3A_21 = vector.broadcast %add3A_17 : vector<2000x1xf32> to vector<2000x128xf32>
    %mul3A_22 = arith.mulf %mul3A_21, %get3A_20 : vector<2000x128xf32>
    %sub3A = arith.subf %add3A, %mul3A_22 : vector<2000x128xf32>
    %get3A_23 = arith.constant 0 : index
    %get3A_24 = arith.constant 0 : index
    %get3A_25 = vector.load %arg3[%get3A_23, %get3A_24] : memref<2000x1xf32, #tpu.memory_space<vmem>>, vector<2000x1xf32>
    %mul3A_26 = vector.broadcast %get3A_25 : vector<2000x1xf32> to vector<2000x128xf32>
    %mul3A_27 = arith.mulf %mul3A_26, %sub3A : vector<2000x128xf32>
    %get3A_28 = arith.constant 0 : index
    %get3A_29 = arith.constant 0 : index
    %get3A_30 = vector.load %arg4[%get3A_28, %get3A_29] : memref<1x128xf32, #tpu.memory_space<vmem>>, vector<1x128xf32>
    %add3A_31 = vector.broadcast %get3A_30 : vector<1x128xf32> to vector<2000x128xf32>
    %add3A_32 = arith.addf %mul3A_27, %add3A_31 : vector<2000x128xf32>
    %logistic3A = arith.negf %add3A_32 : vector<2000x128xf32>
    %logistic3A_33 = math.exp %logistic3A : vector<2000x128xf32>
    %logistic3A_34 = arith.constant 1.000000e+00 : f32
    %logistic3A_35 = vector.broadcast %logistic3A_34 : f32 to vector<2000x128xf32>
    %logistic3A_36 = arith.addf %logistic3A_35, %logistic3A_33 : vector<2000x128xf32>
    %logistic3A_37 = arith.divf %logistic3A_35, %logistic3A_36 : vector<2000x128xf32>
    %mul3A_38 = arith.mulf %add3A_32, %logistic3A_37 : vector<2000x128xf32>
    %get3A_39 = arith.constant 0 : index
    %get3A_40 = arith.constant 0 : index
    %get3A_41 = vector.load %arg3[%get3A_39, %get3A_40] : memref<2000x1xf32, #tpu.memory_space<vmem>>, vector<2000x1xf32>
    %get3A_42 = arith.constant 0 : index
    %get3A_43 = arith.constant 0 : index
    %get3A_44 = vector.load %arg5[%get3A_42, %get3A_43] : memref<128x128xf32, #tpu.memory_space<vmem>>, vector<128x128xf32>
    %dot_general3A = arith.constant dense<0.000000e+00> : vector<2000x128xf32>
    %dot_general3A_45 = tpu.matmul %mul3A_38, %get3A_44, %dot_general3A {dimension_numbers = #tpu.dot_dimension_numbers<[1], [0], [0], [1], [0, 0, 1, 1], [], []>, transpose_lhs_hint = false} : vector<2000x128xf32>, vector<128x128xf32>, vector<2000x128xf32> -> vector<2000x128xf32>
    %mul3A_46 = vector.broadcast %get3A_41 : vector<2000x1xf32> to vector<2000x128xf32>
    %mul3A_47 = arith.mulf %mul3A_46, %dot_general3A_45 : vector<2000x128xf32>
    %swap3A = arith.constant 0 : index
    %swap3A_48 = arith.constant 0 : index
    %swap3A_49 = vector.load %arg6[%swap3A, %swap3A_48] : memref<2000x128xf32, #tpu.memory_space<vmem>>, vector<2000x128xf32>
    tpu.vector_store %arg6[%swap3A, %swap3A_48], %mul3A_47 {strides = array<i32>} : memref<2000x128xf32, #tpu.memory_space<vmem>>, vector<2000x128xf32>,
    return
  }
  func.func @transform_0(%arg0: i32) -> (i32, i32, i32) {
    %c0_i32 = arith.constant 0 : i32
    %c0_i32_0 = arith.constant 0 : i32
    %c0_i32_1 = arith.constant 0 : i32
    return %c0_i32, %arg0, %c0_i32_0 : i32, i32, i32
  }
  func.func @transform_1(%arg0: i32) -> (i32, i32) {
    %c0_i32 = arith.constant 0 : i32
    %c0_i32_0 = arith.constant 0 : i32
    return %arg0, %c0_i32 : i32, i32
  }
  func.func @transform_2(%arg0: i32) -> (i32, i32) {
    %c0_i32 = arith.constant 0 : i32
    %c0_i32_0 = arith.constant 0 : i32
    return %arg0, %c0_i32 : i32, i32
  }
  func.func @transform_3(%arg0: i32) -> (i32, i32) {
    %c0_i32 = arith.constant 0 : i32
    %c0_i32_0 = arith.constant 0 : i32
    %c0_i32_1 = arith.constant 0 : i32
    return %c0_i32, %c0_i32_0 : i32, i32
  }
  func.func @transform_4(%arg0: i32) -> (i32, i32) {
    %c0_i32 = arith.constant 0 : i32
    %c0_i32_0 = arith.constant 0 : i32
    %c0_i32_1 = arith.constant 0 : i32
    return %c0_i32, %c0_i32_0 : i32, i32
  }
  func.func @transform_5(%arg0: i32) -> (i32, i32) {
    %c0_i32 = arith.constant 0 : i32
    %c0_i32_0 = arith.constant 0 : i32
    return %arg0, %c0_i32 : i32, i32
  }
}

module attributes {stable_mosaic.version = 14 : i64} {
  func.func @_tc_final_body(%arg0: i32, %arg1: memref<2x2000x128xf32, #tpu.memory_space<vmem>>, %arg2: memref<2000x128xf32, #tpu.memory_space<vmem>>, %arg3: memref<2000x1xf32, #tpu.memory_space<vmem>>, %arg4: memref<1x128xf32, #tpu.memory_space<vmem>>, %arg5: memref<2000x1xi32, #tpu.memory_space<vmem>>, %arg6: memref<128x10xf32, #tpu.memory_space<vmem>>, %arg7: memref<1x10xf32, #tpu.memory_space<vmem>>, %arg8: memref<64x10xf32, #tpu.memory_space<vmem>>, %arg9: memref<64x128xf32, #tpu.memory_space<vmem>>) attributes {dimension_semantics = [#tpu.dimension_semantics<arbitrary>], iteration_bounds = array<i64: 5>, scalar_prefetch = 0 : i64, scratch_operands = 1 : i64, tpu.core_type = #tpu.core_type<tc>, window_params = [{transform_indices = @transform_0, window_bounds = array<i64: 2, 2000, 128>}, {transform_indices = @transform_1, window_bounds = array<i64: 2000, 128>}, {transform_indices = @transform_2, window_bounds = array<i64: 2000, 1>}, {pipeline_mode = #tpu.pipeline_mode<synchronous>, transform_indices = @transform_3, window_bounds = array<i64: 1, 128>}, {transform_indices = @transform_4, window_bounds = array<i64: 2000, 1>}, {pipeline_mode = #tpu.pipeline_mode<synchronous>, transform_indices = @transform_5, window_bounds = array<i64: 128, 10>}, {pipeline_mode = #tpu.pipeline_mode<synchronous>, transform_indices = @transform_6, window_bounds = array<i64: 1, 10>}, {pipeline_mode = #tpu.pipeline_mode<synchronous>, transform_indices = @transform_7, window_bounds = array<i64: 64, 10>}]} {
    %eq3A = arith.constant 0 : i32
    %eq3A_0 = arith.cmpi eq, %arg0, %eq3A : i32
    %convert_element_type3A = arith.extui %eq3A_0 : i1 to i32
    %cond3A = arith.constant 0 : i32
    %cond3A_1 = arith.cmpi ne, %convert_element_type3A, %cond3A : i32
    scf.if %cond3A_1 {
      %broadcast_in_dim3A = arith.constant 0.000000e+00 : f32
      %broadcast_in_dim3A_62 = vector.broadcast %broadcast_in_dim3A : f32 to vector<64x128xf32>
      %swap3A_63 = arith.constant 0 : index
      %swap3A_64 = arith.constant 0 : index
      %swap3A_65 = vector.load %arg9[%swap3A_63, %swap3A_64] : memref<64x128xf32, #tpu.memory_space<vmem>>, vector<64x128xf32>
      tpu.vector_store %arg9[%swap3A_63, %swap3A_64], %broadcast_in_dim3A_62 {strides = array<i32>} : memref<64x128xf32, #tpu.memory_space<vmem>>, vector<64x128xf32>,
    } else {
    }
    %get3A = arith.constant 0 : index
    %get3A_2 = arith.constant 0 : index
    %get3A_3 = arith.constant 0 : index
    %get3A_4 = vector.load %arg1[%get3A, %get3A_2, %get3A_3] : memref<2x2000x128xf32, #tpu.memory_space<vmem>>, vector<1x2000x128xf32>
    %get3A_5 = vector.shape_cast %get3A_4 : vector<1x2000x128xf32> to vector<2000x128xf32>
    %get3A_6 = arith.constant 1 : index
    %get3A_7 = arith.constant 0 : index
    %get3A_8 = arith.constant 0 : index
    %get3A_9 = vector.load %arg1[%get3A_6, %get3A_7, %get3A_8] : memref<2x2000x128xf32, #tpu.memory_space<vmem>>, vector<1x2000x128xf32>
    %get3A_10 = vector.shape_cast %get3A_9 : vector<1x2000x128xf32> to vector<2000x128xf32>
    %add3A = arith.addf %get3A_5, %get3A_10 : vector<2000x128xf32>
    %iota3A = tpu.iota {dimensions = array<i32: 0>} : vector<2000x1xi32>
    %mul3A = arith.constant 2000 : i32
    %mul3A_11 = arith.muli %arg0, %mul3A : i32
    %add3A_12 = vector.broadcast %mul3A_11 : i32 to vector<2000x1xi32>
    %add3A_13 = arith.addi %iota3A, %add3A_12 : vector<2000x1xi32>
    %lt3A = arith.constant 7680 : i32
    %lt3A_14 = vector.broadcast %lt3A : i32 to vector<2000x1xi32>
    %lt3A_15 = arith.cmpi slt, %add3A_13, %lt3A_14 : vector<2000x1xi32>
    %convert_element_type3A_16 = arith.extui %lt3A_15 : vector<2000x1xi1> to vector<2000x1xi32>
    %convert_element_type3A_17 = arith.sitofp %convert_element_type3A_16 : vector<2000x1xi32> to vector<2000x1xf32>
    %add3A_18 = arith.constant 1.000000e+00 : f32
    %add3A_19 = vector.broadcast %add3A_18 : f32 to vector<2000x1xf32>
    %add3A_20 = arith.addf %add3A_19, %convert_element_type3A_17 : vector<2000x1xf32>
    %get3A_21 = arith.constant 0 : index
    %get3A_22 = arith.constant 0 : index
    %get3A_23 = vector.load %arg2[%get3A_21, %get3A_22] : memref<2000x128xf32, #tpu.memory_space<vmem>>, vector<2000x128xf32>
    %mul3A_24 = vector.broadcast %add3A_20 : vector<2000x1xf32> to vector<2000x128xf32>
    %mul3A_25 = arith.mulf %mul3A_24, %get3A_23 : vector<2000x128xf32>
    %sub3A = arith.subf %add3A, %mul3A_25 : vector<2000x128xf32>
    %get3A_26 = arith.constant 0 : index
    %get3A_27 = arith.constant 0 : index
    %get3A_28 = vector.load %arg3[%get3A_26, %get3A_27] : memref<2000x1xf32, #tpu.memory_space<vmem>>, vector<2000x1xf32>
    %mul3A_29 = vector.broadcast %get3A_28 : vector<2000x1xf32> to vector<2000x128xf32>
    %mul3A_30 = arith.mulf %mul3A_29, %sub3A : vector<2000x128xf32>
    %get3A_31 = arith.constant 0 : index
    %get3A_32 = arith.constant 0 : index
    %get3A_33 = vector.load %arg4[%get3A_31, %get3A_32] : memref<1x128xf32, #tpu.memory_space<vmem>>, vector<1x128xf32>
    %add3A_34 = vector.broadcast %get3A_33 : vector<1x128xf32> to vector<2000x128xf32>
    %add3A_35 = arith.addf %mul3A_30, %add3A_34 : vector<2000x128xf32>
    %logistic3A = arith.negf %add3A_35 : vector<2000x128xf32>
    %logistic3A_36 = math.exp %logistic3A : vector<2000x128xf32>
    %logistic3A_37 = arith.constant 1.000000e+00 : f32
    %logistic3A_38 = vector.broadcast %logistic3A_37 : f32 to vector<2000x128xf32>
    %logistic3A_39 = arith.addf %logistic3A_38, %logistic3A_36 : vector<2000x128xf32>
    %logistic3A_40 = arith.divf %logistic3A_38, %logistic3A_39 : vector<2000x128xf32>
    %mul3A_41 = arith.mulf %add3A_35, %logistic3A_40 : vector<2000x128xf32>
    %get3A_42 = arith.constant 0 : index
    %get3A_43 = arith.constant 0 : index
    %get3A_44 = vector.load %arg5[%get3A_42, %get3A_43] : memref<2000x1xi32, #tpu.memory_space<vmem>>, vector<2000x1xi32>
    %iota3A_45 = tpu.iota {dimensions = array<i32: 1>} : vector<2000x64xi32>
    %eq3A_46 = vector.broadcast %get3A_44 : vector<2000x1xi32> to vector<2000x64xi32>
    %eq3A_47 = arith.cmpi eq, %eq3A_46, %iota3A_45 : vector<2000x64xi32>
    %convert_element_type3A_48 = arith.extui %eq3A_47 : vector<2000x64xi1> to vector<2000x64xi32>
    %convert_element_type3A_49 = arith.sitofp %convert_element_type3A_48 : vector<2000x64xi32> to vector<2000x64xf32>
    %get3A_50 = arith.constant 0 : index
    %get3A_51 = arith.constant 0 : index
    %get3A_52 = vector.load %arg9[%get3A_50, %get3A_51] : memref<64x128xf32, #tpu.memory_space<vmem>>, vector<64x128xf32>
    %dot_general3A = arith.constant dense<0.000000e+00> : vector<64x128xf32>
    %dot_general3A_53 = tpu.matmul %convert_element_type3A_49, %mul3A_41, %dot_general3A {dimension_numbers = #tpu.dot_dimension_numbers<[0], [0], [1], [1], [0, 1, 1, 1], [], []>, transpose_lhs_hint = false} : vector<2000x64xf32>, vector<2000x128xf32>, vector<64x128xf32> -> vector<64x128xf32>
    %add3A_54 = arith.addf %get3A_52, %dot_general3A_53 : vector<64x128xf32>
    %swap3A = arith.constant 0 : index
    %swap3A_55 = arith.constant 0 : index
    %swap3A_56 = vector.load %arg9[%swap3A, %swap3A_55] : memref<64x128xf32, #tpu.memory_space<vmem>>, vector<64x128xf32>
    tpu.vector_store %arg9[%swap3A, %swap3A_55], %add3A_54 {strides = array<i32>} : memref<64x128xf32, #tpu.memory_space<vmem>>, vector<64x128xf32>,
    %eq3A_57 = arith.constant 4 : i32
    %eq3A_58 = arith.cmpi eq, %arg0, %eq3A_57 : i32
    %convert_element_type3A_59 = arith.extui %eq3A_58 : i1 to i32
    %cond3A_60 = arith.constant 0 : i32
    %cond3A_61 = arith.cmpi ne, %convert_element_type3A_59, %cond3A_60 : i32
    scf.if %cond3A_61 {
      %get3A_62 = arith.constant 0 : index
      %get3A_63 = arith.constant 0 : index
      %get3A_64 = vector.load %arg9[%get3A_62, %get3A_63] : memref<64x128xf32, #tpu.memory_space<vmem>>, vector<64x128xf32>
      %get3A_65 = arith.constant 0 : index
      %get3A_66 = arith.constant 0 : index
      %get3A_67 = vector.load %arg6[%get3A_65, %get3A_66] : memref<128x10xf32, #tpu.memory_space<vmem>>, vector<128x10xf32>
      %dot_general3A_68 = arith.constant dense<0.000000e+00> : vector<64x10xf32>
      %dot_general3A_69 = tpu.matmul %get3A_64, %get3A_67, %dot_general3A_68 {dimension_numbers = #tpu.dot_dimension_numbers<[1], [0], [0], [1], [0, 0, 1, 1], [], []>, transpose_lhs_hint = false} : vector<64x128xf32>, vector<128x10xf32>, vector<64x10xf32> -> vector<64x10xf32>
      %get3A_70 = arith.constant 0 : index
      %get3A_71 = arith.constant 0 : index
      %get3A_72 = vector.load %arg7[%get3A_70, %get3A_71] : memref<1x10xf32, #tpu.memory_space<vmem>>, vector<1x10xf32>
      %add3A_73 = vector.broadcast %get3A_72 : vector<1x10xf32> to vector<64x10xf32>
      %add3A_74 = arith.addf %dot_general3A_69, %add3A_73 : vector<64x10xf32>
      %max3A = arith.constant 0.000000e+00 : f32
      %max3A_75 = vector.broadcast %max3A : f32 to vector<64x10xf32>
      %max3A_76 = arith.maximumf %add3A_74, %max3A_75 : vector<64x10xf32>
      %swap3A_77 = arith.constant 0 : index
      %swap3A_78 = arith.constant 0 : index
      %swap3A_79 = vector.load %arg8[%swap3A_77, %swap3A_78] : memref<64x10xf32, #tpu.memory_space<vmem>>, vector<64x10xf32>
      tpu.vector_store %arg8[%swap3A_77, %swap3A_78], %max3A_76 {strides = array<i32>} : memref<64x10xf32, #tpu.memory_space<vmem>>, vector<64x10xf32>,
    } else {
    }
    return
  }
  func.func @transform_0(%arg0: i32) -> (i32, i32, i32) {
    %c0_i32 = arith.constant 0 : i32
    %c0_i32_0 = arith.constant 0 : i32
    %c0_i32_1 = arith.constant 0 : i32
    return %c0_i32, %arg0, %c0_i32_0 : i32, i32, i32
  }
  func.func @transform_1(%arg0: i32) -> (i32, i32) {
    %c0_i32 = arith.constant 0 : i32
    %c0_i32_0 = arith.constant 0 : i32
    return %arg0, %c0_i32 : i32, i32
  }
  func.func @transform_2(%arg0: i32) -> (i32, i32) {
    %c0_i32 = arith.constant 0 : i32
    %c0_i32_0 = arith.constant 0 : i32
    return %arg0, %c0_i32 : i32, i32
  }
  func.func @transform_3(%arg0: i32) -> (i32, i32) {
    %c0_i32 = arith.constant 0 : i32
    %c0_i32_0 = arith.constant 0 : i32
    %c0_i32_1 = arith.constant 0 : i32
    return %c0_i32, %c0_i32_0 : i32, i32
  }
  func.func @transform_4(%arg0: i32) -> (i32, i32) {
    %c0_i32 = arith.constant 0 : i32
    %c0_i32_0 = arith.constant 0 : i32
    return %arg0, %c0_i32 : i32, i32
  }
  func.func @transform_5(%arg0: i32) -> (i32, i32) {
    %c0_i32 = arith.constant 0 : i32
    %c0_i32_0 = arith.constant 0 : i32
    %c0_i32_1 = arith.constant 0 : i32
    return %c0_i32, %c0_i32_0 : i32, i32
  }
  func.func @transform_6(%arg0: i32) -> (i32, i32) {
    %c0_i32 = arith.constant 0 : i32
    %c0_i32_0 = arith.constant 0 : i32
    %c0_i32_1 = arith.constant 0 : i32
    return %c0_i32, %c0_i32_0 : i32, i32
  }
  func.func @transform_7(%arg0: i32) -> (i32, i32) {
    %c0_i32 = arith.constant 0 : i32
    %c0_i32_0 = arith.constant 0 : i32
    %c0_i32_1 = arith.constant 0 : i32
    return %c0_i32, %c0_i32_0 : i32, i32
  }
}

</mosaic_0001>

<sc_bundles>
// kernel: kernel.10.cloned.1.call-start
scs
__scs_entry_jumppad:
0x0: {  	(pc) =	sbr.rel $0x88, $3  }
0x1: {  	(tag) =	ssettag $0x0;
	lr =	simm.s32 $0x1  }
0x2: {  	[smem:$0x3F98] =	sst lr;
	_ =	strace $0xD0000000  }
0x3: {  	_ = 	snop  }
0x4: {  	_ = 	snop  }
0x5: {  	_ = 	snop  }
0x6: {  	_ = 	snop  }
0x7: {  	_ = 	snop  }
__scs_overlays_trampoline_lowered:
0x8: {  	[smem:$0x3FA7] =	sst s0  }
0x9: {  	[smem:$0x3FA8] =	sst s1  }
0xa: {  	[smem:$0x3FA9] =	sst s2  }
0xb: {  	[smem:$0x3FAA] =	sst s3  }
0xc: {  	[smem:$0x3FAB] =	sst s4  }
0xd: {  	[smem:$0x3FAC] =	sst s5  }
0xe: {  	[smem:$0x3FAD] =	sst s6  }
0xf: {  	[smem:$0x3FAE] =	sst s7  }
0x10: {  	[smem:$0x3FAF] =	sst s8  }
0x11: {  	[smem:$0x3FB0] =	sst s9;
	s0 =	simm.s32 @!p0 $0x0  }
0x12: {  	s1 =	sld [smem:$0x3F96];
	s0 =	simm.s32 @p0 $0x1  }
0x13: {  	[smem:$0x3FB1] =	sst s0;
	s0 =	simm.s32 @!p1 $0x0  }
0x14: {  	s2 =	sld [smem:$0x3F95];
	s0 =	simm.s32 @p1 $0x1  }
0x15: {  	[smem:$0x3FB2] =	sst s0;
	s0 =	simm.s32 @!p2 $0x0  }
0x16: {  	s3 =	sld [smem:$0x3FDB];
	s0 =	simm.s32 @p2 $0x1  }
0x17: {  	s4 =	simm.s32 $0x1BF5;
	[smem:$0x3FB4] =	sst s0  }
0x18: {  	s0 =	sld [smem:$0x3F97];
	_ =	swait.ge [sflag:s4], $0x0  }
0x19: {  	s7 =	sld [smem:$0x3F98]  }
0x1a: {  	s8 =	sadd.s32 $0xFFFFE003, lr  }
0x1b: {  	s9 =	sadd.s32 $0xFFFFFEF7, lr;
	s5 =	simm.s32 $0xFFFFFFFF;
	p2 =	slt.u32 s8, $0xFFFFF086  }
0x1c: {  	p1 =	slt.u32 s9, $0xF7A;
	s5 =	simm.s32 @!p2 $0x0  }
0x1d: {  	s5 =	simm.s32 @p1 $0x1;
	p0 =	seq.s32 s7, s2  }
0x1e: {  	s7 =	smul.u32 @!p0 $0xF7A, s2;
	p2 =	seq.s32 @!p0 s5, $0x0  }
0x1f: {  	s9 =	smul.u32 $0xF7A, s1;
	s8 =	simm.s32 @!p0 $0x1BF5;
	p2 =	por !p2, p0  }
0x20: {  	[sflag:s8] =	ssyncset.s32 @!p0 $0xFFFFF086;
	s6 =	sadd.s32 @!p0 s3, s7;
	s7 =	simm.s32 @!p0 $0x108  }
0x21: {  	s3 =	sadd.s32 s3, s9;
	s6 =	sadd.s32 @!p0 $0x88, s6;
	s7 =	simm.s32 @p2 $0x1082  }
0x22: {  	[simem:s7], [sflag:s8] =	dma.local @!p0 [hbm:s6], $0xF7A  }
0x23: {  	s9 =	sor.u32 $0xD0000000, s2;
	s6 =	simm.s32 $0x108;
	_ =	swait.ge @!p0 [sflag:s8], $0x0  }
0x24: {  	s3 =	sadd.s32 $0x88, s3;
	s6 =	simm.s32 @!p1 $0x1082;
	[sflag:s4] =	ssyncset.s32 $0xFFFFF086  }
0x25: {  	[simem:s6], [sflag:s4] =	dma.local [hbm:s3], $0xF7A  }
0x26: {  	[smem:$0x3F98] =	sst s1;
	(tag) =	ssettag s2;
	_ =	strace s9  }
0x27: {  	s1 =	sld [smem:$0x3FA8]  }
0x28: {  	s2 =	sld [smem:$0x3FA9]  }
0x29: {  	s4 =	sld [smem:$0x3FAB]  }
0x2a: {  	p0 =	seq.s32 s5, $0x0;
	s5 =	sld [smem:$0x3FAC]  }
0x2b: {  	s6 =	sld [smem:$0x3FAD]  }
0x2c: {  	s7 =	sld [smem:$0x3FAE]  }
0x2d: {  	s3 =	simm.s32 $0x108;
	s8 =	sld [smem:$0x3FAF]  }
0x2e: {  	s3 =	simm.s32 @!p0 $0x1082;
	s9 =	sld [smem:$0x3FB0]  }
0x2f: {  	lr =	sadd.s32 s0, s3;
	s0 =	sld [smem:$0x3FA7]  }
0x30: {  	s3 =	sld [smem:$0x3FAA]  }
0x31: {  	[smem:$0x3FB3] =	sst s10  }
0x32: {  	s10 =	sld [smem:$0x3FB1];
	_ =	sdelay $0x3  }
0x33: {  	p0 =	seq.s32 s10, $0x1;
	s10 =	sld [smem:$0x3FB3];
	_ =	sdelay $0x3  }
0x34: {  	[smem:$0x3FB3] =	sst s10  }
0x35: {  	s10 =	sld [smem:$0x3FB2];
	_ =	sdelay $0x3  }
0x36: {  	p1 =	seq.s32 s10, $0x1;
	s10 =	sld [smem:$0x3FB3];
	_ =	sdelay $0x3  }
0x37: {  	[smem:$0x3FB3] =	sst s10  }
0x38: {  	s10 =	sld [smem:$0x3FB4]  }
0x39: {  	_ = 	snop;
	(pc) =	sbr.ind lr, $3  }
0x3a: {  	_ = 	snop  }
0x3b: {  	_ = 	snop  }
0x3c: {  	p2 =	seq.s32 s10, $0x1;
	s10 =	sld [smem:$0x3FB3]  }
0x3d: {  	_ =	shalt  }
0x3e: {  	_ =	shalt  }
0x3f: {  	_ =	shalt  }
0x40: {  	_ =	shalt  }
0x41: {  	_ =	shalt  }
0x42: {  	_ =	shalt  }
0x43: {  	_ =	shalt  }
0x44: {  	_ =	shalt  }
0x45: {  	_ =	shalt  }
0x46: {  	_ =	shalt  }
0x47: {  	_ =	shalt  }
0x48: {  	_ =	shalt  }
0x49: {  	_ =	shalt  }
0x4a: {  	_ =	shalt  }
0x4b: {  	_ =	shalt  }
0x4c: {  	_ =	shalt  }
0x4d: {  	_ =	shalt  }
0x4e: {  	_ =	shalt  }
0x4f: {  	_ =	shalt  }
0x50: {  	_ =	shalt  }
0x51: {  	_ =	shalt  }
0x52: {  	_ =	shalt  }
0x53: {  	_ =	shalt  }
0x54: {  	_ =	shalt  }
0x55: {  	_ =	shalt  }
0x56: {  	_ =	shalt  }
0x57: {  	_ =	shalt  }
0x58: {  	_ =	shalt  }
0x59: {  	_ =	shalt  }
0x5a: {  	_ =	shalt  }
0x5b: {  	_ =	shalt  }
0x5c: {  	_ =	shalt  }
0x5d: {  	_ =	shalt  }
0x5e: {  	_ =	shalt  }
0x5f: {  	_ =	shalt  }
0x60: {  	_ =	shalt  }
0x61: {  	_ =	shalt  }
0x62: {  	_ =	shalt  }
0x63: {  	_ =	shalt  }
0x64: {  	_ =	shalt  }
0x65: {  	_ =	shalt  }
0x66: {  	_ =	shalt  }
0x67: {  	_ =	shalt  }
0x68: {  	_ =	shalt  }
0x69: {  	_ =	shalt  }
0x6a: {  	_ =	shalt  }
0x6b: {  	_ =	shalt  }
0x6c: {  	_ =	shalt  }
0x6d: {  	_ =	shalt  }
0x6e: {  	_ =	shalt  }
0x6f: {  	_ =	shalt  }
0x70: {  	_ =	shalt  }
0x71: {  	_ =	shalt  }
0x72: {  	_ =	shalt  }
0x73: {  	_ =	shalt  }
0x74: {  	_ =	shalt  }
0x75: {  	_ =	shalt  }
0x76: {  	_ =	shalt  }
0x77: {  	_ =	shalt  }
0x78: {  	_ =	shalt  }
0x79: {  	_ =	shalt  }
0x7a: {  	_ =	shalt  }
0x7b: {  	_ =	shalt  }
0x7c: {  	_ =	shalt  }
0x7d: {  	_ =	shalt  }
0x7e: {  	_ =	shalt  }
0x7f: {  	_ =	shalt  }
0x80: {  	_ =	shalt  }
0x81: {  	_ =	shalt  }
0x82: {  	_ =	shalt  }
0x83: {  	_ =	shalt  }
0x84: {  	_ =	shalt  }
0x85: {  	_ =	shalt  }
0x86: {  	_ =	shalt  }
0x87: {  	_ =	shalt  }
.Lfunc_end0:
.L_simem_size_0:
called_computation_lowered:
.L_overlay_start_0:
0x88: {  	s2 =	sld [smem:$0x3FD9]  }
0x89: {  	s3 =	sld [smem:$0x3FFE];
	_ =	sdelay $0x1  }
0x8a: {  	s1 =	srdreg.scid  }
0x8b: {  	s0 =	sand.u32 $0x1, s1  }
0x8c: {  	s17 =	sshll.u32 s0, $0xA;
	s2 =	sadd.s32 s3, s2  }
0x8d: {  	s2 =	sadd.s32 s2, s17  }
0x8e: {  	[smem:$0x3FBF] =	sst s2  }
0x8f: {  	_ = 	snop  }
0x90: {  	s2 =	sld [smem:$0x3FC9];
	(tm) =	ssettm $0x1  }
0x91: {  	s18 =	sld [smem:$0x3FFB];
	_ =	sdelay $0x3  }
0x92: {  	_ =	strace s18  }
0x93: {  	s3 =	sld [smem:$0x3FFC];
	_ =	sdelay $0x3  }
0x94: {  	_ =	strace s3  }
0x95: {  	s3 =	sld [smem:$0x3FFD];
	_ =	sdelay $0x3  }
0x96: {  	_ =	strace s3  }
0x97: {  	_ =	strace $0x8FFFFFFF  }
0x98: {  	s19 =	sld [smem:$0x3FDB];
	_ =	sdelay $0x1  }
0x99: {  	s4 =	simm.s32 $_scs_section_size  }
0x9a: {  	s5 =	simm.s32 $_size__tile_overlayer_lowered;
	s6 =	simm.s32 $_tile_overlayer_lowered  }
0x9b: {  	s22 =	simm.s32 $0x1BFF;
	s21 =	sshll.u32 s6, $0x1;
	s3 =	sadd.s32 s4, s19  }
0x9c: {  	s7 =	simm.s32 $0x0;
	s20 =	sshll.u32 s5, $0x1;
	s5 =	sadd.s32 s21, s3  }
0x9d: {  	[timem:s7], [sflag:s22] =	dma.local [hbm:s5], s20  }
0x9e: {  	_ =	swait.ge [sflag:s22], s20  }
0x9f: {  	s4 =	ssub.s32 $0x0, s20;
	[sflag:s22] =	ssyncset.done $0x0  }
0xa0: {  	[sflag:s22] =	ssyncadd.s32 s4;
	_ =	sdelay $0x1  }
0xa1: {  	s23 =	simm.s32 $0x1B8B  }
0xa2: {  	_ =	swait.ge [sflag:s23], $0x1  }
0xa3: {  	[sflag:s23] =	ssyncset.done $0x0  }
0xa4: {  	s25 =	simm.s32 $0x1B8E;
	s24 =	sld [smem:$0x3FFE];
	[sflag:s23] =	ssyncadd.s32 $0xFFFFFFFF  }
0xa5: {  	s26 =	simm.s32 $execute0_lowered;
	[smem:$0x3FD2] =	sst s25  }
0xa6: {  	s5 =	sshll.u32 s26, $0x1;
	_ =	strace $0x80000046;
	[dreg:$0x1] =	wrdreg $0xFFFFFFFF  }
0xa7: {  	s28 =	simm.s32 $_size_execute0_lowered;
	s3 =	sadd.s32 s3, s5;
	[dreg:$0x0] =	wrdreg $0x0  }
0xa8: {  	s5 =	sshll.u32 s28, $0x1;
	[dreg:$0x2] =	wrdreg s3  }
0xa9: {  	[dreg:$0x3] =	wrdreg s5  }
0xaa: {  	[dreg:$0x4] =	wrdreg $0xC0  }
0xab: {  	_ =	task [dreg:s7], $0x5FFFF  }
0xac: {  	[dreg:$0x1] =	wrdreg $0xFFFFFFFF  }
0xad: {  	[dreg:$0x0] =	wrdreg $0x60  }
0xae: {  	[dreg:$0x2] =	wrdreg s2  }
0xaf: {  	[dreg:$0x3] =	wrdreg s24  }
0xb0: {  	[dreg:$0x4] =	wrdreg $0x0  }
0xb1: {  	[dreg:$0x5] =	wrdreg $0x9  }
0xb2: {  	_ =	task.clear_ibuf [dreg:s7], $0x6FFFF;
	_ =	strace $0x90000046  }
0xb3: {  	s29 =	simm.s32 $0x9;
	_ =	strace $0x80000048  }
0xb4: {  	_ =	swait.ge [sflag:s29], $0x1  }
0xb5: {  	[sflag:s29] =	ssyncadd.s32 $0xFFFFFFFF  }
0xb6: {  	_ =	strace $0x90000048  }
0xb7: {  	_ =	sfence  }
0xb8: {  	s30 =	sld [smem:$0x0];
	_ =	sdelay $0x2  }
0xb9: {  	s31 =	sshll.u32 s1, $0xD;
	s1 =	sshrl.u32 s1, $0x2  }
0xba: {  	s3 =	sand.u32 $0x4000, s31;
	s1 =	sadd.s32 s1, s30  }
0xbb: {  	s0 =	sor.u32 s3, s0;
	s1 =	sshll.u32 s1, $0x11  }
0xbc: {  	s0 =	sor.u32 s1, s0  }
0xbd: {  	s0 =	sadd.s32 $0x8F2B, s0  }
0xbe: {  	[sflag:s0] =	ssyncadd.remote.s32 $0x1  }
0xbf: {  	_ =	sfence.sel $0xFFFF  }
0xc0: {  	[dreg:$0x0] =	wrdreg $0xFFFFFFFF;
	(pc) =	sbr.abs _section_cstart, $3  }
0xc1: {  	[dreg:$0x1] =	wrdreg $0xFFFFFFFF  }
0xc2: {  	_ =	task.clear_ibuf [dreg:s7], $0x2FFFF;
	_ =	strace $0x9FFFFFFF  }
0xc3: {  	(tm) =	ssettm $0x7FFFFFFF  }
tec
execute0_lowered:
.L_overlay_start_1:
0x0: {  	(tag) =	ssettag $0x1  }
0x1: {  	s5 =	rddreg [dreg:$0x0]  }
0x2: {  	s6 =	rddreg [dreg:$0x1]  }
0x3: {  	s2 =	rddreg [dreg:$0x2]  }
0x4: {  	s0 =	rddreg [dreg:$0x3];
	s4 =	srdreg.scid  }
0x5: {  	s1 =	stileid.u32;
	s3 =	simm.s32 $0x0;
	s13 =	simm.s32 $0x17880  }
0x6: {  	s14 =	simm.s32 $0x1;
	s15 =	simm.s32 $0x80;
	s17 =	simm.s32 $0x0  }
0x7: {  	s7 =	sand.u32 $0x1, s4;
	s30 =	smul.u32 $0x278, s1;
	[smem:$0x7FF] =	sst s3  }
0x8: {  	s4 =	sadd.s32 $0x17800, s6;
	s16 =	sshll.u32 s1, $0x6;
	s8 =	sshll.u32 s7, $0x4  }
0x9: {  	s10 =	smul.u32 $0x138800, s7;
	_ =	strace $0x80000047;
	s7 =	ssub.s32 $0x2, s7  }
0xa: {  	s8 =	sor.u32 s1, s8;
	s9 =	smin.u32 s30, $0x2498;
	s12 =	sshrl.u32 s7, $0x1  }
0xb: {  	s8 =	smul.u32 $0x500, s8;
	s11 =	sshll.u32 s9, $0x7;
	s12 =	ssub.s32 s7, s12  }
0xc: {  	s31 =	sshll.u32 s9, $0x4;
	s10 =	sadd.s32 s10, s11;
	s11 =	sadd.s32 s11, s2  }
0xd: {  	s5 =	sadd.s32 s5, s31;
	s9 =	smax.u32 s12, $0x1;
	s10 =	sshrl.u32 s10, $0x3  }
0xe: {  	s12 =	simm.s32 $0x2;
	s8 =	sadd.s32 s8, s6;
	s10 =	sadd.s32 s10, s6  }
0xf: {  	s6 =	sor.u32 $0x1C01, s16;
	s7 =	sadd.s32 $0xD800, s8;
	s16 =	sor.u32 $0x1C02, s16  }
0x10: {  	s8 =	sadd.s32 $0x18000, s10;
	s10 =	sshrl.u32 s11, $0x3;
	s11 =	simm.s32 $0x13880  }
.LBB2_1:
0x11: {  	[spmem:s10], [sflag:s6] =	dma.local [hbm:s5], $0x2780  }
0x12: {  	[tilespmem:s11], [sflag:$0x2] =	stream.linear.gather [hbm4b:s4+s3], $0x4000, $0x38;
	[tilespmem:$0x1A080] =	vst v63  }
0x13: {  	_ =	swait.ge [sflag:s12], $0x4000  }
0x14: {  	[sflag:s12] =	ssyncset.done $0x0  }
0x15: {  	[sflag:s12] =	ssyncadd.s32 $0xFFFFC000  }
0x16: {  	[tilespmem:s13], [sflag:$0x2] =	stream.linear.gather [hbm4b:s7+s3], $0x2800, $0x38;
	[tilespmem:$0x1A080] =	vst v63  }
0x17: {  	_ =	swait.ge [sflag:s12], $0x2800  }
0x18: {  	[sflag:s12] =	ssyncset.done $0x0  }
0x19: {  	[sflag:s12] =	ssyncadd.s32 $0xFFFFD800  }
0x1a: {  	_ =	swait.ge [sflag:s14], $0x2780  }
0x1b: {  	[sflag:s14] =	ssyncset.done $0x0  }
0x1c: {  	[sflag:s14] =	ssyncadd.s32 $0xFFFFD880  }
0x1d: {  	s18 =	simm.s32 $0x0;
	[bflag:$0x0] =	sbarrier.arrive $0xFFFF  }
.LBB2_2:
0x1e: {  	p0 =	sne.s32 s18, $0x9E00  }
.Ltmp0:
0x1f: {  	_ = 	snop;
	(pc) =	sbr.rel @p0 .LBB2_2-.Ltmp0, $4  }
0x20: {  	_ = 	snop  }
0x21: {  	s19 =	sshra.s32 s18, $0x2  }
0x22: {  	s18 =	sadd.s32 $0x200, s18;
	s19 =	sadd.s32 $0x17880, s19  }
0x23: {  	[spmem:s2] =	stream.indirect.scatter.add.f32 [tilespmem:s11], [sflag:$0x1], $0x80, s19, s15, $0xb8;
	[tilespmem:$0x1A080] =	vst v63  }
0x24: {  	_ =	swait.ge [sflag:s14], $0x4000  }
0x25: {  	s18 =	simm.s32 $0x4F;
	[sflag:s14] =	ssyncset.done $0x0  }
.LBB2_4:
0x26: {  	p0 =	sne.s32 s18, $0x1;
	s18 =	sadd.s32 $0xFFFFFFFF, s18;
	[sflag:s14] =	ssyncadd.s32 $0xFFFFC000  }
.Ltmp1:
0x27: {  	(pc) =	sbr.rel @p0 .LBB2_4-.Ltmp1, $3  }
0x28: {  	_ =	sdelay $0x1  }
0x29: {  	_ =	swait.ge [sflag:s14], $0x4000  }
0x2a: {  	[sflag:s14] =	ssyncset.done $0x0  }
0x2b: {  	s17 =	sadd.s32 $0x1, s17  }
0x2c: {  	[sflag:s14] =	ssyncadd.s32 $0xFFFFC000;
	p0 =	sne.s32 s17, s9  }
.Ltmp2:
0x2d: {  	[bflag:$0x0] =	sbarrier.arrive $0xFFFF;
	(pc) =	sbr.rel @p0 .LBB2_1-.Ltmp2, $4  }
0x2e: {  	[hbm:s8], [sflag:s16] =	dma.local [spmem:s10], $0x2780  }
0x2f: {  	_ =	swait.ge [sflag:s12], $0x2780  }
0x30: {  	[sflag:s12] =	ssyncset.done $0x0  }
0x31: {  	[sflag:s12] =	ssyncadd.s32 $0xFFFFD880  }
0x32: {  	_ =	sfence.sel $0x180000  }
0x33: {  	[bflag:$0x0] =	sbarrier.arrive $0xFFFF  }
0x34: {  	p0 =	sne.s32 s1, $0x0;
	_ =	strace $0x90000047  }
0x35: {  	s0 =	sadd.s32 @!p0 $0x100000, s0;
	[bflag:$0x2] =	sbarrier.arrive $0xFFFF  }
0x36: {  	[sflag:s0] =	ssyncadd.tile.s32 @!p0 $0x1;
	_ =	shalt  }
.Lfunc_end2:
_tile_overlayer_lowered:
.L_overlay_start_2:
0x37: {  	(tag) =	ssettag $0x2  }
0x38: {  	s0 =	rddreg [dreg:$0x0];
	s2 =	stileid.u32  }
0x39: {  	s1 =	rddreg [dreg:$0x1];
	p0 =	sne.s32 s2, $0x0  }
0x3a: {  	s3 =	rddreg [dreg:$0x2];
	[bflag:$0x3] =	sbarrier.arrive $0xFFFF;
	s2 =	simm.s32 @!p0 $0x1C02  }
0x3b: {  	[timem:s3], [sflag:s2] =	dma.local @!p0 [hbm:s0], s1  }
0x3c: {  	s0 =	simm.s32 @!p0 $0x2  }
0x3d: {  	_ =	swait.ge @!p0 [sflag:s0], s1  }
0x3e: {  	s1 =	ssub.s32 @!p0 $0x0, s1;
	[sflag:s0] =	ssyncset.done @!p0 $0x0  }
0x3f: {  	[sflag:s0] =	ssyncadd.s32 @!p0 s1  }
0x40: {  	[bflag:$0x3] =	sbarrier.arrive $0xFFFF  }
0x41: {  	_ =	shalt  }

// kernel: kernel.13.cloned.1.call-start
scs
__scs_entry_jumppad:
0x0: {  	(pc) =	sbr.rel $0x88, $3  }
0x1: {  	(tag) =	ssettag $0x0;
	lr =	simm.s32 $0x1  }
0x2: {  	[smem:$0x3F98] =	sst lr;
	_ =	strace $0xD0000000  }
0x3: {  	_ = 	snop  }
0x4: {  	_ = 	snop  }
0x5: {  	_ = 	snop  }
0x6: {  	_ = 	snop  }
0x7: {  	_ = 	snop  }
__scs_overlays_trampoline_lowered:
0x8: {  	[smem:$0x3FA7] =	sst s0  }
0x9: {  	[smem:$0x3FA8] =	sst s1  }
0xa: {  	[smem:$0x3FA9] =	sst s2  }
0xb: {  	[smem:$0x3FAA] =	sst s3  }
0xc: {  	[smem:$0x3FAB] =	sst s4  }
0xd: {  	[smem:$0x3FAC] =	sst s5  }
0xe: {  	[smem:$0x3FAD] =	sst s6  }
0xf: {  	[smem:$0x3FAE] =	sst s7  }
0x10: {  	[smem:$0x3FAF] =	sst s8  }
0x11: {  	[smem:$0x3FB0] =	sst s9;
	s0 =	simm.s32 @!p0 $0x0  }
0x12: {  	s1 =	sld [smem:$0x3F96];
	s0 =	simm.s32 @p0 $0x1  }
0x13: {  	[smem:$0x3FB1] =	sst s0;
	s0 =	simm.s32 @!p1 $0x0  }
0x14: {  	s2 =	sld [smem:$0x3F95];
	s0 =	simm.s32 @p1 $0x1  }
0x15: {  	[smem:$0x3FB2] =	sst s0;
	s0 =	simm.s32 @!p2 $0x0  }
0x16: {  	s3 =	sld [smem:$0x3FDB];
	s0 =	simm.s32 @p2 $0x1  }
0x17: {  	s4 =	simm.s32 $0x1BF5;
	[smem:$0x3FB4] =	sst s0  }
0x18: {  	s0 =	sld [smem:$0x3F97];
	_ =	swait.ge [sflag:s4], $0x0  }
0x19: {  	s7 =	sld [smem:$0x3F98]  }
0x1a: {  	s8 =	sadd.s32 $0xFFFFE003, lr  }
0x1b: {  	s9 =	sadd.s32 $0xFFFFFEF7, lr;
	s5 =	simm.s32 $0xFFFFFFFF;
	p2 =	slt.u32 s8, $0xFFFFF086  }
0x1c: {  	p1 =	slt.u32 s9, $0xF7A;
	s5 =	simm.s32 @!p2 $0x0  }
0x1d: {  	s5 =	simm.s32 @p1 $0x1;
	p0 =	seq.s32 s7, s2  }
0x1e: {  	s7 =	smul.u32 @!p0 $0xF7A, s2;
	p2 =	seq.s32 @!p0 s5, $0x0  }
0x1f: {  	s9 =	smul.u32 $0xF7A, s1;
	s8 =	simm.s32 @!p0 $0x1BF5;
	p2 =	por !p2, p0  }
0x20: {  	[sflag:s8] =	ssyncset.s32 @!p0 $0xFFFFF086;
	s6 =	sadd.s32 @!p0 s3, s7;
	s7 =	simm.s32 @!p0 $0x108  }
0x21: {  	s3 =	sadd.s32 s3, s9;
	s6 =	sadd.s32 @!p0 $0x88, s6;
	s7 =	simm.s32 @p2 $0x1082  }
0x22: {  	[simem:s7], [sflag:s8] =	dma.local @!p0 [hbm:s6], $0xF7A  }
0x23: {  	s9 =	sor.u32 $0xD0000000, s2;
	s6 =	simm.s32 $0x108;
	_ =	swait.ge @!p0 [sflag:s8], $0x0  }
0x24: {  	s3 =	sadd.s32 $0x88, s3;
	s6 =	simm.s32 @!p1 $0x1082;
	[sflag:s4] =	ssyncset.s32 $0xFFFFF086  }
0x25: {  	[simem:s6], [sflag:s4] =	dma.local [hbm:s3], $0xF7A  }
0x26: {  	[smem:$0x3F98] =	sst s1;
	(tag) =	ssettag s2;
	_ =	strace s9  }
0x27: {  	s1 =	sld [smem:$0x3FA8]  }
0x28: {  	s2 =	sld [smem:$0x3FA9]  }
0x29: {  	s4 =	sld [smem:$0x3FAB]  }
0x2a: {  	p0 =	seq.s32 s5, $0x0;
	s5 =	sld [smem:$0x3FAC]  }
0x2b: {  	s6 =	sld [smem:$0x3FAD]  }
0x2c: {  	s7 =	sld [smem:$0x3FAE]  }
0x2d: {  	s3 =	simm.s32 $0x108;
	s8 =	sld [smem:$0x3FAF]  }
0x2e: {  	s3 =	simm.s32 @!p0 $0x1082;
	s9 =	sld [smem:$0x3FB0]  }
0x2f: {  	lr =	sadd.s32 s0, s3;
	s0 =	sld [smem:$0x3FA7]  }
0x30: {  	s3 =	sld [smem:$0x3FAA]  }
0x31: {  	[smem:$0x3FB3] =	sst s10  }
0x32: {  	s10 =	sld [smem:$0x3FB1];
	_ =	sdelay $0x3  }
0x33: {  	p0 =	seq.s32 s10, $0x1;
	s10 =	sld [smem:$0x3FB3];
	_ =	sdelay $0x3  }
0x34: {  	[smem:$0x3FB3] =	sst s10  }
0x35: {  	s10 =	sld [smem:$0x3FB2];
	_ =	sdelay $0x3  }
0x36: {  	p1 =	seq.s32 s10, $0x1;
	s10 =	sld [smem:$0x3FB3];
	_ =	sdelay $0x3  }
0x37: {  	[smem:$0x3FB3] =	sst s10  }
0x38: {  	s10 =	sld [smem:$0x3FB4]  }
0x39: {  	_ = 	snop;
	(pc) =	sbr.ind lr, $3  }
0x3a: {  	_ = 	snop  }
0x3b: {  	_ = 	snop  }
0x3c: {  	p2 =	seq.s32 s10, $0x1;
	s10 =	sld [smem:$0x3FB3]  }
0x3d: {  	_ =	shalt  }
0x3e: {  	_ =	shalt  }
0x3f: {  	_ =	shalt  }
0x40: {  	_ =	shalt  }
0x41: {  	_ =	shalt  }
0x42: {  	_ =	shalt  }
0x43: {  	_ =	shalt  }
0x44: {  	_ =	shalt  }
0x45: {  	_ =	shalt  }
0x46: {  	_ =	shalt  }
0x47: {  	_ =	shalt  }
0x48: {  	_ =	shalt  }
0x49: {  	_ =	shalt  }
0x4a: {  	_ =	shalt  }
0x4b: {  	_ =	shalt  }
0x4c: {  	_ =	shalt  }
0x4d: {  	_ =	shalt  }
0x4e: {  	_ =	shalt  }
0x4f: {  	_ =	shalt  }
0x50: {  	_ =	shalt  }
0x51: {  	_ =	shalt  }
0x52: {  	_ =	shalt  }
0x53: {  	_ =	shalt  }
0x54: {  	_ =	shalt  }
0x55: {  	_ =	shalt  }
0x56: {  	_ =	shalt  }
0x57: {  	_ =	shalt  }
0x58: {  	_ =	shalt  }
0x59: {  	_ =	shalt  }
0x5a: {  	_ =	shalt  }
0x5b: {  	_ =	shalt  }
0x5c: {  	_ =	shalt  }
0x5d: {  	_ =	shalt  }
0x5e: {  	_ =	shalt  }
0x5f: {  	_ =	shalt  }
0x60: {  	_ =	shalt  }
0x61: {  	_ =	shalt  }
0x62: {  	_ =	shalt  }
0x63: {  	_ =	shalt  }
0x64: {  	_ =	shalt  }
0x65: {  	_ =	shalt  }
0x66: {  	_ =	shalt  }
0x67: {  	_ =	shalt  }
0x68: {  	_ =	shalt  }
0x69: {  	_ =	shalt  }
0x6a: {  	_ =	shalt  }
0x6b: {  	_ =	shalt  }
0x6c: {  	_ =	shalt  }
0x6d: {  	_ =	shalt  }
0x6e: {  	_ =	shalt  }
0x6f: {  	_ =	shalt  }
0x70: {  	_ =	shalt  }
0x71: {  	_ =	shalt  }
0x72: {  	_ =	shalt  }
0x73: {  	_ =	shalt  }
0x74: {  	_ =	shalt  }
0x75: {  	_ =	shalt  }
0x76: {  	_ =	shalt  }
0x77: {  	_ =	shalt  }
0x78: {  	_ =	shalt  }
0x79: {  	_ =	shalt  }
0x7a: {  	_ =	shalt  }
0x7b: {  	_ =	shalt  }
0x7c: {  	_ =	shalt  }
0x7d: {  	_ =	shalt  }
0x7e: {  	_ =	shalt  }
0x7f: {  	_ =	shalt  }
0x80: {  	_ =	shalt  }
0x81: {  	_ =	shalt  }
0x82: {  	_ =	shalt  }
0x83: {  	_ =	shalt  }
0x84: {  	_ =	shalt  }
0x85: {  	_ =	shalt  }
0x86: {  	_ =	shalt  }
0x87: {  	_ =	shalt  }
.Lfunc_end0:
.L_simem_size_0:
called_computation.1_lowered:
.L_overlay_start_0:
0x88: {  	s2 =	sld [smem:$0x3FD9]  }
0x89: {  	s3 =	sld [smem:$0x3FFE];
	_ =	sdelay $0x1  }
0x8a: {  	s1 =	srdreg.scid  }
0x8b: {  	s0 =	sand.u32 $0x1, s1  }
0x8c: {  	s16 =	sshll.u32 s0, $0xA;
	s2 =	sadd.s32 s3, s2  }
0x8d: {  	s2 =	sadd.s32 s2, s16  }
0x8e: {  	[smem:$0x3FBF] =	sst s2  }
0x8f: {  	_ = 	snop  }
0x90: {  	(tm) =	ssettm $0x1  }
0x91: {  	s17 =	sld [smem:$0x3FFB];
	_ =	sdelay $0x3  }
0x92: {  	_ =	strace s17  }
0x93: {  	s2 =	sld [smem:$0x3FFC];
	_ =	sdelay $0x3  }
0x94: {  	_ =	strace s2  }
0x95: {  	s2 =	sld [smem:$0x3FFD];
	_ =	sdelay $0x3  }
0x96: {  	_ =	strace s2  }
0x97: {  	_ =	strace $0x8FFFFFFF  }
0x98: {  	s18 =	sld [smem:$0x3FDB];
	_ =	sdelay $0x1  }
0x99: {  	s19 =	simm.s32 $_scs_section_size  }
0x9a: {  	s4 =	simm.s32 $_size__tile_overlayer_lowered;
	s5 =	simm.s32 $_tile_overlayer_lowered  }
0x9b: {  	s22 =	simm.s32 $0x1BFF;
	s21 =	sshll.u32 s5, $0x1;
	s2 =	sadd.s32 s19, s18  }
0x9c: {  	s6 =	simm.s32 $0x0;
	s20 =	sshll.u32 s4, $0x1;
	s4 =	sadd.s32 s21, s2  }
0x9d: {  	[timem:s6], [sflag:s22] =	dma.local [hbm:s4], s20  }
0x9e: {  	_ =	swait.ge [sflag:s22], s20  }
0x9f: {  	s3 =	ssub.s32 $0x0, s20;
	[sflag:s22] =	ssyncset.done $0x0  }
0xa0: {  	[sflag:s22] =	ssyncadd.s32 s3;
	_ =	sdelay $0x1  }
0xa1: {  	s23 =	simm.s32 $0x1B8B  }
0xa2: {  	_ =	swait.ge [sflag:s23], $0x1  }
0xa3: {  	[sflag:s23] =	ssyncset.done $0x0  }
0xa4: {  	s25 =	simm.s32 $0x1B8E;
	s24 =	sld [smem:$0x3FFE];
	[sflag:s23] =	ssyncadd.s32 $0xFFFFFFFF  }
0xa5: {  	s26 =	simm.s32 $execute0_lowered;
	[smem:$0x3FD2] =	sst s25  }
0xa6: {  	s4 =	sshll.u32 s26, $0x1;
	_ =	strace $0x80000049;
	[dreg:$0x1] =	wrdreg $0xFFFFFFFF  }
0xa7: {  	s28 =	simm.s32 $_size_execute0_lowered;
	s2 =	sadd.s32 s2, s4;
	[dreg:$0x0] =	wrdreg $0x0  }
0xa8: {  	s4 =	sshll.u32 s28, $0x1;
	[dreg:$0x2] =	wrdreg s2  }
0xa9: {  	[dreg:$0x3] =	wrdreg s4  }
0xaa: {  	[dreg:$0x4] =	wrdreg $0xC0  }
0xab: {  	_ =	task [dreg:s6], $0x5FFFF  }
0xac: {  	[dreg:$0x1] =	wrdreg $0xFFFFFFFF  }
0xad: {  	[dreg:$0x0] =	wrdreg $0x60  }
0xae: {  	[dreg:$0x2] =	wrdreg s24  }
0xaf: {  	[dreg:$0x3] =	wrdreg $0x0  }
0xb0: {  	[dreg:$0x4] =	wrdreg $0x9  }
0xb1: {  	_ =	task.clear_ibuf [dreg:s6], $0x5FFFF;
	_ =	strace $0x90000049  }
0xb2: {  	s29 =	simm.s32 $0x9;
	_ =	strace $0x8000004B  }
0xb3: {  	_ =	swait.ge [sflag:s29], $0x1  }
0xb4: {  	[sflag:s29] =	ssyncadd.s32 $0xFFFFFFFF  }
0xb5: {  	_ =	strace $0x9000004B  }
0xb6: {  	_ =	sfence  }
0xb7: {  	s30 =	sld [smem:$0x0];
	_ =	sdelay $0x2  }
0xb8: {  	s31 =	sshll.u32 s1, $0xD;
	s1 =	sshrl.u32 s1, $0x2  }
0xb9: {  	s3 =	sand.u32 $0x4000, s31;
	s1 =	sadd.s32 s1, s30  }
0xba: {  	s0 =	sor.u32 s3, s0;
	s1 =	sshll.u32 s1, $0x11  }
0xbb: {  	s0 =	sor.u32 s1, s0  }
0xbc: {  	s0 =	sadd.s32 $0x8F2B, s0  }
0xbd: {  	[sflag:s0] =	ssyncadd.remote.s32 $0x1  }
0xbe: {  	_ =	sfence.sel $0xFFFF  }
0xbf: {  	[dreg:$0x0] =	wrdreg $0xFFFFFFFF;
	(pc) =	sbr.abs _section_cstart, $3  }
0xc0: {  	[dreg:$0x1] =	wrdreg $0xFFFFFFFF  }
0xc1: {  	_ =	task.clear_ibuf [dreg:s6], $0x2FFFF;
	_ =	strace $0x9FFFFFFF  }
0xc2: {  	(tm) =	ssettm $0x7FFFFFFF  }
0xc3: {  	_ =	shalt  }
tec
execute0_lowered:
.L_overlay_start_1:
0x0: {  	(tag) =	ssettag $0x1  }
0x1: {  	s5 =	rddreg [dreg:$0x0]  }
0x2: {  	s2 =	rddreg [dreg:$0x1]  }
0x3: {  	s3 =	simm.s32 $0x0;
	s0 =	stileid.u32;
	s4 =	srdreg.scid  }
0x4: {  	s16 =	simm.s32 $0x1;
	s19 =	simm.s32 $0x7FFFD2;
	s18 =	simm.s32 $0x16880  }
0x5: {  	s17 =	simm.s32 $0x80;
	s20 =	simm.s32 $0x7FFFD1;
	s22 =	simm.s32 $0x7FFFD3  }
0x6: {  	[smem:$0x7FF] =	sst s3;
	s6 =	smul.u32 $0x278, s0;
	s7 =	sand.u32 $0x1, s4  }
0x7: {  	s4 =	sadd.s32 $0x17800, s5;
	s11 =	sadd.s32 $0x3800, s5;
	s13 =	sadd.s32 $0xD800, s5  }
0x8: {  	s21 =	simm.s32 $0x2;
	_ =	strace $0x8000004A;
	s8 =	smul.u32 $0x138800, s7  }
0x9: {  	s10 =	sshll.u32 s7, $0x4;
	s7 =	ssub.s32 $0x2, s7;
	[dreg:$0x5] =	wrdreg s19  }
0xa: {  	s19 =	simm.s32 $0x13900;
	[dreg:$0x6] =	wrdreg s20;
	s20 =	simm.s32 $0x1A880  }
0xb: {  	[dreg:$0x7] =	wrdreg s22;
	s22 =	simm.s32 $0x15F80;
	s6 =	smin.u32 s6, $0x2498  }
0xc: {  	s10 =	sor.u32 s0, s10;
	s23 =	sshrl.u32 s7, $0x1;
	s9 =	sshll.u32 s6, $0x7  }
0xd: {  	s12 =	smul.u32 $0x2800, s10;
	s15 =	ssub.s32 s7, s23;
	s24 =	sshll.u32 s6, $0x4  }
0xe: {  	s6 =	sshll.u32 s0, $0x6;
	s29 =	smul.u32 $0x500, s10;
	s23 =	simm.s32 $0x16000  }
0xf: {  	s8 =	sadd.s32 s8, s9;
	s26 =	sadd.s32 s9, s2;
	s7 =	sor.u32 $0x1C01, s6  }
0x10: {  	s8 =	sshrl.u32 s8, $0x3;
	s25 =	sshrl.u32 s12, $0x3;
	s9 =	sadd.s32 s13, s29  }
0x11: {  	s12 =	sshrl.u32 s26, $0x3;
	s14 =	sadd.s32 s8, s5;
	s5 =	sadd.s32 s4, s24  }
0x12: {  	s28 =	sadd.s32 $0x300, s25;
	s8 =	sadd.s32 s11, s29;
	s24 =	simm.s32 $0x0  }
0x13: {  	s30 =	sadd.s32 s11, s28;
	s31 =	sadd.s32 s13, s28;
	s10 =	sadd.s32 $0x3EA00, s14  }
0x14: {  	s11 =	smax.u32 s15, $0x1;
	s13 =	simm.s32 $0x13880;
	[dreg:$0x3] =	wrdreg s30  }
0x15: {  	s14 =	simm.s32 $0x3;
	s15 =	simm.s32 $0x15080;
	[dreg:$0x4] =	wrdreg s31  }
.LBB2_1:
0x16: {  	[spmem:s12], [sflag:s7] =	dma.local [hbm:s5], $0x2780  }
0x17: {  	[tilespmem:s13], [sflag:$0x3] =	stream.linear.gather [hbm4b:s8+s3], $0x1800, $0x38;
	[tilespmem:$0x1E880] =	vst v63  }
0x18: {  	_ =	swait.ge [sflag:s14], $0x1800  }
0x19: {  	[sflag:s14] =	ssyncset.done $0x0  }
0x1a: {  	[sflag:s14] =	ssyncadd.s32 $0xFFFFE800  }
0x1b: {  	[tilespmem:s15], [sflag:$0x3] =	stream.linear.gather [hbm4b:s9+s3], $0x1800, $0x38;
	[tilespmem:$0x1E880] =	vst v63  }
0x1c: {  	_ =	swait.ge [sflag:s14], $0x1800  }
0x1d: {  	[sflag:s14] =	ssyncset.done $0x0  }
0x1e: {  	[sflag:s14] =	ssyncadd.s32 $0xFFFFE800  }
0x1f: {  	_ =	swait.ge [sflag:s16], $0x2780  }
0x20: {  	[sflag:s16] =	ssyncset.done $0x0  }
0x21: {  	[sflag:s16] =	ssyncadd.s32 $0xFFFFD880  }
0x22: {  	[bflag:$0x0] =	sbarrier.arrive $0xFFFF  }
0x23: {  	[tilespmem:s18], [sflag:$0x1] =	stream.indirect.gather [hbm4b:s4+s17], $0x80, s13, s17, $0xb8;
	[tilespmem:$0x1E880] =	vst v63  }
0x24: {  	p0 =	por $0x0, $0x0  }
0x25: {  	[tilespmem:s20], [sflag:$0x2] =	stream.indirect.gather [hbm4b:s4+s17], $0x80, s19, s17, $0xb8;
	[tilespmem:$0x1E880] =	vst v63  }
0x26: {  	s25 =	simm.s32 $0xFFFFE800;
	s26 =	simm.s32 $0x0;
	_ =	swait.ge [sflag:s16], $0x4000  }
0x27: {  	s26 =	smov.u32 @p0 s25;
	[sflag:s16] =	ssyncset.done $0x0  }
0x28: {  	s25 =	sadd.s32 $0x15080, s26;
	[sflag:s16] =	ssyncadd.s32 $0xFFFFC000  }
0x29: {  	[spmem:s2] =	stream.indirect.scatter.add.f32 [tilespmem:s18], [sflag:$0x3], $0x80, s25, s17, $0xb8;
	[tilespmem:$0x1E880] =	vst v63  }
0x2a: {  	p2 =	por $0x1, $0x1;
	_ =	swait.ge [sflag:s14], $0x4000  }
0x2b: {  	s28 =	simm.s32 @!p2 $0x13880;
	s29 =	simm.s32 @!p2 $0x3;
	[sflag:s14] =	ssyncset.done $0x0  }
0x2c: {  	s26 =	simm.s32 @!p2 $0x0;
	s25 =	rddreg [dreg:$0x3];
	[sflag:s14] =	ssyncadd.s32 $0xFFFFC000  }
0x2d: {  	[tilespmem:s28], [sflag:$0x3] =	stream.linear.gather @!p2 [hbm4b:s25+s26], $0x1000, $0x38;
	[tilespmem:$0x1E880] =	vst v63  }
0x2e: {  	_ =	swait.ge @!p2 [sflag:s29], $0x1000  }
0x2f: {  	[sflag:s29] =	ssyncset.done @!p2 $0x0  }
0x30: {  	s28 =	simm.s32 @!p2 $0x15080;
	s25 =	rddreg [dreg:$0x4];
	[sflag:s29] =	ssyncadd.s32 @!p2 $0xFFFFF000  }
0x31: {  	[tilespmem:s28], [sflag:$0x3] =	stream.linear.gather @!p2 [hbm4b:s25+s26], $0x1000, $0x38;
	[tilespmem:$0x1E880] =	vst v63  }
0x32: {  	_ =	swait.ge @!p2 [sflag:s29], $0x1000  }
0x33: {  	p1 =	por $0x0, $0x0;
	s25 =	rddreg [dreg:$0x5]  }
0x34: {  	s25 =	simm.s32 @!p1 $0x2  }
0x35: {  	s25 =	sadd.s32 $0x0, s25  }
0x36: {  	s25 =	sshll.u32 s25, $0x9  }
0x37: {  	[sflag:s29] =	ssyncset.done @!p2 $0x0;
	s25 =	sshra.s32 s25, $0x2  }
0x38: {  	[sflag:s29] =	ssyncadd.s32 @!p2 $0xFFFFF000;
	s25 =	sadd.s32 $0x13880, s25  }
0x39: {  	[tilespmem:s18], [sflag:$0x1] =	stream.indirect.gather [hbm4b:s4+s17], $0x80, s25, s17, $0xb8;
	[tilespmem:$0x1E880] =	vst v63  }
0x3a: {  	_ =	swait.ge [sflag:s21], $0x4000  }
0x3b: {  	s25 =	rddreg [dreg:$0x6]  }
0x3c: {  	s25 =	simm.s32 @!p0 $0x1  }
0x3d: {  	s25 =	sadd.s32 $0x0, s25  }
0x3e: {  	s25 =	sshll.u32 s25, $0x9  }
0x3f: {  	[sflag:s21] =	ssyncset.done $0x0;
	s25 =	sshra.s32 s25, $0x2  }
0x40: {  	[sflag:s21] =	ssyncadd.s32 $0xFFFFC000;
	s25 =	sadd.s32 $0x15080, s25  }
0x41: {  	[spmem:s2] =	stream.indirect.scatter.add.f32 [tilespmem:s20], [sflag:$0x3], $0x80, s25, s17, $0xb8;
	[tilespmem:$0x1E880] =	vst v63  }
0x42: {  	_ =	swait.ge [sflag:s14], $0x4000  }
0x43: {  	s25 =	rddreg [dreg:$0x7]  }
0x44: {  	s25 =	simm.s32 @!p1 $0x3  }
0x45: {  	[sflag:s14] =	ssyncset.done $0x0;
	s31 =	sadd.s32 $0x0, s25  }
0x46: {  	s28 =	simm.s32 $0x100;
	[sflag:s14] =	ssyncadd.s32 $0xFFFFC000;
	s26 =	sshll.u32 s31, $0x9  }
0x47: {  	s25 =	simm.s32 $0x2;
	s29 =	sshra.s32 s26, $0x2;
	s26 =	simm.s32 $0x1  }
.LBB2_2:
0x48: {  	p1 =	sgt.u32 s26, $0x17;
	s31 =	sadd.s32 $0x13880, s29  }
0x49: {  	[tilespmem:s20], [sflag:$0x2] =	stream.indirect.gather [hbm4b:s4+s17], $0x80, s31, s17, $0xb8;
	[tilespmem:$0x1E880] =	vst v63  }
0x4a: {  	s30 =	sadd.s32 $0xFFFFE800, s28;
	s31 =	smov.u32 s28;
	_ =	swait.ge [sflag:s16], $0x4000  }
0x4b: {  	s31 =	smov.u32 @p1 s30;
	[sflag:s16] =	ssyncset.done $0x0  }
0x4c: {  	s29 =	smov.u32 s25;
	s30 =	sadd.s32 $0x15080, s31;
	[sflag:s16] =	ssyncadd.s32 $0xFFFFC000  }
0x4d: {  	[spmem:s2] =	stream.indirect.scatter.add.f32 [tilespmem:s18], [sflag:$0x3], $0x80, s30, s17, $0xb8;
	[tilespmem:$0x1E880] =	vst v63  }
0x4e: {  	p2 =	sne.s32 s29, $0x2A;
	_ =	swait.ge [sflag:s14], $0x4000  }
0x4f: {  	s0 =	simm.s32 @!p2 $0x13880;
	s1 =	simm.s32 @!p2 $0x3;
	[sflag:s14] =	ssyncset.done $0x0  }
0x50: {  	s31 =	simm.s32 @!p2 $0x0;
	s30 =	rddreg [dreg:$0x3];
	[sflag:s14] =	ssyncadd.s32 $0xFFFFC000  }
0x51: {  	[tilespmem:s0], [sflag:$0x3] =	stream.linear.gather @!p2 [hbm4b:s30+s31], $0x1000, $0x38;
	[tilespmem:$0x1E880] =	vst v63  }
0x52: {  	_ =	swait.ge @!p2 [sflag:s1], $0x1000  }
0x53: {  	[sflag:s1] =	ssyncset.done @!p2 $0x0  }
0x54: {  	s30 =	simm.s32 @!p2 $0x15080;
	s0 =	rddreg [dreg:$0x4];
	[sflag:s1] =	ssyncadd.s32 @!p2 $0xFFFFF000  }
0x55: {  	[tilespmem:s30], [sflag:$0x3] =	stream.linear.gather @!p2 [hbm4b:s0+s31], $0x1000, $0x38;
	[tilespmem:$0x1E880] =	vst v63  }
0x56: {  	_ =	swait.ge @!p2 [sflag:s1], $0x1000  }
0x57: {  	[sflag:s1] =	ssyncset.done @!p2 $0x0  }
0x58: {  	s0 =	rddreg [dreg:$0x5];
	[sflag:s1] =	ssyncadd.s32 @!p2 $0xFFFFF000;
	p2 =	sgt.u32 s26, $0x16  }
0x59: {  	s0 =	simm.s32 @!p2 $0x2  }
0x5a: {  	s0 =	sadd.s32 s29, s0  }
0x5b: {  	s0 =	sshll.u32 s0, $0x9  }
0x5c: {  	s0 =	sshra.s32 s0, $0x2  }
0x5d: {  	s0 =	sadd.s32 $0x13880, s0  }
0x5e: {  	[tilespmem:s18], [sflag:$0x1] =	stream.indirect.gather [hbm4b:s4+s17], $0x80, s0, s17, $0xb8;
	[tilespmem:$0x1E880] =	vst v63  }
0x5f: {  	_ =	swait.ge [sflag:s21], $0x4000  }
0x60: {  	s0 =	rddreg [dreg:$0x6]  }
0x61: {  	s0 =	simm.s32 @!p1 $0x1  }
0x62: {  	s0 =	sadd.s32 s0, s29  }
0x63: {  	s0 =	sshll.u32 s0, $0x9  }
0x64: {  	[sflag:s21] =	ssyncset.done $0x0;
	s0 =	sshra.s32 s0, $0x2  }
0x65: {  	s25 =	sadd.s32 $0x2, s25;
	[sflag:s21] =	ssyncadd.s32 $0xFFFFC000;
	s0 =	sadd.s32 $0x15080, s0  }
0x66: {  	[spmem:s2] =	stream.indirect.scatter.add.f32 [tilespmem:s20], [sflag:$0x3], $0x80, s0, s17, $0xb8;
	[tilespmem:$0x1E880] =	vst v63  }
0x67: {  	p0 =	sne.s32 s25, $0x4E;
	_ =	swait.ge [sflag:s14], $0x4000  }
.Ltmp0:
0x68: {  	s0 =	rddreg [dreg:$0x7];
	(pc) =	sbr.rel @p0 .LBB2_2-.Ltmp0, $4  }
0x69: {  	s0 =	simm.s32 @!p2 $0x3  }
0x6a: {  	s0 =	sadd.s32 s29, s0  }
0x6b: {  	s28 =	sadd.s32 $0x100, s28;
	[sflag:s14] =	ssyncset.done $0x0;
	s0 =	sshll.u32 s0, $0x9  }
0x6c: {  	s26 =	sadd.s32 $0x1, s26;
	[sflag:s14] =	ssyncadd.s32 $0xFFFFC000;
	s29 =	sshra.s32 s0, $0x2  }
0x6d: {  	s0 =	sadd.s32 $0x13880, s29  }
0x6e: {  	[tilespmem:s20], [sflag:$0x2] =	stream.indirect.gather [hbm4b:s4+s17], $0x80, s0, s17, $0xb8;
	[tilespmem:$0x1E880] =	vst v63  }
0x6f: {  	_ =	swait.ge [sflag:s16], $0x4000  }
0x70: {  	[sflag:s16] =	ssyncset.done $0x0  }
0x71: {  	[sflag:s16] =	ssyncadd.s32 $0xFFFFC000  }
0x72: {  	[spmem:s2] =	stream.indirect.scatter.add.f32 [tilespmem:s18], [sflag:$0x3], $0x80, s22, s17, $0xb8;
	[tilespmem:$0x1E880] =	vst v63  }
0x73: {  	_ =	swait.ge [sflag:s14], $0x4000  }
0x74: {  	[sflag:s14] =	ssyncset.done $0x0  }
0x75: {  	[sflag:s14] =	ssyncadd.s32 $0xFFFFC000  }
0x76: {  	_ =	swait.ge [sflag:s21], $0x4000  }
0x77: {  	[sflag:s21] =	ssyncset.done $0x0  }
0x78: {  	[sflag:s21] =	ssyncadd.s32 $0xFFFFC000  }
0x79: {  	[spmem:s2] =	stream.indirect.scatter.add.f32 [tilespmem:s20], [sflag:$0x3], $0x80, s23, s17, $0xb8;
	[tilespmem:$0x1E880] =	vst v63  }
0x7a: {  	_ =	swait.ge [sflag:s14], $0x4000  }
0x7b: {  	s24 =	sadd.s32 $0x1, s24;
	[sflag:s14] =	ssyncset.done $0x0  }
0x7c: {  	p0 =	sne.s32 s24, s11;
	[sflag:s14] =	ssyncadd.s32 $0xFFFFC000  }
.Ltmp1:
0x7d: {  	s31 =	sor.u32 $0x1C03, s6;
	[bflag:$0x0] =	sbarrier.arrive $0xFFFF;
	(pc) =	sbr.rel @p0 .LBB2_1-.Ltmp1, $4  }
0x7e: {  	[hbm:s10], [sflag:s31] =	dma.local [spmem:s12], $0x2780  }
0x7f: {  	_ =	swait.ge [sflag:s14], $0x2780  }
0x80: {  	[sflag:s14] =	ssyncset.done $0x0  }
0x81: {  	[sflag:s14] =	ssyncadd.s32 $0xFFFFD880  }
0x82: {  	_ =	sfence.sel $0x180000  }
0x83: {  	[bflag:$0x0] =	sbarrier.arrive $0xFFFF  }
0x84: {  	_ =	strace $0x9000004A  }
0x85: {  	s0 =	stileid.u32;
	[bflag:$0x2] =	sbarrier.arrive $0xFFFF  }
0x86: {  	p0 =	sne.s32 s0, $0x0;
	s0 =	rddreg [dreg:$0x2]  }
0x87: {  	s0 =	sadd.s32 @!p0 $0x100000, s0  }
0x88: {  	[sflag:s0] =	ssyncadd.tile.s32 @!p0 $0x1;
	_ =	shalt  }
.Lfunc_end2:
_tile_overlayer_lowered:
.L_overlay_start_2:
0x89: {  	(tag) =	ssettag $0x2  }
0x8a: {  	s0 =	rddreg [dreg:$0x0];
	s2 =	stileid.u32  }
0x8b: {  	s1 =	rddreg [dreg:$0x1];
	p0 =	sne.s32 s2, $0x0  }
0x8c: {  	s3 =	rddreg [dreg:$0x2];
	[bflag:$0x3] =	sbarrier.arrive $0xFFFF;
	s2 =	simm.s32 @!p0 $0x1C03  }
0x8d: {  	[timem:s3], [sflag:s2] =	dma.local @!p0 [hbm:s0], s1  }
0x8e: {  	s0 =	simm.s32 @!p0 $0x3  }
0x8f: {  	_ =	swait.ge @!p0 [sflag:s0], s1  }
0x90: {  	s1 =	ssub.s32 @!p0 $0x0, s1;
	[sflag:s0] =	ssyncset.done @!p0 $0x0  }
0x91: {  	[sflag:s0] =	ssyncadd.s32 @!p0 s1  }
0x92: {  	[bflag:$0x3] =	sbarrier.arrive $0xFFFF  }
0x93: {  	_ =	shalt  }

// kernel: kernel.16.cloned.1.call-start
scs
__scs_entry_jumppad:
0x0: {  	(pc) =	sbr.rel $0x88, $3  }
0x1: {  	(tag) =	ssettag $0x0;
	lr =	simm.s32 $0x1  }
0x2: {  	[smem:$0x3F98] =	sst lr;
	_ =	strace $0xD0000000  }
0x3: {  	_ = 	snop  }
0x4: {  	_ = 	snop  }
0x5: {  	_ = 	snop  }
0x6: {  	_ = 	snop  }
0x7: {  	_ = 	snop  }
__scs_overlays_trampoline_lowered:
0x8: {  	[smem:$0x3FA7] =	sst s0  }
0x9: {  	[smem:$0x3FA8] =	sst s1  }
0xa: {  	[smem:$0x3FA9] =	sst s2  }
0xb: {  	[smem:$0x3FAA] =	sst s3  }
0xc: {  	[smem:$0x3FAB] =	sst s4  }
0xd: {  	[smem:$0x3FAC] =	sst s5  }
0xe: {  	[smem:$0x3FAD] =	sst s6  }
0xf: {  	[smem:$0x3FAE] =	sst s7  }
0x10: {  	[smem:$0x3FAF] =	sst s8  }
0x11: {  	[smem:$0x3FB0] =	sst s9;
	s0 =	simm.s32 @!p0 $0x0  }
0x12: {  	s1 =	sld [smem:$0x3F96];
	s0 =	simm.s32 @p0 $0x1  }
0x13: {  	[smem:$0x3FB1] =	sst s0;
	s0 =	simm.s32 @!p1 $0x0  }
0x14: {  	s2 =	sld [smem:$0x3F95];
	s0 =	simm.s32 @p1 $0x1  }
0x15: {  	[smem:$0x3FB2] =	sst s0;
	s0 =	simm.s32 @!p2 $0x0  }
0x16: {  	s3 =	sld [smem:$0x3FDB];
	s0 =	simm.s32 @p2 $0x1  }
0x17: {  	s4 =	simm.s32 $0x1BF5;
	[smem:$0x3FB4] =	sst s0  }
0x18: {  	s0 =	sld [smem:$0x3F97];
	_ =	swait.ge [sflag:s4], $0x0  }
0x19: {  	s7 =	sld [smem:$0x3F98]  }
0x1a: {  	s8 =	sadd.s32 $0xFFFFE003, lr  }
0x1b: {  	s9 =	sadd.s32 $0xFFFFFEF7, lr;
	s5 =	simm.s32 $0xFFFFFFFF;
	p2 =	slt.u32 s8, $0xFFFFF086  }
0x1c: {  	p1 =	slt.u32 s9, $0xF7A;
	s5 =	simm.s32 @!p2 $0x0  }
0x1d: {  	s5 =	simm.s32 @p1 $0x1;
	p0 =	seq.s32 s7, s2  }
0x1e: {  	s7 =	smul.u32 @!p0 $0xF7A, s2;
	p2 =	seq.s32 @!p0 s5, $0x0  }
0x1f: {  	s9 =	smul.u32 $0xF7A, s1;
	s8 =	simm.s32 @!p0 $0x1BF5;
	p2 =	por !p2, p0  }
0x20: {  	[sflag:s8] =	ssyncset.s32 @!p0 $0xFFFFF086;
	s6 =	sadd.s32 @!p0 s3, s7;
	s7 =	simm.s32 @!p0 $0x108  }
0x21: {  	s3 =	sadd.s32 s3, s9;
	s6 =	sadd.s32 @!p0 $0x88, s6;
	s7 =	simm.s32 @p2 $0x1082  }
0x22: {  	[simem:s7], [sflag:s8] =	dma.local @!p0 [hbm:s6], $0xF7A  }
0x23: {  	s9 =	sor.u32 $0xD0000000, s2;
	s6 =	simm.s32 $0x108;
	_ =	swait.ge @!p0 [sflag:s8], $0x0  }
0x24: {  	s3 =	sadd.s32 $0x88, s3;
	s6 =	simm.s32 @!p1 $0x1082;
	[sflag:s4] =	ssyncset.s32 $0xFFFFF086  }
0x25: {  	[simem:s6], [sflag:s4] =	dma.local [hbm:s3], $0xF7A  }
0x26: {  	[smem:$0x3F98] =	sst s1;
	(tag) =	ssettag s2;
	_ =	strace s9  }
0x27: {  	s1 =	sld [smem:$0x3FA8]  }
0x28: {  	s2 =	sld [smem:$0x3FA9]  }
0x29: {  	s4 =	sld [smem:$0x3FAB]  }
0x2a: {  	p0 =	seq.s32 s5, $0x0;
	s5 =	sld [smem:$0x3FAC]  }
0x2b: {  	s6 =	sld [smem:$0x3FAD]  }
0x2c: {  	s7 =	sld [smem:$0x3FAE]  }
0x2d: {  	s3 =	simm.s32 $0x108;
	s8 =	sld [smem:$0x3FAF]  }
0x2e: {  	s3 =	simm.s32 @!p0 $0x1082;
	s9 =	sld [smem:$0x3FB0]  }
0x2f: {  	lr =	sadd.s32 s0, s3;
	s0 =	sld [smem:$0x3FA7]  }
0x30: {  	s3 =	sld [smem:$0x3FAA]  }
0x31: {  	[smem:$0x3FB3] =	sst s10  }
0x32: {  	s10 =	sld [smem:$0x3FB1];
	_ =	sdelay $0x3  }
0x33: {  	p0 =	seq.s32 s10, $0x1;
	s10 =	sld [smem:$0x3FB3];
	_ =	sdelay $0x3  }
0x34: {  	[smem:$0x3FB3] =	sst s10  }
0x35: {  	s10 =	sld [smem:$0x3FB2];
	_ =	sdelay $0x3  }
0x36: {  	p1 =	seq.s32 s10, $0x1;
	s10 =	sld [smem:$0x3FB3];
	_ =	sdelay $0x3  }
0x37: {  	[smem:$0x3FB3] =	sst s10  }
0x38: {  	s10 =	sld [smem:$0x3FB4]  }
0x39: {  	_ = 	snop;
	(pc) =	sbr.ind lr, $3  }
0x3a: {  	_ = 	snop  }
0x3b: {  	_ = 	snop  }
0x3c: {  	p2 =	seq.s32 s10, $0x1;
	s10 =	sld [smem:$0x3FB3]  }
0x3d: {  	_ =	shalt  }
0x3e: {  	_ =	shalt  }
0x3f: {  	_ =	shalt  }
0x40: {  	_ =	shalt  }
0x41: {  	_ =	shalt  }
0x42: {  	_ =	shalt  }
0x43: {  	_ =	shalt  }
0x44: {  	_ =	shalt  }
0x45: {  	_ =	shalt  }
0x46: {  	_ =	shalt  }
0x47: {  	_ =	shalt  }
0x48: {  	_ =	shalt  }
0x49: {  	_ =	shalt  }
0x4a: {  	_ =	shalt  }
0x4b: {  	_ =	shalt  }
0x4c: {  	_ =	shalt  }
0x4d: {  	_ =	shalt  }
0x4e: {  	_ =	shalt  }
0x4f: {  	_ =	shalt  }
0x50: {  	_ =	shalt  }
0x51: {  	_ =	shalt  }
0x52: {  	_ =	shalt  }
0x53: {  	_ =	shalt  }
0x54: {  	_ =	shalt  }
0x55: {  	_ =	shalt  }
0x56: {  	_ =	shalt  }
0x57: {  	_ =	shalt  }
0x58: {  	_ =	shalt  }
0x59: {  	_ =	shalt  }
0x5a: {  	_ =	shalt  }
0x5b: {  	_ =	shalt  }
0x5c: {  	_ =	shalt  }
0x5d: {  	_ =	shalt  }
0x5e: {  	_ =	shalt  }
0x5f: {  	_ =	shalt  }
0x60: {  	_ =	shalt  }
0x61: {  	_ =	shalt  }
0x62: {  	_ =	shalt  }
0x63: {  	_ =	shalt  }
0x64: {  	_ =	shalt  }
0x65: {  	_ =	shalt  }
0x66: {  	_ =	shalt  }
0x67: {  	_ =	shalt  }
0x68: {  	_ =	shalt  }
0x69: {  	_ =	shalt  }
0x6a: {  	_ =	shalt  }
0x6b: {  	_ =	shalt  }
0x6c: {  	_ =	shalt  }
0x6d: {  	_ =	shalt  }
0x6e: {  	_ =	shalt  }
0x6f: {  	_ =	shalt  }
0x70: {  	_ =	shalt  }
0x71: {  	_ =	shalt  }
0x72: {  	_ =	shalt  }
0x73: {  	_ =	shalt  }
0x74: {  	_ =	shalt  }
0x75: {  	_ =	shalt  }
0x76: {  	_ =	shalt  }
0x77: {  	_ =	shalt  }
0x78: {  	_ =	shalt  }
0x79: {  	_ =	shalt  }
0x7a: {  	_ =	shalt  }
0x7b: {  	_ =	shalt  }
0x7c: {  	_ =	shalt  }
0x7d: {  	_ =	shalt  }
0x7e: {  	_ =	shalt  }
0x7f: {  	_ =	shalt  }
0x80: {  	_ =	shalt  }
0x81: {  	_ =	shalt  }
0x82: {  	_ =	shalt  }
0x83: {  	_ =	shalt  }
0x84: {  	_ =	shalt  }
0x85: {  	_ =	shalt  }
0x86: {  	_ =	shalt  }
0x87: {  	_ =	shalt  }
.Lfunc_end0:
.L_simem_size_0:
called_computation.2_lowered:
.L_overlay_start_0:
0x88: {  	s2 =	sld [smem:$0x3FD9]  }
0x89: {  	s3 =	sld [smem:$0x3FFE];
	_ =	sdelay $0x1  }
0x8a: {  	s1 =	srdreg.scid  }
0x8b: {  	s0 =	sand.u32 $0x1, s1  }
0x8c: {  	s16 =	sshll.u32 s0, $0xA;
	s2 =	sadd.s32 s3, s2  }
0x8d: {  	s2 =	sadd.s32 s2, s16  }
0x8e: {  	[smem:$0x3FBF] =	sst s2  }
0x8f: {  	_ = 	snop  }
0x90: {  	(tm) =	ssettm $0x1  }
0x91: {  	s17 =	sld [smem:$0x3FFB];
	_ =	sdelay $0x3  }
0x92: {  	_ =	strace s17  }
0x93: {  	s2 =	sld [smem:$0x3FFC];
	_ =	sdelay $0x3  }
0x94: {  	_ =	strace s2  }
0x95: {  	s2 =	sld [smem:$0x3FFD];
	_ =	sdelay $0x3  }
0x96: {  	_ =	strace s2  }
0x97: {  	_ =	strace $0x8FFFFFFF  }
0x98: {  	s18 =	sld [smem:$0x3FDB];
	_ =	sdelay $0x1  }
0x99: {  	s19 =	simm.s32 $_scs_section_size  }
0x9a: {  	s4 =	simm.s32 $_size__tile_overlayer_lowered;
	s5 =	simm.s32 $_tile_overlayer_lowered  }
0x9b: {  	s22 =	simm.s32 $0x1BFF;
	s21 =	sshll.u32 s5, $0x1;
	s2 =	sadd.s32 s19, s18  }
0x9c: {  	s6 =	simm.s32 $0x0;
	s20 =	sshll.u32 s4, $0x1;
	s4 =	sadd.s32 s21, s2  }
0x9d: {  	[timem:s6], [sflag:s22] =	dma.local [hbm:s4], s20  }
0x9e: {  	_ =	swait.ge [sflag:s22], s20  }
0x9f: {  	s3 =	ssub.s32 $0x0, s20;
	[sflag:s22] =	ssyncset.done $0x0  }
0xa0: {  	[sflag:s22] =	ssyncadd.s32 s3;
	_ =	sdelay $0x1  }
0xa1: {  	s23 =	simm.s32 $0x1B8B  }
0xa2: {  	_ =	swait.ge [sflag:s23], $0x1  }
0xa3: {  	[sflag:s23] =	ssyncset.done $0x0  }
0xa4: {  	s25 =	simm.s32 $0x1B8E;
	s24 =	sld [smem:$0x3FFE];
	[sflag:s23] =	ssyncadd.s32 $0xFFFFFFFF  }
0xa5: {  	s26 =	simm.s32 $execute0_lowered;
	[smem:$0x3FD2] =	sst s25  }
0xa6: {  	s4 =	sshll.u32 s26, $0x1;
	_ =	strace $0x8000004C;
	[dreg:$0x1] =	wrdreg $0xFFFFFFFF  }
0xa7: {  	s28 =	simm.s32 $_size_execute0_lowered;
	s2 =	sadd.s32 s2, s4;
	[dreg:$0x0] =	wrdreg $0x0  }
0xa8: {  	s4 =	sshll.u32 s28, $0x1;
	[dreg:$0x2] =	wrdreg s2  }
0xa9: {  	[dreg:$0x3] =	wrdreg s4  }
0xaa: {  	[dreg:$0x4] =	wrdreg $0xC0  }
0xab: {  	_ =	task [dreg:s6], $0x5FFFF  }
0xac: {  	[dreg:$0x1] =	wrdreg $0xFFFFFFFF  }
0xad: {  	[dreg:$0x0] =	wrdreg $0x60  }
0xae: {  	[dreg:$0x2] =	wrdreg s24  }
0xaf: {  	[dreg:$0x3] =	wrdreg $0x0  }
0xb0: {  	[dreg:$0x4] =	wrdreg $0x9  }
0xb1: {  	_ =	task.clear_ibuf [dreg:s6], $0x5FFFF;
	_ =	strace $0x9000004C  }
0xb2: {  	s29 =	simm.s32 $0x9;
	_ =	strace $0x8000004E  }
0xb3: {  	_ =	swait.ge [sflag:s29], $0x1  }
0xb4: {  	[sflag:s29] =	ssyncadd.s32 $0xFFFFFFFF  }
0xb5: {  	_ =	strace $0x9000004E  }
0xb6: {  	_ =	sfence  }
0xb7: {  	s30 =	sld [smem:$0x0];
	_ =	sdelay $0x2  }
0xb8: {  	s31 =	sshll.u32 s1, $0xD;
	s1 =	sshrl.u32 s1, $0x2  }
0xb9: {  	s3 =	sand.u32 $0x4000, s31;
	s1 =	sadd.s32 s1, s30  }
0xba: {  	s0 =	sor.u32 s3, s0;
	s1 =	sshll.u32 s1, $0x11  }
0xbb: {  	s0 =	sor.u32 s1, s0  }
0xbc: {  	s0 =	sadd.s32 $0x8F2B, s0  }
0xbd: {  	[sflag:s0] =	ssyncadd.remote.s32 $0x1  }
0xbe: {  	_ =	sfence.sel $0xFFFF  }
0xbf: {  	[dreg:$0x0] =	wrdreg $0xFFFFFFFF;
	(pc) =	sbr.abs _section_cstart, $3  }
0xc0: {  	[dreg:$0x1] =	wrdreg $0xFFFFFFFF  }
0xc1: {  	_ =	task.clear_ibuf [dreg:s6], $0x2FFFF;
	_ =	strace $0x9FFFFFFF  }
0xc2: {  	(tm) =	ssettm $0x7FFFFFFF  }
0xc3: {  	_ =	shalt  }
tec
execute0_lowered:
.L_overlay_start_1:
0x0: {  	(tag) =	ssettag $0x1  }
0x1: {  	s5 =	rddreg [dreg:$0x0]  }
0x2: {  	s2 =	rddreg [dreg:$0x1]  }
0x3: {  	s3 =	simm.s32 $0x0;
	s0 =	stileid.u32;
	s4 =	srdreg.scid  }
0x4: {  	s16 =	simm.s32 $0x1;
	s19 =	simm.s32 $0x7FFFD2;
	s18 =	simm.s32 $0x16880  }
0x5: {  	s17 =	simm.s32 $0x80;
	s20 =	simm.s32 $0x7FFFD1;
	s22 =	simm.s32 $0x7FFFD3  }
0x6: {  	[smem:$0x7FF] =	sst s3;
	s6 =	smul.u32 $0x278, s0;
	s7 =	sand.u32 $0x1, s4  }
0x7: {  	s4 =	sadd.s32 $0x17800, s5;
	s11 =	sadd.s32 $0x3800, s5;
	s13 =	sadd.s32 $0xD800, s5  }
0x8: {  	s21 =	simm.s32 $0x2;
	_ =	strace $0x8000004D;
	s8 =	smul.u32 $0x138800, s7  }
0x9: {  	s10 =	sshll.u32 s7, $0x4;
	s7 =	ssub.s32 $0x2, s7;
	[dreg:$0x5] =	wrdreg s19  }
0xa: {  	s19 =	simm.s32 $0x13900;
	[dreg:$0x6] =	wrdreg s20;
	s20 =	simm.s32 $0x1A880  }
0xb: {  	[dreg:$0x7] =	wrdreg s22;
	s22 =	simm.s32 $0x15F80;
	s6 =	smin.u32 s6, $0x2498  }
0xc: {  	s10 =	sor.u32 s0, s10;
	s23 =	sshrl.u32 s7, $0x1;
	s9 =	sshll.u32 s6, $0x7  }
0xd: {  	s12 =	smul.u32 $0x2800, s10;
	s15 =	ssub.s32 s7, s23;
	s24 =	sshll.u32 s6, $0x4  }
0xe: {  	s6 =	sshll.u32 s0, $0x6;
	s29 =	smul.u32 $0x500, s10;
	s23 =	simm.s32 $0x16000  }
0xf: {  	s8 =	sadd.s32 s8, s9;
	s26 =	sadd.s32 s9, s2;
	s7 =	sor.u32 $0x1C01, s6  }
0x10: {  	s8 =	sshrl.u32 s8, $0x3;
	s25 =	sshrl.u32 s12, $0x3;
	s9 =	sadd.s32 s13, s29  }
0x11: {  	s12 =	sshrl.u32 s26, $0x3;
	s14 =	sadd.s32 s8, s5;
	s5 =	sadd.s32 s4, s24  }
0x12: {  	s28 =	sadd.s32 $0x300, s25;
	s8 =	sadd.s32 s11, s29;
	s24 =	simm.s32 $0x0  }
0x13: {  	s30 =	sadd.s32 s11, s28;
	s31 =	sadd.s32 s13, s28;
	s10 =	sadd.s32 $0x3EA00, s14  }
0x14: {  	s11 =	smax.u32 s15, $0x1;
	s13 =	simm.s32 $0x13880;
	[dreg:$0x3] =	wrdreg s30  }
0x15: {  	s14 =	simm.s32 $0x3;
	s15 =	simm.s32 $0x15080;
	[dreg:$0x4] =	wrdreg s31  }
.LBB2_1:
0x16: {  	[spmem:s12], [sflag:s7] =	dma.local [hbm:s5], $0x2780  }
0x17: {  	[tilespmem:s13], [sflag:$0x3] =	stream.linear.gather [hbm4b:s8+s3], $0x1800, $0x38;
	[tilespmem:$0x1E880] =	vst v63  }
0x18: {  	_ =	swait.ge [sflag:s14], $0x1800  }
0x19: {  	[sflag:s14] =	ssyncset.done $0x0  }
0x1a: {  	[sflag:s14] =	ssyncadd.s32 $0xFFFFE800  }
0x1b: {  	[tilespmem:s15], [sflag:$0x3] =	stream.linear.gather [hbm4b:s9+s3], $0x1800, $0x38;
	[tilespmem:$0x1E880] =	vst v63  }
0x1c: {  	_ =	swait.ge [sflag:s14], $0x1800  }
0x1d: {  	[sflag:s14] =	ssyncset.done $0x0  }
0x1e: {  	[sflag:s14] =	ssyncadd.s32 $0xFFFFE800  }
0x1f: {  	_ =	swait.ge [sflag:s16], $0x2780  }
0x20: {  	[sflag:s16] =	ssyncset.done $0x0  }
0x21: {  	[sflag:s16] =	ssyncadd.s32 $0xFFFFD880  }
0x22: {  	[bflag:$0x0] =	sbarrier.arrive $0xFFFF  }
0x23: {  	[tilespmem:s18], [sflag:$0x1] =	stream.indirect.gather [hbm4b:s4+s17], $0x80, s13, s17, $0xb8;
	[tilespmem:$0x1E880] =	vst v63  }
0x24: {  	p0 =	por $0x0, $0x0  }
0x25: {  	[tilespmem:s20], [sflag:$0x2] =	stream.indirect.gather [hbm4b:s4+s17], $0x80, s19, s17, $0xb8;
	[tilespmem:$0x1E880] =	vst v63  }
0x26: {  	s25 =	simm.s32 $0xFFFFE800;
	s26 =	simm.s32 $0x0;
	_ =	swait.ge [sflag:s16], $0x4000  }
0x27: {  	s26 =	smov.u32 @p0 s25;
	[sflag:s16] =	ssyncset.done $0x0  }
0x28: {  	s25 =	sadd.s32 $0x15080, s26;
	[sflag:s16] =	ssyncadd.s32 $0xFFFFC000  }
0x29: {  	[spmem:s2] =	stream.indirect.scatter.add.f32 [tilespmem:s18], [sflag:$0x3], $0x80, s25, s17, $0xb8;
	[tilespmem:$0x1E880] =	vst v63  }
0x2a: {  	p2 =	por $0x1, $0x1;
	_ =	swait.ge [sflag:s14], $0x4000  }
0x2b: {  	s28 =	simm.s32 @!p2 $0x13880;
	s29 =	simm.s32 @!p2 $0x3;
	[sflag:s14] =	ssyncset.done $0x0  }
0x2c: {  	s26 =	simm.s32 @!p2 $0x0;
	s25 =	rddreg [dreg:$0x3];
	[sflag:s14] =	ssyncadd.s32 $0xFFFFC000  }
0x2d: {  	[tilespmem:s28], [sflag:$0x3] =	stream.linear.gather @!p2 [hbm4b:s25+s26], $0x1000, $0x38;
	[tilespmem:$0x1E880] =	vst v63  }
0x2e: {  	_ =	swait.ge @!p2 [sflag:s29], $0x1000  }
0x2f: {  	[sflag:s29] =	ssyncset.done @!p2 $0x0  }
0x30: {  	s28 =	simm.s32 @!p2 $0x15080;
	s25 =	rddreg [dreg:$0x4];
	[sflag:s29] =	ssyncadd.s32 @!p2 $0xFFFFF000  }
0x31: {  	[tilespmem:s28], [sflag:$0x3] =	stream.linear.gather @!p2 [hbm4b:s25+s26], $0x1000, $0x38;
	[tilespmem:$0x1E880] =	vst v63  }
0x32: {  	_ =	swait.ge @!p2 [sflag:s29], $0x1000  }
0x33: {  	p1 =	por $0x0, $0x0;
	s25 =	rddreg [dreg:$0x5]  }
0x34: {  	s25 =	simm.s32 @!p1 $0x2  }
0x35: {  	s25 =	sadd.s32 $0x0, s25  }
0x36: {  	s25 =	sshll.u32 s25, $0x9  }
0x37: {  	[sflag:s29] =	ssyncset.done @!p2 $0x0;
	s25 =	sshra.s32 s25, $0x2  }
0x38: {  	[sflag:s29] =	ssyncadd.s32 @!p2 $0xFFFFF000;
	s25 =	sadd.s32 $0x13880, s25  }
0x39: {  	[tilespmem:s18], [sflag:$0x1] =	stream.indirect.gather [hbm4b:s4+s17], $0x80, s25, s17, $0xb8;
	[tilespmem:$0x1E880] =	vst v63  }
0x3a: {  	_ =	swait.ge [sflag:s21], $0x4000  }
0x3b: {  	s25 =	rddreg [dreg:$0x6]  }
0x3c: {  	s25 =	simm.s32 @!p0 $0x1  }
0x3d: {  	s25 =	sadd.s32 $0x0, s25  }
0x3e: {  	s25 =	sshll.u32 s25, $0x9  }
0x3f: {  	[sflag:s21] =	ssyncset.done $0x0;
	s25 =	sshra.s32 s25, $0x2  }
0x40: {  	[sflag:s21] =	ssyncadd.s32 $0xFFFFC000;
	s25 =	sadd.s32 $0x15080, s25  }
0x41: {  	[spmem:s2] =	stream.indirect.scatter.add.f32 [tilespmem:s20], [sflag:$0x3], $0x80, s25, s17, $0xb8;
	[tilespmem:$0x1E880] =	vst v63  }
0x42: {  	_ =	swait.ge [sflag:s14], $0x4000  }
0x43: {  	s25 =	rddreg [dreg:$0x7]  }
0x44: {  	s25 =	simm.s32 @!p1 $0x3  }
0x45: {  	[sflag:s14] =	ssyncset.done $0x0;
	s31 =	sadd.s32 $0x0, s25  }
0x46: {  	s28 =	simm.s32 $0x100;
	[sflag:s14] =	ssyncadd.s32 $0xFFFFC000;
	s26 =	sshll.u32 s31, $0x9  }
0x47: {  	s25 =	simm.s32 $0x2;
	s29 =	sshra.s32 s26, $0x2;
	s26 =	simm.s32 $0x1  }
.LBB2_2:
0x48: {  	p1 =	sgt.u32 s26, $0x17;
	s31 =	sadd.s32 $0x13880, s29  }
0x49: {  	[tilespmem:s20], [sflag:$0x2] =	stream.indirect.gather [hbm4b:s4+s17], $0x80, s31, s17, $0xb8;
	[tilespmem:$0x1E880] =	vst v63  }
0x4a: {  	s30 =	sadd.s32 $0xFFFFE800, s28;
	s31 =	smov.u32 s28;
	_ =	swait.ge [sflag:s16], $0x4000  }
0x4b: {  	s31 =	smov.u32 @p1 s30;
	[sflag:s16] =	ssyncset.done $0x0  }
0x4c: {  	s29 =	smov.u32 s25;
	s30 =	sadd.s32 $0x15080, s31;
	[sflag:s16] =	ssyncadd.s32 $0xFFFFC000  }
0x4d: {  	[spmem:s2] =	stream.indirect.scatter.add.f32 [tilespmem:s18], [sflag:$0x3], $0x80, s30, s17, $0xb8;
	[tilespmem:$0x1E880] =	vst v63  }
0x4e: {  	p2 =	sne.s32 s29, $0x2A;
	_ =	swait.ge [sflag:s14], $0x4000  }
0x4f: {  	s0 =	simm.s32 @!p2 $0x13880;
	s1 =	simm.s32 @!p2 $0x3;
	[sflag:s14] =	ssyncset.done $0x0  }
0x50: {  	s31 =	simm.s32 @!p2 $0x0;
	s30 =	rddreg [dreg:$0x3];
	[sflag:s14] =	ssyncadd.s32 $0xFFFFC000  }
0x51: {  	[tilespmem:s0], [sflag:$0x3] =	stream.linear.gather @!p2 [hbm4b:s30+s31], $0x1000, $0x38;
	[tilespmem:$0x1E880] =	vst v63  }
0x52: {  	_ =	swait.ge @!p2 [sflag:s1], $0x1000  }
0x53: {  	[sflag:s1] =	ssyncset.done @!p2 $0x0  }
0x54: {  	s30 =	simm.s32 @!p2 $0x15080;
	s0 =	rddreg [dreg:$0x4];
	[sflag:s1] =	ssyncadd.s32 @!p2 $0xFFFFF000  }
0x55: {  	[tilespmem:s30], [sflag:$0x3] =	stream.linear.gather @!p2 [hbm4b:s0+s31], $0x1000, $0x38;
	[tilespmem:$0x1E880] =	vst v63  }
0x56: {  	_ =	swait.ge @!p2 [sflag:s1], $0x1000  }
0x57: {  	[sflag:s1] =	ssyncset.done @!p2 $0x0  }
0x58: {  	s0 =	rddreg [dreg:$0x5];
	[sflag:s1] =	ssyncadd.s32 @!p2 $0xFFFFF000;
	p2 =	sgt.u32 s26, $0x16  }
0x59: {  	s0 =	simm.s32 @!p2 $0x2  }
0x5a: {  	s0 =	sadd.s32 s29, s0  }
0x5b: {  	s0 =	sshll.u32 s0, $0x9  }
0x5c: {  	s0 =	sshra.s32 s0, $0x2  }
0x5d: {  	s0 =	sadd.s32 $0x13880, s0  }
0x5e: {  	[tilespmem:s18], [sflag:$0x1] =	stream.indirect.gather [hbm4b:s4+s17], $0x80, s0, s17, $0xb8;
	[tilespmem:$0x1E880] =	vst v63  }
0x5f: {  	_ =	swait.ge [sflag:s21], $0x4000  }
0x60: {  	s0 =	rddreg [dreg:$0x6]  }
0x61: {  	s0 =	simm.s32 @!p1 $0x1  }
0x62: {  	s0 =	sadd.s32 s0, s29  }
0x63: {  	s0 =	sshll.u32 s0, $0x9  }
0x64: {  	[sflag:s21] =	ssyncset.done $0x0;
	s0 =	sshra.s32 s0, $0x2  }
0x65: {  	s25 =	sadd.s32 $0x2, s25;
	[sflag:s21] =	ssyncadd.s32 $0xFFFFC000;
	s0 =	sadd.s32 $0x15080, s0  }
0x66: {  	[spmem:s2] =	stream.indirect.scatter.add.f32 [tilespmem:s20], [sflag:$0x3], $0x80, s0, s17, $0xb8;
	[tilespmem:$0x1E880] =	vst v63  }
0x67: {  	p0 =	sne.s32 s25, $0x4E;
	_ =	swait.ge [sflag:s14], $0x4000  }
.Ltmp0:
0x68: {  	s0 =	rddreg [dreg:$0x7];
	(pc) =	sbr.rel @p0 .LBB2_2-.Ltmp0, $4  }
0x69: {  	s0 =	simm.s32 @!p2 $0x3  }
0x6a: {  	s0 =	sadd.s32 s29, s0  }
0x6b: {  	s28 =	sadd.s32 $0x100, s28;
	[sflag:s14] =	ssyncset.done $0x0;
	s0 =	sshll.u32 s0, $0x9  }
0x6c: {  	s26 =	sadd.s32 $0x1, s26;
	[sflag:s14] =	ssyncadd.s32 $0xFFFFC000;
	s29 =	sshra.s32 s0, $0x2  }
0x6d: {  	s0 =	sadd.s32 $0x13880, s29  }
0x6e: {  	[tilespmem:s20], [sflag:$0x2] =	stream.indirect.gather [hbm4b:s4+s17], $0x80, s0, s17, $0xb8;
	[tilespmem:$0x1E880] =	vst v63  }
0x6f: {  	_ =	swait.ge [sflag:s16], $0x4000  }
0x70: {  	[sflag:s16] =	ssyncset.done $0x0  }
0x71: {  	[sflag:s16] =	ssyncadd.s32 $0xFFFFC000  }
0x72: {  	[spmem:s2] =	stream.indirect.scatter.add.f32 [tilespmem:s18], [sflag:$0x3], $0x80, s22, s17, $0xb8;
	[tilespmem:$0x1E880] =	vst v63  }
0x73: {  	_ =	swait.ge [sflag:s14], $0x4000  }
0x74: {  	[sflag:s14] =	ssyncset.done $0x0  }
0x75: {  	[sflag:s14] =	ssyncadd.s32 $0xFFFFC000  }
0x76: {  	_ =	swait.ge [sflag:s21], $0x4000  }
0x77: {  	[sflag:s21] =	ssyncset.done $0x0  }
0x78: {  	[sflag:s21] =	ssyncadd.s32 $0xFFFFC000  }
0x79: {  	[spmem:s2] =	stream.indirect.scatter.add.f32 [tilespmem:s20], [sflag:$0x3], $0x80, s23, s17, $0xb8;
	[tilespmem:$0x1E880] =	vst v63  }
0x7a: {  	_ =	swait.ge [sflag:s14], $0x4000  }
0x7b: {  	s24 =	sadd.s32 $0x1, s24;
	[sflag:s14] =	ssyncset.done $0x0  }
0x7c: {  	p0 =	sne.s32 s24, s11;
	[sflag:s14] =	ssyncadd.s32 $0xFFFFC000  }
.Ltmp1:
0x7d: {  	s31 =	sor.u32 $0x1C03, s6;
	[bflag:$0x0] =	sbarrier.arrive $0xFFFF;
	(pc) =	sbr.rel @p0 .LBB2_1-.Ltmp1, $4  }
0x7e: {  	[hbm:s10], [sflag:s31] =	dma.local [spmem:s12], $0x2780  }
0x7f: {  	_ =	swait.ge [sflag:s14], $0x2780  }
0x80: {  	[sflag:s14] =	ssyncset.done $0x0  }
0x81: {  	[sflag:s14] =	ssyncadd.s32 $0xFFFFD880  }
0x82: {  	_ =	sfence.sel $0x180000  }
0x83: {  	[bflag:$0x0] =	sbarrier.arrive $0xFFFF  }
0x84: {  	_ =	strace $0x9000004D  }
0x85: {  	s0 =	stileid.u32;
	[bflag:$0x2] =	sbarrier.arrive $0xFFFF  }
0x86: {  	p0 =	sne.s32 s0, $0x0;
	s0 =	rddreg [dreg:$0x2]  }
0x87: {  	s0 =	sadd.s32 @!p0 $0x100000, s0  }
0x88: {  	[sflag:s0] =	ssyncadd.tile.s32 @!p0 $0x1;
	_ =	shalt  }
.Lfunc_end2:
_tile_overlayer_lowered:
.L_overlay_start_2:
0x89: {  	(tag) =	ssettag $0x2  }
0x8a: {  	s0 =	rddreg [dreg:$0x0];
	s2 =	stileid.u32  }
0x8b: {  	s1 =	rddreg [dreg:$0x1];
	p0 =	sne.s32 s2, $0x0  }
0x8c: {  	s3 =	rddreg [dreg:$0x2];
	[bflag:$0x3] =	sbarrier.arrive $0xFFFF;
	s2 =	simm.s32 @!p0 $0x1C03  }
0x8d: {  	[timem:s3], [sflag:s2] =	dma.local @!p0 [hbm:s0], s1  }
0x8e: {  	s0 =	simm.s32 @!p0 $0x3  }
0x8f: {  	_ =	swait.ge @!p0 [sflag:s0], s1  }
0x90: {  	s1 =	ssub.s32 @!p0 $0x0, s1;
	[sflag:s0] =	ssyncset.done @!p0 $0x0  }
0x91: {  	[sflag:s0] =	ssyncadd.s32 @!p0 s1  }
0x92: {  	[bflag:$0x3] =	sbarrier.arrive $0xFFFF  }
0x93: {  	_ =	shalt  }

// kernel: kernel.19.cloned.1.call-start
scs
__scs_entry_jumppad:
0x0: {  	(pc) =	sbr.rel $0x88, $3  }
0x1: {  	(tag) =	ssettag $0x0;
	lr =	simm.s32 $0x1  }
0x2: {  	[smem:$0x3F98] =	sst lr;
	_ =	strace $0xD0000000  }
0x3: {  	_ = 	snop  }
0x4: {  	_ = 	snop  }
0x5: {  	_ = 	snop  }
0x6: {  	_ = 	snop  }
0x7: {  	_ = 	snop  }
__scs_overlays_trampoline_lowered:
0x8: {  	[smem:$0x3FA7] =	sst s0  }
0x9: {  	[smem:$0x3FA8] =	sst s1  }
0xa: {  	[smem:$0x3FA9] =	sst s2  }
0xb: {  	[smem:$0x3FAA] =	sst s3  }
0xc: {  	[smem:$0x3FAB] =	sst s4  }
0xd: {  	[smem:$0x3FAC] =	sst s5  }
0xe: {  	[smem:$0x3FAD] =	sst s6  }
0xf: {  	[smem:$0x3FAE] =	sst s7  }
0x10: {  	[smem:$0x3FAF] =	sst s8  }
0x11: {  	[smem:$0x3FB0] =	sst s9;
	s0 =	simm.s32 @!p0 $0x0  }
0x12: {  	s1 =	sld [smem:$0x3F96];
	s0 =	simm.s32 @p0 $0x1  }
0x13: {  	[smem:$0x3FB1] =	sst s0;
	s0 =	simm.s32 @!p1 $0x0  }
0x14: {  	s2 =	sld [smem:$0x3F95];
	s0 =	simm.s32 @p1 $0x1  }
0x15: {  	[smem:$0x3FB2] =	sst s0;
	s0 =	simm.s32 @!p2 $0x0  }
0x16: {  	s3 =	sld [smem:$0x3FDB];
	s0 =	simm.s32 @p2 $0x1  }
0x17: {  	s4 =	simm.s32 $0x1BF5;
	[smem:$0x3FB4] =	sst s0  }
0x18: {  	s0 =	sld [smem:$0x3F97];
	_ =	swait.ge [sflag:s4], $0x0  }
0x19: {  	s7 =	sld [smem:$0x3F98]  }
0x1a: {  	s8 =	sadd.s32 $0xFFFFE003, lr  }
0x1b: {  	s9 =	sadd.s32 $0xFFFFFEF7, lr;
	s5 =	simm.s32 $0xFFFFFFFF;
	p2 =	slt.u32 s8, $0xFFFFF086  }
0x1c: {  	p1 =	slt.u32 s9, $0xF7A;
	s5 =	simm.s32 @!p2 $0x0  }
0x1d: {  	s5 =	simm.s32 @p1 $0x1;
	p0 =	seq.s32 s7, s2  }
0x1e: {  	s7 =	smul.u32 @!p0 $0xF7A, s2;
	p2 =	seq.s32 @!p0 s5, $0x0  }
0x1f: {  	s9 =	smul.u32 $0xF7A, s1;
	s8 =	simm.s32 @!p0 $0x1BF5;
	p2 =	por !p2, p0  }
0x20: {  	[sflag:s8] =	ssyncset.s32 @!p0 $0xFFFFF086;
	s6 =	sadd.s32 @!p0 s3, s7;
	s7 =	simm.s32 @!p0 $0x108  }
0x21: {  	s3 =	sadd.s32 s3, s9;
	s6 =	sadd.s32 @!p0 $0x88, s6;
	s7 =	simm.s32 @p2 $0x1082  }
0x22: {  	[simem:s7], [sflag:s8] =	dma.local @!p0 [hbm:s6], $0xF7A  }
0x23: {  	s9 =	sor.u32 $0xD0000000, s2;
	s6 =	simm.s32 $0x108;
	_ =	swait.ge @!p0 [sflag:s8], $0x0  }
0x24: {  	s3 =	sadd.s32 $0x88, s3;
	s6 =	simm.s32 @!p1 $0x1082;
	[sflag:s4] =	ssyncset.s32 $0xFFFFF086  }
0x25: {  	[simem:s6], [sflag:s4] =	dma.local [hbm:s3], $0xF7A  }
0x26: {  	[smem:$0x3F98] =	sst s1;
	(tag) =	ssettag s2;
	_ =	strace s9  }
0x27: {  	s1 =	sld [smem:$0x3FA8]  }
0x28: {  	s2 =	sld [smem:$0x3FA9]  }
0x29: {  	s4 =	sld [smem:$0x3FAB]  }
0x2a: {  	p0 =	seq.s32 s5, $0x0;
	s5 =	sld [smem:$0x3FAC]  }
0x2b: {  	s6 =	sld [smem:$0x3FAD]  }
0x2c: {  	s7 =	sld [smem:$0x3FAE]  }
0x2d: {  	s3 =	simm.s32 $0x108;
	s8 =	sld [smem:$0x3FAF]  }
0x2e: {  	s3 =	simm.s32 @!p0 $0x1082;
	s9 =	sld [smem:$0x3FB0]  }
0x2f: {  	lr =	sadd.s32 s0, s3;
	s0 =	sld [smem:$0x3FA7]  }
0x30: {  	s3 =	sld [smem:$0x3FAA]  }
0x31: {  	[smem:$0x3FB3] =	sst s10  }
0x32: {  	s10 =	sld [smem:$0x3FB1];
	_ =	sdelay $0x3  }
0x33: {  	p0 =	seq.s32 s10, $0x1;
	s10 =	sld [smem:$0x3FB3];
	_ =	sdelay $0x3  }
0x34: {  	[smem:$0x3FB3] =	sst s10  }
0x35: {  	s10 =	sld [smem:$0x3FB2];
	_ =	sdelay $0x3  }
0x36: {  	p1 =	seq.s32 s10, $0x1;
	s10 =	sld [smem:$0x3FB3];
	_ =	sdelay $0x3  }
0x37: {  	[smem:$0x3FB3] =	sst s10  }
0x38: {  	s10 =	sld [smem:$0x3FB4]  }
0x39: {  	_ = 	snop;
	(pc) =	sbr.ind lr, $3  }
0x3a: {  	_ = 	snop  }
0x3b: {  	_ = 	snop  }
0x3c: {  	p2 =	seq.s32 s10, $0x1;
	s10 =	sld [smem:$0x3FB3]  }
0x3d: {  	_ =	shalt  }
0x3e: {  	_ =	shalt  }
0x3f: {  	_ =	shalt  }
0x40: {  	_ =	shalt  }
0x41: {  	_ =	shalt  }
0x42: {  	_ =	shalt  }
0x43: {  	_ =	shalt  }
0x44: {  	_ =	shalt  }
0x45: {  	_ =	shalt  }
0x46: {  	_ =	shalt  }
0x47: {  	_ =	shalt  }
0x48: {  	_ =	shalt  }
0x49: {  	_ =	shalt  }
0x4a: {  	_ =	shalt  }
0x4b: {  	_ =	shalt  }
0x4c: {  	_ =	shalt  }
0x4d: {  	_ =	shalt  }
0x4e: {  	_ =	shalt  }
0x4f: {  	_ =	shalt  }
0x50: {  	_ =	shalt  }
0x51: {  	_ =	shalt  }
0x52: {  	_ =	shalt  }
0x53: {  	_ =	shalt  }
0x54: {  	_ =	shalt  }
0x55: {  	_ =	shalt  }
0x56: {  	_ =	shalt  }
0x57: {  	_ =	shalt  }
0x58: {  	_ =	shalt  }
0x59: {  	_ =	shalt  }
0x5a: {  	_ =	shalt  }
0x5b: {  	_ =	shalt  }
0x5c: {  	_ =	shalt  }
0x5d: {  	_ =	shalt  }
0x5e: {  	_ =	shalt  }
0x5f: {  	_ =	shalt  }
0x60: {  	_ =	shalt  }
0x61: {  	_ =	shalt  }
0x62: {  	_ =	shalt  }
0x63: {  	_ =	shalt  }
0x64: {  	_ =	shalt  }
0x65: {  	_ =	shalt  }
0x66: {  	_ =	shalt  }
0x67: {  	_ =	shalt  }
0x68: {  	_ =	shalt  }
0x69: {  	_ =	shalt  }
0x6a: {  	_ =	shalt  }
0x6b: {  	_ =	shalt  }
0x6c: {  	_ =	shalt  }
0x6d: {  	_ =	shalt  }
0x6e: {  	_ =	shalt  }
0x6f: {  	_ =	shalt  }
0x70: {  	_ =	shalt  }
0x71: {  	_ =	shalt  }
0x72: {  	_ =	shalt  }
0x73: {  	_ =	shalt  }
0x74: {  	_ =	shalt  }
0x75: {  	_ =	shalt  }
0x76: {  	_ =	shalt  }
0x77: {  	_ =	shalt  }
0x78: {  	_ =	shalt  }
0x79: {  	_ =	shalt  }
0x7a: {  	_ =	shalt  }
0x7b: {  	_ =	shalt  }
0x7c: {  	_ =	shalt  }
0x7d: {  	_ =	shalt  }
0x7e: {  	_ =	shalt  }
0x7f: {  	_ =	shalt  }
0x80: {  	_ =	shalt  }
0x81: {  	_ =	shalt  }
0x82: {  	_ =	shalt  }
0x83: {  	_ =	shalt  }
0x84: {  	_ =	shalt  }
0x85: {  	_ =	shalt  }
0x86: {  	_ =	shalt  }
0x87: {  	_ =	shalt  }
.Lfunc_end0:
.L_simem_size_0:
called_computation.3_lowered:
.L_overlay_start_0:
0x88: {  	s2 =	sld [smem:$0x3FD9]  }
0x89: {  	s3 =	sld [smem:$0x3FFE];
	_ =	sdelay $0x1  }
0x8a: {  	s1 =	srdreg.scid  }
0x8b: {  	s0 =	sand.u32 $0x1, s1  }
0x8c: {  	s16 =	sshll.u32 s0, $0xA;
	s2 =	sadd.s32 s3, s2  }
0x8d: {  	s2 =	sadd.s32 s2, s16  }
0x8e: {  	[smem:$0x3FBF] =	sst s2  }
0x8f: {  	_ = 	snop  }
0x90: {  	(tm) =	ssettm $0x1  }
0x91: {  	s17 =	sld [smem:$0x3FFB];
	_ =	sdelay $0x3  }
0x92: {  	_ =	strace s17  }
0x93: {  	s2 =	sld [smem:$0x3FFC];
	_ =	sdelay $0x3  }
0x94: {  	_ =	strace s2  }
0x95: {  	s2 =	sld [smem:$0x3FFD];
	_ =	sdelay $0x3  }
0x96: {  	_ =	strace s2  }
0x97: {  	_ =	strace $0x8FFFFFFF  }
0x98: {  	s18 =	sld [smem:$0x3FDB];
	_ =	sdelay $0x1  }
0x99: {  	s19 =	simm.s32 $_scs_section_size  }
0x9a: {  	s4 =	simm.s32 $_size__tile_overlayer_lowered;
	s5 =	simm.s32 $_tile_overlayer_lowered  }
0x9b: {  	s22 =	simm.s32 $0x1BFF;
	s21 =	sshll.u32 s5, $0x1;
	s2 =	sadd.s32 s19, s18  }
0x9c: {  	s6 =	simm.s32 $0x0;
	s20 =	sshll.u32 s4, $0x1;
	s4 =	sadd.s32 s21, s2  }
0x9d: {  	[timem:s6], [sflag:s22] =	dma.local [hbm:s4], s20  }
0x9e: {  	_ =	swait.ge [sflag:s22], s20  }
0x9f: {  	s3 =	ssub.s32 $0x0, s20;
	[sflag:s22] =	ssyncset.done $0x0  }
0xa0: {  	[sflag:s22] =	ssyncadd.s32 s3;
	_ =	sdelay $0x1  }
0xa1: {  	s23 =	simm.s32 $0x1B8B  }
0xa2: {  	_ =	swait.ge [sflag:s23], $0x1  }
0xa3: {  	[sflag:s23] =	ssyncset.done $0x0  }
0xa4: {  	s25 =	simm.s32 $0x1B8E;
	s24 =	sld [smem:$0x3FFE];
	[sflag:s23] =	ssyncadd.s32 $0xFFFFFFFF  }
0xa5: {  	s26 =	simm.s32 $execute0_lowered;
	[smem:$0x3FD2] =	sst s25  }
0xa6: {  	s4 =	sshll.u32 s26, $0x1;
	_ =	strace $0x8000004F;
	[dreg:$0x1] =	wrdreg $0xFFFFFFFF  }
0xa7: {  	s28 =	simm.s32 $_size_execute0_lowered;
	s2 =	sadd.s32 s2, s4;
	[dreg:$0x0] =	wrdreg $0x0  }
0xa8: {  	s4 =	sshll.u32 s28, $0x1;
	[dreg:$0x2] =	wrdreg s2  }
0xa9: {  	[dreg:$0x3] =	wrdreg s4  }
0xaa: {  	[dreg:$0x4] =	wrdreg $0xC0  }
0xab: {  	_ =	task [dreg:s6], $0x5FFFF  }
0xac: {  	[dreg:$0x1] =	wrdreg $0xFFFFFFFF  }
0xad: {  	[dreg:$0x0] =	wrdreg $0x60  }
0xae: {  	[dreg:$0x2] =	wrdreg s24  }
0xaf: {  	[dreg:$0x3] =	wrdreg $0x0  }
0xb0: {  	[dreg:$0x4] =	wrdreg $0x9  }
0xb1: {  	_ =	task.clear_ibuf [dreg:s6], $0x5FFFF;
	_ =	strace $0x9000004F  }
0xb2: {  	s29 =	simm.s32 $0x9;
	_ =	strace $0x80000051  }
0xb3: {  	_ =	swait.ge [sflag:s29], $0x1  }
0xb4: {  	[sflag:s29] =	ssyncadd.s32 $0xFFFFFFFF  }
0xb5: {  	_ =	strace $0x90000051  }
0xb6: {  	_ =	sfence  }
0xb7: {  	s30 =	sld [smem:$0x0];
	_ =	sdelay $0x2  }
0xb8: {  	s31 =	sshll.u32 s1, $0xD;
	s1 =	sshrl.u32 s1, $0x2  }
0xb9: {  	s3 =	sand.u32 $0x4000, s31;
	s1 =	sadd.s32 s1, s30  }
0xba: {  	s0 =	sor.u32 s3, s0;
	s1 =	sshll.u32 s1, $0x11  }
0xbb: {  	s0 =	sor.u32 s1, s0  }
0xbc: {  	s0 =	sadd.s32 $0x8F2B, s0  }
0xbd: {  	[sflag:s0] =	ssyncadd.remote.s32 $0x1  }
0xbe: {  	_ =	sfence.sel $0xFFFF  }
0xbf: {  	[dreg:$0x0] =	wrdreg $0xFFFFFFFF;
	(pc) =	sbr.abs _section_cstart, $3  }
0xc0: {  	[dreg:$0x1] =	wrdreg $0xFFFFFFFF  }
0xc1: {  	_ =	task.clear_ibuf [dreg:s6], $0x2FFFF;
	_ =	strace $0x9FFFFFFF  }
0xc2: {  	(tm) =	ssettm $0x7FFFFFFF  }
0xc3: {  	_ =	shalt  }
tec
execute0_lowered:
.L_overlay_start_1:
0x0: {  	(tag) =	ssettag $0x1  }
0x1: {  	s5 =	rddreg [dreg:$0x0]  }
0x2: {  	s2 =	rddreg [dreg:$0x1]  }
0x3: {  	s3 =	simm.s32 $0x0;
	s0 =	stileid.u32;
	s4 =	srdreg.scid  }
0x4: {  	s16 =	simm.s32 $0x1;
	s19 =	simm.s32 $0x7FFFD2;
	s18 =	simm.s32 $0x16880  }
0x5: {  	s17 =	simm.s32 $0x80;
	s20 =	simm.s32 $0x7FFFD1;
	s22 =	simm.s32 $0x7FFFD3  }
0x6: {  	[smem:$0x7FF] =	sst s3;
	s6 =	smul.u32 $0x278, s0;
	s7 =	sand.u32 $0x1, s4  }
0x7: {  	s4 =	sadd.s32 $0x17800, s5;
	s11 =	sadd.s32 $0x3800, s5;
	s13 =	sadd.s32 $0xD800, s5  }
0x8: {  	s21 =	simm.s32 $0x2;
	_ =	strace $0x80000050;
	s8 =	smul.u32 $0x138800, s7  }
0x9: {  	s10 =	sshll.u32 s7, $0x4;
	s7 =	ssub.s32 $0x2, s7;
	[dreg:$0x5] =	wrdreg s19  }
0xa: {  	s19 =	simm.s32 $0x13900;
	[dreg:$0x6] =	wrdreg s20;
	s20 =	simm.s32 $0x1A880  }
0xb: {  	[dreg:$0x7] =	wrdreg s22;
	s22 =	simm.s32 $0x15F80;
	s6 =	smin.u32 s6, $0x2498  }
0xc: {  	s10 =	sor.u32 s0, s10;
	s23 =	sshrl.u32 s7, $0x1;
	s9 =	sshll.u32 s6, $0x7  }
0xd: {  	s12 =	smul.u32 $0x2800, s10;
	s15 =	ssub.s32 s7, s23;
	s24 =	sshll.u32 s6, $0x4  }
0xe: {  	s6 =	sshll.u32 s0, $0x6;
	s29 =	smul.u32 $0x500, s10;
	s23 =	simm.s32 $0x16000  }
0xf: {  	s8 =	sadd.s32 s8, s9;
	s26 =	sadd.s32 s9, s2;
	s7 =	sor.u32 $0x1C01, s6  }
0x10: {  	s8 =	sshrl.u32 s8, $0x3;
	s25 =	sshrl.u32 s12, $0x3;
	s9 =	sadd.s32 s13, s29  }
0x11: {  	s12 =	sshrl.u32 s26, $0x3;
	s14 =	sadd.s32 s8, s5;
	s5 =	sadd.s32 s4, s24  }
0x12: {  	s28 =	sadd.s32 $0x300, s25;
	s8 =	sadd.s32 s11, s29;
	s24 =	simm.s32 $0x0  }
0x13: {  	s30 =	sadd.s32 s11, s28;
	s31 =	sadd.s32 s13, s28;
	s10 =	sadd.s32 $0x3EA00, s14  }
0x14: {  	s11 =	smax.u32 s15, $0x1;
	s13 =	simm.s32 $0x13880;
	[dreg:$0x3] =	wrdreg s30  }
0x15: {  	s14 =	simm.s32 $0x3;
	s15 =	simm.s32 $0x15080;
	[dreg:$0x4] =	wrdreg s31  }
.LBB2_1:
0x16: {  	[spmem:s12], [sflag:s7] =	dma.local [hbm:s5], $0x2780  }
0x17: {  	[tilespmem:s13], [sflag:$0x3] =	stream.linear.gather [hbm4b:s8+s3], $0x1800, $0x38;
	[tilespmem:$0x1E880] =	vst v63  }
0x18: {  	_ =	swait.ge [sflag:s14], $0x1800  }
0x19: {  	[sflag:s14] =	ssyncset.done $0x0  }
0x1a: {  	[sflag:s14] =	ssyncadd.s32 $0xFFFFE800  }
0x1b: {  	[tilespmem:s15], [sflag:$0x3] =	stream.linear.gather [hbm4b:s9+s3], $0x1800, $0x38;
	[tilespmem:$0x1E880] =	vst v63  }
0x1c: {  	_ =	swait.ge [sflag:s14], $0x1800  }
0x1d: {  	[sflag:s14] =	ssyncset.done $0x0  }
0x1e: {  	[sflag:s14] =	ssyncadd.s32 $0xFFFFE800  }
0x1f: {  	_ =	swait.ge [sflag:s16], $0x2780  }
0x20: {  	[sflag:s16] =	ssyncset.done $0x0  }
0x21: {  	[sflag:s16] =	ssyncadd.s32 $0xFFFFD880  }
0x22: {  	[bflag:$0x0] =	sbarrier.arrive $0xFFFF  }
0x23: {  	[tilespmem:s18], [sflag:$0x1] =	stream.indirect.gather [hbm4b:s4+s17], $0x80, s13, s17, $0xb8;
	[tilespmem:$0x1E880] =	vst v63  }
0x24: {  	p0 =	por $0x0, $0x0  }
0x25: {  	[tilespmem:s20], [sflag:$0x2] =	stream.indirect.gather [hbm4b:s4+s17], $0x80, s19, s17, $0xb8;
	[tilespmem:$0x1E880] =	vst v63  }
0x26: {  	s25 =	simm.s32 $0xFFFFE800;
	s26 =	simm.s32 $0x0;
	_ =	swait.ge [sflag:s16], $0x4000  }
0x27: {  	s26 =	smov.u32 @p0 s25;
	[sflag:s16] =	ssyncset.done $0x0  }
0x28: {  	s25 =	sadd.s32 $0x15080, s26;
	[sflag:s16] =	ssyncadd.s32 $0xFFFFC000  }
0x29: {  	[spmem:s2] =	stream.indirect.scatter.add.f32 [tilespmem:s18], [sflag:$0x3], $0x80, s25, s17, $0xb8;
	[tilespmem:$0x1E880] =	vst v63  }
0x2a: {  	p2 =	por $0x1, $0x1;
	_ =	swait.ge [sflag:s14], $0x4000  }
0x2b: {  	s28 =	simm.s32 @!p2 $0x13880;
	s29 =	simm.s32 @!p2 $0x3;
	[sflag:s14] =	ssyncset.done $0x0  }
0x2c: {  	s26 =	simm.s32 @!p2 $0x0;
	s25 =	rddreg [dreg:$0x3];
	[sflag:s14] =	ssyncadd.s32 $0xFFFFC000  }
0x2d: {  	[tilespmem:s28], [sflag:$0x3] =	stream.linear.gather @!p2 [hbm4b:s25+s26], $0x1000, $0x38;
	[tilespmem:$0x1E880] =	vst v63  }
0x2e: {  	_ =	swait.ge @!p2 [sflag:s29], $0x1000  }
0x2f: {  	[sflag:s29] =	ssyncset.done @!p2 $0x0  }
0x30: {  	s28 =	simm.s32 @!p2 $0x15080;
	s25 =	rddreg [dreg:$0x4];
	[sflag:s29] =	ssyncadd.s32 @!p2 $0xFFFFF000  }
0x31: {  	[tilespmem:s28], [sflag:$0x3] =	stream.linear.gather @!p2 [hbm4b:s25+s26], $0x1000, $0x38;
	[tilespmem:$0x1E880] =	vst v63  }
0x32: {  	_ =	swait.ge @!p2 [sflag:s29], $0x1000  }
0x33: {  	p1 =	por $0x0, $0x0;
	s25 =	rddreg [dreg:$0x5]  }
0x34: {  	s25 =	simm.s32 @!p1 $0x2  }
0x35: {  	s25 =	sadd.s32 $0x0, s25  }
0x36: {  	s25 =	sshll.u32 s25, $0x9  }
0x37: {  	[sflag:s29] =	ssyncset.done @!p2 $0x0;
	s25 =	sshra.s32 s25, $0x2  }
0x38: {  	[sflag:s29] =	ssyncadd.s32 @!p2 $0xFFFFF000;
	s25 =	sadd.s32 $0x13880, s25  }
0x39: {  	[tilespmem:s18], [sflag:$0x1] =	stream.indirect.gather [hbm4b:s4+s17], $0x80, s25, s17, $0xb8;
	[tilespmem:$0x1E880] =	vst v63  }
0x3a: {  	_ =	swait.ge [sflag:s21], $0x4000  }
0x3b: {  	s25 =	rddreg [dreg:$0x6]  }
0x3c: {  	s25 =	simm.s32 @!p0 $0x1  }
0x3d: {  	s25 =	sadd.s32 $0x0, s25  }
0x3e: {  	s25 =	sshll.u32 s25, $0x9  }
0x3f: {  	[sflag:s21] =	ssyncset.done $0x0;
	s25 =	sshra.s32 s25, $0x2  }
0x40: {  	[sflag:s21] =	ssyncadd.s32 $0xFFFFC000;
	s25 =	sadd.s32 $0x15080, s25  }
0x41: {  	[spmem:s2] =	stream.indirect.scatter.add.f32 [tilespmem:s20], [sflag:$0x3], $0x80, s25, s17, $0xb8;
	[tilespmem:$0x1E880] =	vst v63  }
0x42: {  	_ =	swait.ge [sflag:s14], $0x4000  }
0x43: {  	s25 =	rddreg [dreg:$0x7]  }
0x44: {  	s25 =	simm.s32 @!p1 $0x3  }
0x45: {  	[sflag:s14] =	ssyncset.done $0x0;
	s31 =	sadd.s32 $0x0, s25  }
0x46: {  	s28 =	simm.s32 $0x100;
	[sflag:s14] =	ssyncadd.s32 $0xFFFFC000;
	s26 =	sshll.u32 s31, $0x9  }
0x47: {  	s25 =	simm.s32 $0x2;
	s29 =	sshra.s32 s26, $0x2;
	s26 =	simm.s32 $0x1  }
.LBB2_2:
0x48: {  	p1 =	sgt.u32 s26, $0x17;
	s31 =	sadd.s32 $0x13880, s29  }
0x49: {  	[tilespmem:s20], [sflag:$0x2] =	stream.indirect.gather [hbm4b:s4+s17], $0x80, s31, s17, $0xb8;
	[tilespmem:$0x1E880] =	vst v63  }
0x4a: {  	s30 =	sadd.s32 $0xFFFFE800, s28;
	s31 =	smov.u32 s28;
	_ =	swait.ge [sflag:s16], $0x4000  }
0x4b: {  	s31 =	smov.u32 @p1 s30;
	[sflag:s16] =	ssyncset.done $0x0  }
0x4c: {  	s29 =	smov.u32 s25;
	s30 =	sadd.s32 $0x15080, s31;
	[sflag:s16] =	ssyncadd.s32 $0xFFFFC000  }
0x4d: {  	[spmem:s2] =	stream.indirect.scatter.add.f32 [tilespmem:s18], [sflag:$0x3], $0x80, s30, s17, $0xb8;
	[tilespmem:$0x1E880] =	vst v63  }
0x4e: {  	p2 =	sne.s32 s29, $0x2A;
	_ =	swait.ge [sflag:s14], $0x4000  }
0x4f: {  	s0 =	simm.s32 @!p2 $0x13880;
	s1 =	simm.s32 @!p2 $0x3;
	[sflag:s14] =	ssyncset.done $0x0  }
0x50: {  	s31 =	simm.s32 @!p2 $0x0;
	s30 =	rddreg [dreg:$0x3];
	[sflag:s14] =	ssyncadd.s32 $0xFFFFC000  }
0x51: {  	[tilespmem:s0], [sflag:$0x3] =	stream.linear.gather @!p2 [hbm4b:s30+s31], $0x1000, $0x38;
	[tilespmem:$0x1E880] =	vst v63  }
0x52: {  	_ =	swait.ge @!p2 [sflag:s1], $0x1000  }
0x53: {  	[sflag:s1] =	ssyncset.done @!p2 $0x0  }
0x54: {  	s30 =	simm.s32 @!p2 $0x15080;
	s0 =	rddreg [dreg:$0x4];
	[sflag:s1] =	ssyncadd.s32 @!p2 $0xFFFFF000  }
0x55: {  	[tilespmem:s30], [sflag:$0x3] =	stream.linear.gather @!p2 [hbm4b:s0+s31], $0x1000, $0x38;
	[tilespmem:$0x1E880] =	vst v63  }
0x56: {  	_ =	swait.ge @!p2 [sflag:s1], $0x1000  }
0x57: {  	[sflag:s1] =	ssyncset.done @!p2 $0x0  }
0x58: {  	s0 =	rddreg [dreg:$0x5];
	[sflag:s1] =	ssyncadd.s32 @!p2 $0xFFFFF000;
	p2 =	sgt.u32 s26, $0x16  }
0x59: {  	s0 =	simm.s32 @!p2 $0x2  }
0x5a: {  	s0 =	sadd.s32 s29, s0  }
0x5b: {  	s0 =	sshll.u32 s0, $0x9  }
0x5c: {  	s0 =	sshra.s32 s0, $0x2  }
0x5d: {  	s0 =	sadd.s32 $0x13880, s0  }
0x5e: {  	[tilespmem:s18], [sflag:$0x1] =	stream.indirect.gather [hbm4b:s4+s17], $0x80, s0, s17, $0xb8;
	[tilespmem:$0x1E880] =	vst v63  }
0x5f: {  	_ =	swait.ge [sflag:s21], $0x4000  }
0x60: {  	s0 =	rddreg [dreg:$0x6]  }
0x61: {  	s0 =	simm.s32 @!p1 $0x1  }
0x62: {  	s0 =	sadd.s32 s0, s29  }
0x63: {  	s0 =	sshll.u32 s0, $0x9  }
0x64: {  	[sflag:s21] =	ssyncset.done $0x0;
	s0 =	sshra.s32 s0, $0x2  }
0x65: {  	s25 =	sadd.s32 $0x2, s25;
	[sflag:s21] =	ssyncadd.s32 $0xFFFFC000;
	s0 =	sadd.s32 $0x15080, s0  }
0x66: {  	[spmem:s2] =	stream.indirect.scatter.add.f32 [tilespmem:s20], [sflag:$0x3], $0x80, s0, s17, $0xb8;
	[tilespmem:$0x1E880] =	vst v63  }
0x67: {  	p0 =	sne.s32 s25, $0x4E;
	_ =	swait.ge [sflag:s14], $0x4000  }
.Ltmp0:
0x68: {  	s0 =	rddreg [dreg:$0x7];
	(pc) =	sbr.rel @p0 .LBB2_2-.Ltmp0, $4  }
0x69: {  	s0 =	simm.s32 @!p2 $0x3  }
0x6a: {  	s0 =	sadd.s32 s29, s0  }
0x6b: {  	s28 =	sadd.s32 $0x100, s28;
	[sflag:s14] =	ssyncset.done $0x0;
	s0 =	sshll.u32 s0, $0x9  }
0x6c: {  	s26 =	sadd.s32 $0x1, s26;
	[sflag:s14] =	ssyncadd.s32 $0xFFFFC000;
	s29 =	sshra.s32 s0, $0x2  }
0x6d: {  	s0 =	sadd.s32 $0x13880, s29  }
0x6e: {  	[tilespmem:s20], [sflag:$0x2] =	stream.indirect.gather [hbm4b:s4+s17], $0x80, s0, s17, $0xb8;
	[tilespmem:$0x1E880] =	vst v63  }
0x6f: {  	_ =	swait.ge [sflag:s16], $0x4000  }
0x70: {  	[sflag:s16] =	ssyncset.done $0x0  }
0x71: {  	[sflag:s16] =	ssyncadd.s32 $0xFFFFC000  }
0x72: {  	[spmem:s2] =	stream.indirect.scatter.add.f32 [tilespmem:s18], [sflag:$0x3], $0x80, s22, s17, $0xb8;
	[tilespmem:$0x1E880] =	vst v63  }
0x73: {  	_ =	swait.ge [sflag:s14], $0x4000  }
0x74: {  	[sflag:s14] =	ssyncset.done $0x0  }
0x75: {  	[sflag:s14] =	ssyncadd.s32 $0xFFFFC000  }
0x76: {  	_ =	swait.ge [sflag:s21], $0x4000  }
0x77: {  	[sflag:s21] =	ssyncset.done $0x0  }
0x78: {  	[sflag:s21] =	ssyncadd.s32 $0xFFFFC000  }
0x79: {  	[spmem:s2] =	stream.indirect.scatter.add.f32 [tilespmem:s20], [sflag:$0x3], $0x80, s23, s17, $0xb8;
	[tilespmem:$0x1E880] =	vst v63  }
0x7a: {  	_ =	swait.ge [sflag:s14], $0x4000  }
0x7b: {  	s24 =	sadd.s32 $0x1, s24;
	[sflag:s14] =	ssyncset.done $0x0  }
0x7c: {  	p0 =	sne.s32 s24, s11;
	[sflag:s14] =	ssyncadd.s32 $0xFFFFC000  }
.Ltmp1:
0x7d: {  	s31 =	sor.u32 $0x1C03, s6;
	[bflag:$0x0] =	sbarrier.arrive $0xFFFF;
	(pc) =	sbr.rel @p0 .LBB2_1-.Ltmp1, $4  }
0x7e: {  	[hbm:s10], [sflag:s31] =	dma.local [spmem:s12], $0x2780  }
0x7f: {  	_ =	swait.ge [sflag:s14], $0x2780  }
0x80: {  	[sflag:s14] =	ssyncset.done $0x0  }
0x81: {  	[sflag:s14] =	ssyncadd.s32 $0xFFFFD880  }
0x82: {  	_ =	sfence.sel $0x180000  }
0x83: {  	[bflag:$0x0] =	sbarrier.arrive $0xFFFF  }
0x84: {  	_ =	strace $0x90000050  }
0x85: {  	s0 =	stileid.u32;
	[bflag:$0x2] =	sbarrier.arrive $0xFFFF  }
0x86: {  	p0 =	sne.s32 s0, $0x0;
	s0 =	rddreg [dreg:$0x2]  }
0x87: {  	s0 =	sadd.s32 @!p0 $0x100000, s0  }
0x88: {  	[sflag:s0] =	ssyncadd.tile.s32 @!p0 $0x1;
	_ =	shalt  }
.Lfunc_end2:
_tile_overlayer_lowered:
.L_overlay_start_2:
0x89: {  	(tag) =	ssettag $0x2  }
0x8a: {  	s0 =	rddreg [dreg:$0x0];
	s2 =	stileid.u32  }
0x8b: {  	s1 =	rddreg [dreg:$0x1];
	p0 =	sne.s32 s2, $0x0  }
0x8c: {  	s3 =	rddreg [dreg:$0x2];
	[bflag:$0x3] =	sbarrier.arrive $0xFFFF;
	s2 =	simm.s32 @!p0 $0x1C03  }
0x8d: {  	[timem:s3], [sflag:s2] =	dma.local @!p0 [hbm:s0], s1  }
0x8e: {  	s0 =	simm.s32 @!p0 $0x3  }
0x8f: {  	_ =	swait.ge @!p0 [sflag:s0], s1  }
0x90: {  	s1 =	ssub.s32 @!p0 $0x0, s1;
	[sflag:s0] =	ssyncset.done @!p0 $0x0  }
0x91: {  	[sflag:s0] =	ssyncadd.s32 @!p0 s1  }
0x92: {  	[bflag:$0x3] =	sbarrier.arrive $0xFFFF  }
0x93: {  	_ =	shalt  }

</sc_bundles>
